<compile_context>
chip_gen: v7x
topology: tpu7x:2x2x1
jax: 0.10.2.dev20260603
libtpu: 0.0.44.dev20260713+nightly
codegen_flags: <defaults>
</compile_context>

<pallas_src>
import functools

import jax
import jax.numpy as jnp
from jax import lax
from jax.experimental import pallas as pl
from jax.experimental.pallas import tpu as pltpu
from jax.experimental.pallas import tpu_sc as plsc

N = 10000
E = 320000
D = 128
ED = 16

T_EDGE = 2048
T_NODE = 2048

_NC = 2
_NS = 16
_NW = _NC * _NS
_EPW = E // _NW
_NPT = N // _NS
_ROWS = E // 128


def _sc_mesh():
    return plsc.VectorSubcoreMesh(core_axis_name="c", subcore_axis_name="s")


def _sc_gather_body(spec_hbm, px_hbm, py_hbm, pz_hbm, i_hbm, j_hbm,
                    si_o, sj_o, dx_o, dy_o, dz_o,
                    sbuf, pxb, pyb, pzb, ibuf, jbuf,
                    sib, sjb, dxb, dyb, dzb):
    c = lax.axis_index("c")
    s = lax.axis_index("s")
    wid = s * _NC + c
    base = wid * _EPW
    pltpu.sync_copy(spec_hbm, sbuf)
    pltpu.sync_copy(px_hbm, pxb)
    pltpu.sync_copy(py_hbm, pyb)
    pltpu.sync_copy(pz_hbm, pzb)
    pltpu.sync_copy(i_hbm.at[pl.ds(base, _EPW)], ibuf)
    pltpu.sync_copy(j_hbm.at[pl.ds(base, _EPW)], jbuf)

    def body(k, carry):
        o = k * 16
        iv = ibuf[pl.ds(o, 16)]
        jv = jbuf[pl.ds(o, 16)]
        sib[pl.ds(o, 16)] = plsc.load_gather(sbuf, [iv])
        sjb[pl.ds(o, 16)] = plsc.load_gather(sbuf, [jv])
        dxb[pl.ds(o, 16)] = (plsc.load_gather(pxb, [jv])
                             - plsc.load_gather(pxb, [iv]))
        dyb[pl.ds(o, 16)] = (plsc.load_gather(pyb, [jv])
                             - plsc.load_gather(pyb, [iv]))
        dzb[pl.ds(o, 16)] = (plsc.load_gather(pzb, [jv])
                             - plsc.load_gather(pzb, [iv]))
        return carry

    lax.fori_loop(0, _EPW // 16, body, 0)
    pltpu.sync_copy(sib, si_o.at[pl.ds(base, _EPW)])
    pltpu.sync_copy(sjb, sj_o.at[pl.ds(base, _EPW)])
    pltpu.sync_copy(dxb, dx_o.at[pl.ds(base, _EPW)])
    pltpu.sync_copy(dyb, dy_o.at[pl.ds(base, _EPW)])
    pltpu.sync_copy(dzb, dz_o.at[pl.ds(base, _EPW)])


def _sc_gather(spec, px, py, pz, i, j):
    f32, i32 = jnp.float32, jnp.int32
    call = pl.kernel(
        _sc_gather_body,
        out_type=[jax.ShapeDtypeStruct((E,), f32),
                  jax.ShapeDtypeStruct((E,), f32),
                  jax.ShapeDtypeStruct((E,), f32),
                  jax.ShapeDtypeStruct((E,), f32),
                  jax.ShapeDtypeStruct((E,), f32)],
        mesh=_sc_mesh(),
        scratch_types=[
            pltpu.VMEM((N,), f32), pltpu.VMEM((N,), f32),
            pltpu.VMEM((N,), f32), pltpu.VMEM((N,), f32),
            pltpu.VMEM((_EPW,), i32), pltpu.VMEM((_EPW,), i32),
            pltpu.VMEM((_EPW,), f32), pltpu.VMEM((_EPW,), f32),
            pltpu.VMEM((_EPW,), f32), pltpu.VMEM((_EPW,), f32),
            pltpu.VMEM((_EPW,), f32),
        ],
        compiler_params=pltpu.CompilerParams(needs_layout_passes=False),
    )
    return call(spec, px, py, pz, i, j)


_NPAD = 10112
_RPT = _NPAD // _NS


def _sc_scatter_body(rows, j3d_hbm, ms_hbm, mx_hbm, my_hbm, mz_hbm,
                     is_hbm, ix_hbm, iy_hbm, iz_hbm,
                     os_hbm, ox_hbm, oy_hbm, oz_hbm,
                     acc, jr0, jr1, mr0, mr1, sem0, sem1, ssem0, ssem1):
    c = lax.axis_index("c")
    s = lax.axis_index("s")
    q, rem = divmod(rows, _NS)
    rbase = s * q + jnp.minimum(s, rem)
    rcount = q + (s < rem).astype(jnp.int32)
    abase = pl.multiple_of(s * _RPT, 8)

    for msg, init, out, owner in (
            (ms_hbm, is_hbm, os_hbm, 0), (mx_hbm, ix_hbm, ox_hbm, 0),
            (my_hbm, iy_hbm, oy_hbm, 1), (mz_hbm, iz_hbm, oz_hbm, 1)):
        @pl.when(c == owner)
        def _job(msg=msg, init=init, out=out):
            def issue(row, jr, mr, sem):
                ebase = pl.multiple_of(row * 128, 128)
                pltpu.async_copy(j3d_hbm.at[row, 0], jr, sem)
                pltpu.async_copy(msg.at[pl.ds(ebase, 128), :], mr, sem)

            def drain(jr, mr, sem):
                pltpu.make_async_copy(j3d_hbm.at[0, 0], jr, sem).wait()
                pltpu.make_async_copy(msg.at[pl.ds(0, 128), :], mr, sem).wait()

            pltpu.sync_copy(init.at[pl.ds(abase, _RPT), :],
                            acc.at[pl.ds(abase, _RPT), :])
            plsc.subcore_barrier()
            issue(rbase, jr0, mr0, sem0)

            def scwait(jr, mr, ssem):
                pltpu.make_async_copy(mr, acc.at[jr], ssem).wait()

            def step(r, jr_c, mr_c, sem_c, ssem_c, jr_n, mr_n, sem_n, ssem_n):
                drain(jr_c, mr_c, sem_c)

                @pl.when(r > 0)
                def _scw():
                    scwait(jr_n, mr_n, ssem_n)

                @pl.when(r + 1 < rcount)
                def _pref():
                    issue(rbase + r + 1, jr_n, mr_n, sem_n)

                pltpu.async_copy(mr_c, acc.at[jr_c], ssem_c, add=True)

            def body(r, carry):
                @pl.when(r % 2 == 0)
                def _even():
                    step(r, jr0, mr0, sem0, ssem0, jr1, mr1, sem1, ssem1)

                @pl.when(r % 2 == 1)
                def _odd():
                    step(r, jr1, mr1, sem1, ssem1, jr0, mr0, sem0, ssem0)

                return carry

            lax.fori_loop(0, rcount, body, 0)

            @pl.when(rcount % 2 == 1)
            def _last_even():
                scwait(jr0, mr0, ssem0)

            @pl.when(rcount % 2 == 0)
            def _last_odd():
                scwait(jr1, mr1, ssem1)

            plsc.subcore_barrier()
            pltpu.sync_copy(acc.at[pl.ds(abase, _RPT), :],
                            out.at[pl.ds(abase, _RPT), :])


def _sc_scatter(j3d, ms, mx, my, mz, inits):
    f32 = jnp.float32
    rows = j3d.shape[0]
    shp = jax.ShapeDtypeStruct((_NPAD, 128), f32)
    call = pl.kernel(
        functools.partial(_sc_scatter_body, rows),
        out_type=[shp, shp, shp, shp],
        mesh=_sc_mesh(),
        scratch_types=[
            pltpu.VMEM_SHARED((_NPAD, 128), f32),
            pltpu.VMEM((128,), jnp.int32),
            pltpu.VMEM((128,), jnp.int32),
            pltpu.VMEM((128, 128), f32),
            pltpu.VMEM((128, 128), f32),
            pltpu.SemaphoreType.DMA,
            pltpu.SemaphoreType.DMA,
            pltpu.SemaphoreType.DMA,
            pltpu.SemaphoreType.DMA,
        ],
        compiler_params=pltpu.CompilerParams(needs_layout_passes=False),
    )
    return call(j3d, ms, mx, my, mz, *inits)


def _edge_body(si_ref, sj_ref, dx_ref, dy_ref, dz_ref,
               Ea_ref, Ws1a_ref, Ws1b_ref, Ws1e_ref,
               Wv1a_ref, Wv1b_ref, Wv1e_ref,
               Ws2_ref, Wv2_ref,
               Wb1_ref, bb1_ref, Wb2_ref, bb2_ref,
               bs1_ref, bs2_ref, bv1_ref, bv2_ref,
               ea_ref, ms_ref, mx_ref, my_ref, mz_ref):
    T = T_EDGE
    stk = jnp.concatenate([si_ref[...], sj_ref[...], dx_ref[...],
                           dy_ref[...], dz_ref[...]], axis=0)
    t = jnp.transpose(stk)

    def col(k):
        return jnp.concatenate(
            [t[:, 16 * k + r:16 * k + r + 1] for r in range(16)], axis=0)

    si, sj, dx, dy, dz = col(0), col(1), col(2), col(3), col(4)
    lanes = jax.lax.broadcasted_iota(jnp.int32, (T, 128), 1).astype(jnp.float32)
    oi = (si == lanes).astype(jnp.float32)
    oj = (sj == lanes).astype(jnp.float32)

    Ea = Ea_ref[...]
    TA = jnp.concatenate([Ea @ Ws1a_ref[...], Ea @ Wv1a_ref[...], Ea], axis=1)
    TB = jnp.concatenate([Ea @ Ws1b_ref[...], Ea @ Wv1b_ref[...]], axis=1)

    gi = jnp.dot(oi, TA, preferred_element_type=jnp.float32)
    gj = jnp.dot(oj, TB, preferred_element_type=jnp.float32)

    elen = jnp.sqrt(dx * dx + dy * dy + dz * dz)

    a1 = jax.nn.silu(elen * Wb1_ref[...] + bb1_ref[...])
    ea = jnp.dot(a1, Wb2_ref[...], preferred_element_type=jnp.float32) + bb2_ref[...]

    We = jnp.concatenate([Ws1e_ref[...], Wv1e_ref[...]], axis=1)
    econ = jnp.dot(ea, We, preferred_element_type=jnp.float32)
    bias = jnp.concatenate([bs1_ref[...], bv1_ref[...]], axis=1)
    h = jax.nn.silu(gi[:, :256] + gj + econ + bias)

    fi = gi[:, 256:]
    ms = (jnp.dot(h[:, :128], Ws2_ref[...], preferred_element_type=jnp.float32)
          + bs2_ref[...]) * fi
    wv = (jnp.dot(h[:, 128:], Wv2_ref[...], preferred_element_type=jnp.float32)
          + bv2_ref[...])

    ea_ref[...] = ea
    ms_ref[...] = ms
    mx_ref[...] = wv * dx
    my_ref[...] = wv * dy
    mz_ref[...] = wv * dz


def _node_body(spec_ref, agg_ref, Ea_ref, Wh1a_ref, Wh1b_ref, Wh2_ref,
               bh1_ref, bh2_ref, h0_ref):
    T = T_NODE
    t = jnp.transpose(spec_ref[...])
    spec = jnp.concatenate([t[:, r:r + 1] for r in range(16)], axis=0)
    lanes = jax.lax.broadcasted_iota(jnp.int32, (T, 128), 1).astype(jnp.float32)
    o = (spec == lanes).astype(jnp.float32)
    fv = jnp.dot(o, Ea_ref[...], preferred_element_type=jnp.float32)
    pre = (jnp.dot(fv, Wh1a_ref[...], preferred_element_type=jnp.float32)
           + jnp.dot(agg_ref[...], Wh1b_ref[...], preferred_element_type=jnp.float32)
           + bh1_ref[...])
    h0_ref[...] = (jnp.dot(jax.nn.silu(pre), Wh2_ref[...],
                           preferred_element_type=jnp.float32) + bh2_ref[...])


def _full(shape):
    return pl.BlockSpec(shape, lambda i: (0,) * len(shape))


def _edge_call(si, sj, dx, dy, dz, Ea, Ws1a, Ws1b, Ws1e, Wv1a, Wv1b, Wv1e,
               Ws2, Wv2, Wb1, bb1, Wb2, bb2, bs1, bs2, bv1, bv2):
    T = T_EDGE
    ne = E
    grid = (pl.cdiv(ne, T),)
    eb = lambda w: pl.BlockSpec((T, w), lambda i: (i, 0))
    return pl.pallas_call(
        _edge_body,
        grid=grid,
        in_specs=[pl.BlockSpec((T // 128, 128), lambda i: (i, 0))] * 5 + [
            _full((128, 128)), _full((128, 128)), _full((128, 128)),
            _full((16, 128)),
            _full((128, 128)), _full((128, 128)), _full((16, 128)),
            _full((128, 128)), _full((128, 128)),
            _full((1, 16)), _full((1, 16)), _full((16, 16)), _full((1, 16)),
            _full((1, 128)), _full((1, 128)), _full((1, 128)), _full((1, 128)),
        ],
        out_specs=[eb(16), eb(128), eb(128), eb(128), eb(128)],
        out_shape=[
            jax.ShapeDtypeStruct((ne, 16), jnp.float32),
            jax.ShapeDtypeStruct((ne, 128), jnp.float32),
            jax.ShapeDtypeStruct((ne, 128), jnp.float32),
            jax.ShapeDtypeStruct((ne, 128), jnp.float32),
            jax.ShapeDtypeStruct((ne, 128), jnp.float32),
        ],
        compiler_params=pltpu.CompilerParams(
            dimension_semantics=("arbitrary",)),
    )(si, sj, dx, dy, dz, Ea, Ws1a, Ws1b, Ws1e, Wv1a, Wv1b, Wv1e,
      Ws2, Wv2, Wb1, bb1, Wb2, bb2, bs1, bs2, bv1, bv2)


def _node_call(spec, agg, Ea, Wh1a, Wh1b, Wh2, bh1, bh2, interpret=False):
    T = T_NODE
    nb = lambda w: pl.BlockSpec((T, w), lambda i: (i, 0))
    return pl.pallas_call(
        _node_body,
        grid=(pl.cdiv(N, T),),
        in_specs=[pl.BlockSpec((16, 128), lambda i: (i, 0)), nb(128),
                  _full((128, 128)), _full((128, 128)), _full((128, 128)),
                  _full((128, 128)), _full((1, 128)), _full((1, 128))],
        out_specs=nb(128),
        out_shape=jax.ShapeDtypeStruct((N, 128), jnp.float32),
        compiler_params=pltpu.CompilerParams(
            dimension_semantics=("arbitrary",)),
        interpret=interpret,
    )(spec, agg, Ea, Wh1a, Wh1b, Wh2, bh1, bh2)


def kernel(species, pos, edge_index, embed_atom, Wb1, bb1, Wb2, bb2,
           Ws1, bs1, Ws2, bs2, Wh1, bh1, Wh2, bh2, Wv1, bv1, Wv2, bv2):
    species = species.astype(jnp.int32)
    i = edge_index[0].astype(jnp.int32)
    j = edge_index[1].astype(jnp.int32)

    Ea = jnp.zeros((128, 128), jnp.float32).at[:100].set(embed_atom)
    Ws1a, Ws1b, Ws1e = Ws1[:128], Ws1[128:256], Ws1[256:272]
    Wv1a, Wv1b, Wv1e = Wv1[:128], Wv1[128:256], Wv1[256:272]
    Wh1a, Wh1b = Wh1[:128], Wh1[128:]
    r2 = lambda b: b.reshape(1, -1)

    px, py, pz = pos[:, 0], pos[:, 1], pos[:, 2]
    s_i, s_j, dx, dy, dz = _sc_gather(species.astype(jnp.float32),
                                      px, py, pz, i, j)
    s_i, s_j = s_i.reshape(_ROWS, 128), s_j.reshape(_ROWS, 128)
    dx, dy, dz = (dx.reshape(_ROWS, 128), dy.reshape(_ROWS, 128),
                  dz.reshape(_ROWS, 128))
    j3d = j.reshape(_ROWS, 1, 128)

    accs = [jnp.zeros((_NPAD, 128), jnp.float32)] * 4
    ea, ms, mx, my, mz = _edge_call(
        s_i, s_j, dx, dy, dz,
        Ea, Ws1a, Ws1b, Ws1e, Wv1a, Wv1b, Wv1e,
        Ws2, Wv2, r2(Wb1), r2(bb1), Wb2, r2(bb2),
        r2(bs1), r2(bs2), r2(bv1), r2(bv2))
    agg_s, aggx, aggy, aggz = _sc_scatter(j3d, ms, mx, my, mz, accs)
    agg_s, aggx, aggy, aggz = (a[:N] for a in (agg_s, aggx, aggy, aggz))

    spec_pad = jnp.zeros((5 * T_NODE,), jnp.float32).at[:N].set(
        species.astype(jnp.float32)).reshape(5 * T_NODE // 128, 128)
    h0 = _node_call(spec_pad, agg_s, Ea, Wh1a, Wh1b, Wh2,
                    r2(bh1), r2(bh2))
    v0 = jnp.stack([aggx, aggy, aggz], axis=-1)
    return (h0, v0, ea)

# --- scband reference (transcript-rebuilt; emitter-appended) ---
"""Pipeline reference for scband-encoder-16415365006047 (READ-ONLY COPY).

The authoritative reference and input builder live on the scoring server;
editing this copy changes nothing except your own understanding.
"""

import jax, jax.numpy as jnp
import numpy as np

N = 10000
E = 320000
D = 128
ED = 16
S = 100


def _lin(k, fan_in, fan_out):
    return jax.random.normal(k, (fan_in, fan_out), jnp.float32) / np.sqrt(fan_in)


def setup_inputs(seed: int = 0) -> dict:
    key = jax.random.key(seed)
    ks = jax.random.split(key, 16)
    species = jax.random.randint(ks[0], (N,), 0, S)
    pos = jax.random.normal(ks[1], (N, 3), jnp.float32)
    edge_index = jax.random.randint(ks[2], (2, E), 0, N)
    embed_atom = jax.random.normal(ks[3], (S, D), jnp.float32)
    return {
        "species": species,
        "pos": pos,
        "edge_index": edge_index,
        "embed_atom": embed_atom,
        "Wb1": _lin(ks[4], 1, ED), "bb1": jnp.zeros((ED,), jnp.float32),
        "Wb2": _lin(ks[5], ED, ED), "bb2": jnp.zeros((ED,), jnp.float32),
        "Ws1": _lin(ks[6], 2 * D + ED, D), "bs1": jnp.zeros((D,), jnp.float32),
        "Ws2": _lin(ks[7], D, D), "bs2": jnp.zeros((D,), jnp.float32),
        "Wh1": _lin(ks[8], 2 * D, D), "bh1": jnp.zeros((D,), jnp.float32),
        "Wh2": _lin(ks[9], D, D), "bh2": jnp.zeros((D,), jnp.float32),
        "Wv1": _lin(ks[10], 2 * D + ED, D), "bv1": jnp.zeros((D,), jnp.float32),
        "Wv2": _lin(ks[11], D, D), "bv2": jnp.zeros((D,), jnp.float32),
    }


def _mlp(x, W1, b1, W2, b2):
    return jax.nn.silu(x @ W1 + b1) @ W2 + b2


def reference(species, pos, edge_index, embed_atom,
              Wb1, bb1, Wb2, bb2,
              Ws1, bs1, Ws2, bs2,
              Wh1, bh1, Wh2, bh2,
              Wv1, bv1, Wv2, bv2):
    num_nodes = species.shape[0]
    i = edge_index[0]
    j = edge_index[1]
    edge_vec = pos[j] - pos[i]
    edge_len = jnp.linalg.norm(edge_vec, axis=1, keepdims=True)
    f = jnp.take(embed_atom, species, axis=0)
    edge_attr = _mlp(edge_len, Wb1, bb1, Wb2, bb2)
    fi = jnp.take(f, i, axis=0)
    fj = jnp.take(f, j, axis=0)
    e = jnp.concatenate([fi, fj, edge_attr], axis=-1)
    msg_s = _mlp(e, Ws1, bs1, Ws2, bs2) * fi
    agg_s = jax.ops.segment_sum(msg_s, j, num_segments=num_nodes)
    h0 = _mlp(jnp.concatenate([f, agg_s], axis=-1), Wh1, bh1, Wh2, bh2)
    msg_v = edge_vec[:, None, :] * _mlp(e, Wv1, bv1, Wv2, bv2)[:, :, None]
    v0 = jax.ops.segment_sum(msg_v, j, num_segments=num_nodes)
    return (h0, v0, edge_attr)

if __name__ == "__main__":
    import jax
    _d = setup_inputs()
    print(jax.jit(kernel)(*tuple(_d.values())))

</pallas_src>

<mosaic_0001>
#map = affine_map<(d0, d1) -> (0)>
module attributes {stable_mosaic.version = 14 : i64} {
  func.func @_sc_gather_body(%arg0: i32, %arg1: i32, %arg2: memref<10000xf32, #tpu.memory_space<hbm>>, %arg3: memref<10000xf32, #tpu.memory_space<hbm>>, %arg4: memref<10000xf32, #tpu.memory_space<hbm>>, %arg5: memref<10000xf32, #tpu.memory_space<hbm>>, %arg6: memref<320000xi32, #tpu.memory_space<hbm>>, %arg7: memref<320000xi32, #tpu.memory_space<hbm>>, %arg8: memref<320000xf32, #tpu.memory_space<hbm>>, %arg9: memref<320000xf32, #tpu.memory_space<hbm>>, %arg10: memref<320000xf32, #tpu.memory_space<hbm>>, %arg11: memref<320000xf32, #tpu.memory_space<hbm>>, %arg12: memref<320000xf32, #tpu.memory_space<hbm>>, %arg13: memref<10000xf32, #tpu.memory_space<vmem>>, %arg14: memref<10000xf32, #tpu.memory_space<vmem>>, %arg15: memref<10000xf32, #tpu.memory_space<vmem>>, %arg16: memref<10000xf32, #tpu.memory_space<vmem>>, %arg17: memref<10000xi32, #tpu.memory_space<vmem>>, %arg18: memref<10000xi32, #tpu.memory_space<vmem>>, %arg19: memref<10000xf32, #tpu.memory_space<vmem>>, %arg20: memref<10000xf32, #tpu.memory_space<vmem>>, %arg21: memref<10000xf32, #tpu.memory_space<vmem>>, %arg22: memref<10000xf32, #tpu.memory_space<vmem>>, %arg23: memref<10000xf32, #tpu.memory_space<vmem>>) attributes {dimension_semantics = [#tpu.dimension_semantics<core_parallel>, #tpu.dimension_semantics<subcore_parallel>], iteration_bounds = array<i64: 2, 16>, scalar_prefetch = 0 : i64, scratch_operands = 11 : i64, tpu.core_type = #tpu.core_type<sc_vector_subcore>, window_params = [{transform_indices = #map}, {transform_indices = #map}, {transform_indices = #map}, {transform_indices = #map}, {transform_indices = #map}, {transform_indices = #map}, {transform_indices = #map}, {transform_indices = #map}, {transform_indices = #map}, {transform_indices = #map}, {transform_indices = #map}]} {
    %mul3A = arith.constant 2 : i32
    %mul3A_0 = arith.muli %arg1, %mul3A : i32
    %add3A = arith.addi %mul3A_0, %arg0 : i32
    %mul3A_1 = arith.constant 10000 : i32
    %mul3A_2 = arith.muli %add3A, %mul3A_1 : i32
    "tpu.region"() ({
      %run_scoped3A = tpu.sem_alloc : memref<!tpu.dma_semaphore, #tpu.memory_space<semaphore_mem>>
      tpu.enqueue_dma source(%arg2 : memref<10000xf32, #tpu.memory_space<hbm>>) target(%arg13 : memref<10000xf32, #tpu.memory_space<vmem>>) target_semaphore(%run_scoped3A : memref<!tpu.dma_semaphore, #tpu.memory_space<semaphore_mem>>)
      tpu.wait_dma2 semaphore(%run_scoped3A : memref<!tpu.dma_semaphore, #tpu.memory_space<semaphore_mem>>) src(%arg2 : memref<10000xf32, #tpu.memory_space<hbm>>) dst(%arg13 : memref<10000xf32, #tpu.memory_space<vmem>>)
      tpu.yield
    }) : () -> ()
    "tpu.region"() ({
      %run_scoped3A = tpu.sem_alloc : memref<!tpu.dma_semaphore, #tpu.memory_space<semaphore_mem>>
      tpu.enqueue_dma source(%arg3 : memref<10000xf32, #tpu.memory_space<hbm>>) target(%arg14 : memref<10000xf32, #tpu.memory_space<vmem>>) target_semaphore(%run_scoped3A : memref<!tpu.dma_semaphore, #tpu.memory_space<semaphore_mem>>)
      tpu.wait_dma2 semaphore(%run_scoped3A : memref<!tpu.dma_semaphore, #tpu.memory_space<semaphore_mem>>) src(%arg3 : memref<10000xf32, #tpu.memory_space<hbm>>) dst(%arg14 : memref<10000xf32, #tpu.memory_space<vmem>>)
      tpu.yield
    }) : () -> ()
    "tpu.region"() ({
      %run_scoped3A = tpu.sem_alloc : memref<!tpu.dma_semaphore, #tpu.memory_space<semaphore_mem>>
      tpu.enqueue_dma source(%arg4 : memref<10000xf32, #tpu.memory_space<hbm>>) target(%arg15 : memref<10000xf32, #tpu.memory_space<vmem>>) target_semaphore(%run_scoped3A : memref<!tpu.dma_semaphore, #tpu.memory_space<semaphore_mem>>)
      tpu.wait_dma2 semaphore(%run_scoped3A : memref<!tpu.dma_semaphore, #tpu.memory_space<semaphore_mem>>) src(%arg4 : memref<10000xf32, #tpu.memory_space<hbm>>) dst(%arg15 : memref<10000xf32, #tpu.memory_space<vmem>>)
      tpu.yield
    }) : () -> ()
    "tpu.region"() ({
      %run_scoped3A = tpu.sem_alloc : memref<!tpu.dma_semaphore, #tpu.memory_space<semaphore_mem>>
      tpu.enqueue_dma source(%arg5 : memref<10000xf32, #tpu.memory_space<hbm>>) target(%arg16 : memref<10000xf32, #tpu.memory_space<vmem>>) target_semaphore(%run_scoped3A : memref<!tpu.dma_semaphore, #tpu.memory_space<semaphore_mem>>)
      tpu.wait_dma2 semaphore(%run_scoped3A : memref<!tpu.dma_semaphore, #tpu.memory_space<semaphore_mem>>) src(%arg5 : memref<10000xf32, #tpu.memory_space<hbm>>) dst(%arg16 : memref<10000xf32, #tpu.memory_space<vmem>>)
      tpu.yield
    }) : () -> ()
    "tpu.region"() ({
      %run_scoped3A = tpu.sem_alloc : memref<!tpu.dma_semaphore, #tpu.memory_space<semaphore_mem>>
      %dma_start3A = tpu.memref_slice %arg6[%mul3A_2] : memref<320000xi32, #tpu.memory_space<hbm>> -> memref<10000xi32, #tpu.memory_space<hbm>>
      %dma_start3A_8 = tpu.memref_slice %arg6[%mul3A_2] : memref<320000xi32, #tpu.memory_space<hbm>> -> memref<10000xi32, #tpu.memory_space<hbm>>
      tpu.enqueue_dma source(%dma_start3A_8 : memref<10000xi32, #tpu.memory_space<hbm>>) target(%arg17 : memref<10000xi32, #tpu.memory_space<vmem>>) target_semaphore(%run_scoped3A : memref<!tpu.dma_semaphore, #tpu.memory_space<semaphore_mem>>)
      %dma_wait3A = tpu.memref_slice %arg6[%mul3A_2] : memref<320000xi32, #tpu.memory_space<hbm>> -> memref<10000xi32, #tpu.memory_space<hbm>>
      %dma_wait3A_9 = tpu.memref_slice %arg6[%mul3A_2] : memref<320000xi32, #tpu.memory_space<hbm>> -> memref<10000xi32, #tpu.memory_space<hbm>>
      tpu.wait_dma2 semaphore(%run_scoped3A : memref<!tpu.dma_semaphore, #tpu.memory_space<semaphore_mem>>) src(%dma_wait3A_9 : memref<10000xi32, #tpu.memory_space<hbm>>) dst(%arg17 : memref<10000xi32, #tpu.memory_space<vmem>>)
      tpu.yield
    }) : () -> ()
    "tpu.region"() ({
      %run_scoped3A = tpu.sem_alloc : memref<!tpu.dma_semaphore, #tpu.memory_space<semaphore_mem>>
      %dma_start3A = tpu.memref_slice %arg7[%mul3A_2] : memref<320000xi32, #tpu.memory_space<hbm>> -> memref<10000xi32, #tpu.memory_space<hbm>>
      %dma_start3A_8 = tpu.memref_slice %arg7[%mul3A_2] : memref<320000xi32, #tpu.memory_space<hbm>> -> memref<10000xi32, #tpu.memory_space<hbm>>
      tpu.enqueue_dma source(%dma_start3A_8 : memref<10000xi32, #tpu.memory_space<hbm>>) target(%arg18 : memref<10000xi32, #tpu.memory_space<vmem>>) target_semaphore(%run_scoped3A : memref<!tpu.dma_semaphore, #tpu.memory_space<semaphore_mem>>)
      %dma_wait3A = tpu.memref_slice %arg7[%mul3A_2] : memref<320000xi32, #tpu.memory_space<hbm>> -> memref<10000xi32, #tpu.memory_space<hbm>>
      %dma_wait3A_9 = tpu.memref_slice %arg7[%mul3A_2] : memref<320000xi32, #tpu.memory_space<hbm>> -> memref<10000xi32, #tpu.memory_space<hbm>>
      tpu.wait_dma2 semaphore(%run_scoped3A : memref<!tpu.dma_semaphore, #tpu.memory_space<semaphore_mem>>) src(%dma_wait3A_9 : memref<10000xi32, #tpu.memory_space<hbm>>) dst(%arg18 : memref<10000xi32, #tpu.memory_space<vmem>>)
      tpu.yield
    }) : () -> ()
    %scan3A = arith.constant 0 : i32
    %scan3A_3 = arith.constant 0 : i32
    %scan3A_4 = arith.constant 625 : i32
    %scan3A_5 = arith.addi %scan3A_3, %scan3A_4 : i32
    %scan3A_6 = arith.constant 1 : i32
    scf.for %scan3A_8 = %scan3A_3 to %scan3A_5 step %scan3A_6  : i32 {
      %mul3A_9 = arith.constant 16 : i32
      %mul3A_10 = arith.muli %scan3A_8, %mul3A_9 : i32
      %get3A = arith.index_cast %mul3A_10 : i32 to index
      %get3A_11 = tpu.vector_load %arg17[%get3A] {strides = array<i32>} : memref<10000xi32, #tpu.memory_space<vmem>>, vector<16xi32>,
      %get3A_12 = arith.index_cast %mul3A_10 : i32 to index
      %get3A_13 = tpu.vector_load %arg18[%get3A_12] {strides = array<i32>} : memref<10000xi32, #tpu.memory_space<vmem>>, vector<16xi32>,
      %gather3A = tpu.vector_load_idx %arg13[%get3A_11] : memref<10000xf32, #tpu.memory_space<vmem>>[vector<16xi32>], vector<16xf32>,
      %swap3A = arith.index_cast %mul3A_10 : i32 to index
      %swap3A_14 = tpu.vector_load %arg19[%swap3A] {strides = array<i32>} : memref<10000xf32, #tpu.memory_space<vmem>>, vector<16xf32>,
      tpu.vector_store %arg19[%swap3A], %gather3A {strides = array<i32>} : memref<10000xf32, #tpu.memory_space<vmem>>, vector<16xf32>,
      %gather3A_15 = tpu.vector_load_idx %arg13[%get3A_13] : memref<10000xf32, #tpu.memory_space<vmem>>[vector<16xi32>], vector<16xf32>,
      %swap3A_16 = arith.index_cast %mul3A_10 : i32 to index
      %swap3A_17 = tpu.vector_load %arg20[%swap3A_16] {strides = array<i32>} : memref<10000xf32, #tpu.memory_space<vmem>>, vector<16xf32>,
      tpu.vector_store %arg20[%swap3A_16], %gather3A_15 {strides = array<i32>} : memref<10000xf32, #tpu.memory_space<vmem>>, vector<16xf32>,
      %gather3A_18 = tpu.vector_load_idx %arg14[%get3A_13] : memref<10000xf32, #tpu.memory_space<vmem>>[vector<16xi32>], vector<16xf32>,
      %gather3A_19 = tpu.vector_load_idx %arg14[%get3A_11] : memref<10000xf32, #tpu.memory_space<vmem>>[vector<16xi32>], vector<16xf32>,
      %sub3A = arith.subf %gather3A_18, %gather3A_19 : vector<16xf32>
      %swap3A_20 = arith.index_cast %mul3A_10 : i32 to index
      %swap3A_21 = tpu.vector_load %arg21[%swap3A_20] {strides = array<i32>} : memref<10000xf32, #tpu.memory_space<vmem>>, vector<16xf32>,
      tpu.vector_store %arg21[%swap3A_20], %sub3A {strides = array<i32>} : memref<10000xf32, #tpu.memory_space<vmem>>, vector<16xf32>,
      %gather3A_22 = tpu.vector_load_idx %arg15[%get3A_13] : memref<10000xf32, #tpu.memory_space<vmem>>[vector<16xi32>], vector<16xf32>,
      %gather3A_23 = tpu.vector_load_idx %arg15[%get3A_11] : memref<10000xf32, #tpu.memory_space<vmem>>[vector<16xi32>], vector<16xf32>,
      %sub3A_24 = arith.subf %gather3A_22, %gather3A_23 : vector<16xf32>
      %swap3A_25 = arith.index_cast %mul3A_10 : i32 to index
      %swap3A_26 = tpu.vector_load %arg22[%swap3A_25] {strides = array<i32>} : memref<10000xf32, #tpu.memory_space<vmem>>, vector<16xf32>,
      tpu.vector_store %arg22[%swap3A_25], %sub3A_24 {strides = array<i32>} : memref<10000xf32, #tpu.memory_space<vmem>>, vector<16xf32>,
      %gather3A_27 = tpu.vector_load_idx %arg16[%get3A_13] : memref<10000xf32, #tpu.memory_space<vmem>>[vector<16xi32>], vector<16xf32>,
      %gather3A_28 = tpu.vector_load_idx %arg16[%get3A_11] : memref<10000xf32, #tpu.memory_space<vmem>>[vector<16xi32>], vector<16xf32>,
      %sub3A_29 = arith.subf %gather3A_27, %gather3A_28 : vector<16xf32>
      %swap3A_30 = arith.index_cast %mul3A_10 : i32 to index
      %swap3A_31 = tpu.vector_load %arg23[%swap3A_30] {strides = array<i32>} : memref<10000xf32, #tpu.memory_space<vmem>>, vector<16xf32>,
      tpu.vector_store %arg23[%swap3A_30], %sub3A_29 {strides = array<i32>} : memref<10000xf32, #tpu.memory_space<vmem>>, vector<16xf32>,
    }
    %scan3A_7 = arith.constant 625 : i32
    "tpu.region"() ({
      %run_scoped3A = tpu.sem_alloc : memref<!tpu.dma_semaphore, #tpu.memory_space<semaphore_mem>>
      %dma_start3A = tpu.memref_slice %arg8[%mul3A_2] : memref<320000xf32, #tpu.memory_space<hbm>> -> memref<10000xf32, #tpu.memory_space<hbm>>
      %dma_start3A_8 = tpu.memref_slice %arg8[%mul3A_2] : memref<320000xf32, #tpu.memory_space<hbm>> -> memref<10000xf32, #tpu.memory_space<hbm>>
      tpu.enqueue_dma source(%arg19 : memref<10000xf32, #tpu.memory_space<vmem>>) target(%dma_start3A_8 : memref<10000xf32, #tpu.memory_space<hbm>>) target_semaphore(%run_scoped3A : memref<!tpu.dma_semaphore, #tpu.memory_space<semaphore_mem>>)
      %dma_wait3A = tpu.memref_slice %arg8[%mul3A_2] : memref<320000xf32, #tpu.memory_space<hbm>> -> memref<10000xf32, #tpu.memory_space<hbm>>
      %dma_wait3A_9 = tpu.memref_slice %arg8[%mul3A_2] : memref<320000xf32, #tpu.memory_space<hbm>> -> memref<10000xf32, #tpu.memory_space<hbm>>
      tpu.wait_dma2 semaphore(%run_scoped3A : memref<!tpu.dma_semaphore, #tpu.memory_space<semaphore_mem>>) src(%arg19 : memref<10000xf32, #tpu.memory_space<vmem>>) dst(%dma_wait3A_9 : memref<10000xf32, #tpu.memory_space<hbm>>)
      tpu.yield
    }) : () -> ()
    "tpu.region"() ({
      %run_scoped3A = tpu.sem_alloc : memref<!tpu.dma_semaphore, #tpu.memory_space<semaphore_mem>>
      %dma_start3A = tpu.memref_slice %arg9[%mul3A_2] : memref<320000xf32, #tpu.memory_space<hbm>> -> memref<10000xf32, #tpu.memory_space<hbm>>
      %dma_start3A_8 = tpu.memref_slice %arg9[%mul3A_2] : memref<320000xf32, #tpu.memory_space<hbm>> -> memref<10000xf32, #tpu.memory_space<hbm>>
      tpu.enqueue_dma source(%arg20 : memref<10000xf32, #tpu.memory_space<vmem>>) target(%dma_start3A_8 : memref<10000xf32, #tpu.memory_space<hbm>>) target_semaphore(%run_scoped3A : memref<!tpu.dma_semaphore, #tpu.memory_space<semaphore_mem>>)
      %dma_wait3A = tpu.memref_slice %arg9[%mul3A_2] : memref<320000xf32, #tpu.memory_space<hbm>> -> memref<10000xf32, #tpu.memory_space<hbm>>
      %dma_wait3A_9 = tpu.memref_slice %arg9[%mul3A_2] : memref<320000xf32, #tpu.memory_space<hbm>> -> memref<10000xf32, #tpu.memory_space<hbm>>
      tpu.wait_dma2 semaphore(%run_scoped3A : memref<!tpu.dma_semaphore, #tpu.memory_space<semaphore_mem>>) src(%arg20 : memref<10000xf32, #tpu.memory_space<vmem>>) dst(%dma_wait3A_9 : memref<10000xf32, #tpu.memory_space<hbm>>)
      tpu.yield
    }) : () -> ()
    "tpu.region"() ({
      %run_scoped3A = tpu.sem_alloc : memref<!tpu.dma_semaphore, #tpu.memory_space<semaphore_mem>>
      %dma_start3A = tpu.memref_slice %arg10[%mul3A_2] : memref<320000xf32, #tpu.memory_space<hbm>> -> memref<10000xf32, #tpu.memory_space<hbm>>
      %dma_start3A_8 = tpu.memref_slice %arg10[%mul3A_2] : memref<320000xf32, #tpu.memory_space<hbm>> -> memref<10000xf32, #tpu.memory_space<hbm>>
      tpu.enqueue_dma source(%arg21 : memref<10000xf32, #tpu.memory_space<vmem>>) target(%dma_start3A_8 : memref<10000xf32, #tpu.memory_space<hbm>>) target_semaphore(%run_scoped3A : memref<!tpu.dma_semaphore, #tpu.memory_space<semaphore_mem>>)
      %dma_wait3A = tpu.memref_slice %arg10[%mul3A_2] : memref<320000xf32, #tpu.memory_space<hbm>> -> memref<10000xf32, #tpu.memory_space<hbm>>
      %dma_wait3A_9 = tpu.memref_slice %arg10[%mul3A_2] : memref<320000xf32, #tpu.memory_space<hbm>> -> memref<10000xf32, #tpu.memory_space<hbm>>
      tpu.wait_dma2 semaphore(%run_scoped3A : memref<!tpu.dma_semaphore, #tpu.memory_space<semaphore_mem>>) src(%arg21 : memref<10000xf32, #tpu.memory_space<vmem>>) dst(%dma_wait3A_9 : memref<10000xf32, #tpu.memory_space<hbm>>)
      tpu.yield
    }) : () -> ()
    "tpu.region"() ({
      %run_scoped3A = tpu.sem_alloc : memref<!tpu.dma_semaphore, #tpu.memory_space<semaphore_mem>>
      %dma_start3A = tpu.memref_slice %arg11[%mul3A_2] : memref<320000xf32, #tpu.memory_space<hbm>> -> memref<10000xf32, #tpu.memory_space<hbm>>
      %dma_start3A_8 = tpu.memref_slice %arg11[%mul3A_2] : memref<320000xf32, #tpu.memory_space<hbm>> -> memref<10000xf32, #tpu.memory_space<hbm>>
      tpu.enqueue_dma source(%arg22 : memref<10000xf32, #tpu.memory_space<vmem>>) target(%dma_start3A_8 : memref<10000xf32, #tpu.memory_space<hbm>>) target_semaphore(%run_scoped3A : memref<!tpu.dma_semaphore, #tpu.memory_space<semaphore_mem>>)
      %dma_wait3A = tpu.memref_slice %arg11[%mul3A_2] : memref<320000xf32, #tpu.memory_space<hbm>> -> memref<10000xf32, #tpu.memory_space<hbm>>
      %dma_wait3A_9 = tpu.memref_slice %arg11[%mul3A_2] : memref<320000xf32, #tpu.memory_space<hbm>> -> memref<10000xf32, #tpu.memory_space<hbm>>
      tpu.wait_dma2 semaphore(%run_scoped3A : memref<!tpu.dma_semaphore, #tpu.memory_space<semaphore_mem>>) src(%arg22 : memref<10000xf32, #tpu.memory_space<vmem>>) dst(%dma_wait3A_9 : memref<10000xf32, #tpu.memory_space<hbm>>)
      tpu.yield
    }) : () -> ()
    "tpu.region"() ({
      %run_scoped3A = tpu.sem_alloc : memref<!tpu.dma_semaphore, #tpu.memory_space<semaphore_mem>>
      %dma_start3A = tpu.memref_slice %arg12[%mul3A_2] : memref<320000xf32, #tpu.memory_space<hbm>> -> memref<10000xf32, #tpu.memory_space<hbm>>
      %dma_start3A_8 = tpu.memref_slice %arg12[%mul3A_2] : memref<320000xf32, #tpu.memory_space<hbm>> -> memref<10000xf32, #tpu.memory_space<hbm>>
      tpu.enqueue_dma source(%arg23 : memref<10000xf32, #tpu.memory_space<vmem>>) target(%dma_start3A_8 : memref<10000xf32, #tpu.memory_space<hbm>>) target_semaphore(%run_scoped3A : memref<!tpu.dma_semaphore, #tpu.memory_space<semaphore_mem>>)
      %dma_wait3A = tpu.memref_slice %arg12[%mul3A_2] : memref<320000xf32, #tpu.memory_space<hbm>> -> memref<10000xf32, #tpu.memory_space<hbm>>
      %dma_wait3A_9 = tpu.memref_slice %arg12[%mul3A_2] : memref<320000xf32, #tpu.memory_space<hbm>> -> memref<10000xf32, #tpu.memory_space<hbm>>
      tpu.wait_dma2 semaphore(%run_scoped3A : memref<!tpu.dma_semaphore, #tpu.memory_space<semaphore_mem>>) src(%arg23 : memref<10000xf32, #tpu.memory_space<vmem>>) dst(%dma_wait3A_9 : memref<10000xf32, #tpu.memory_space<hbm>>)
      tpu.yield
    }) : () -> ()
    return
  }
}

#map = affine_map<(d0, d1) -> (0, 0, 0)>
#map1 = affine_map<(d0, d1) -> (0, 0)>
module attributes {stable_mosaic.version = 14 : i64} {
  func.func @_sc_scatter_body(%arg0: i32, %arg1: i32, %arg2: memref<2500x1x128xi32, #tpu.memory_space<hbm>>, %arg3: memref<320000x128xf32, #tpu.memory_space<hbm>>, %arg4: memref<320000x128xf32, #tpu.memory_space<hbm>>, %arg5: memref<320000x128xf32, #tpu.memory_space<hbm>>, %arg6: memref<320000x128xf32, #tpu.memory_space<hbm>>, %arg7: memref<10112x128xf32, #tpu.memory_space<hbm>>, %arg8: memref<10112x128xf32, #tpu.memory_space<hbm>>, %arg9: memref<10112x128xf32, #tpu.memory_space<hbm>>, %arg10: memref<10112x128xf32, #tpu.memory_space<hbm>>, %arg11: memref<10112x128xf32, #tpu.memory_space<hbm>>, %arg12: memref<10112x128xf32, #tpu.memory_space<hbm>>, %arg13: memref<10112x128xf32, #tpu.memory_space<hbm>>, %arg14: memref<10112x128xf32, #tpu.memory_space<hbm>>, %arg15: memref<10112x128xf32, #tpu.memory_space<vmem_shared>>, %arg16: memref<128xi32, #tpu.memory_space<vmem>>, %arg17: memref<128xi32, #tpu.memory_space<vmem>>, %arg18: memref<128x128xf32, #tpu.memory_space<vmem>>, %arg19: memref<128x128xf32, #tpu.memory_space<vmem>>, %arg20: memref<!tpu.dma_semaphore, #tpu.memory_space<semaphore_mem>>, %arg21: memref<!tpu.dma_semaphore, #tpu.memory_space<semaphore_mem>>, %arg22: memref<!tpu.dma_semaphore, #tpu.memory_space<semaphore_mem>>, %arg23: memref<!tpu.dma_semaphore, #tpu.memory_space<semaphore_mem>>) attributes {dimension_semantics = [#tpu.dimension_semantics<core_parallel>, #tpu.dimension_semantics<subcore_parallel>], iteration_bounds = array<i64: 2, 16>, scalar_prefetch = 0 : i64, scratch_operands = 9 : i64, tpu.core_type = #tpu.core_type<sc_vector_subcore>, window_params = [{transform_indices = #map}, {transform_indices = #map1}, {transform_indices = #map1}, {transform_indices = #map1}, {transform_indices = #map1}, {transform_indices = #map1}, {transform_indices = #map1}, {transform_indices = #map1}, {transform_indices = #map1}, {transform_indices = #map1}, {transform_indices = #map1}, {transform_indices = #map1}, {transform_indices = #map1}]} {
    %mul3A = arith.constant 156 : i32
    %mul3A_0 = arith.muli %arg1, %mul3A : i32
    %min3A = arith.constant 4 : i32
    %min3A_1 = arith.minsi %arg1, %min3A : i32
    %add3A = arith.addi %mul3A_0, %min3A_1 : i32
    %lt3A = arith.constant 4 : i32
    %lt3A_2 = arith.cmpi slt, %arg1, %lt3A : i32
    %convert_element_type3A = arith.extui %lt3A_2 : i1 to i32
    %add3A_3 = arith.constant 156 : i32
    %add3A_4 = arith.addi %add3A_3, %convert_element_type3A : i32
    %mul3A_5 = arith.constant 632 : i32
    %mul3A_6 = arith.muli %arg1, %mul3A_5 : i32
    %multiple_of3A = tpu.assume_multiple %mul3A_6, 8 : i32
    %eq3A = arith.constant 0 : i32
    %eq3A_7 = arith.cmpi eq, %arg0, %eq3A : i32
    %convert_element_type3A_8 = arith.extui %eq3A_7 : i1 to i32
    %cond3A = arith.constant 0 : i32
    %cond3A_9 = arith.cmpi ne, %convert_element_type3A_8, %cond3A : i32
    scf.if %cond3A_9 {
      "tpu.region"() ({
        %run_scoped3A = tpu.sem_alloc : memref<!tpu.dma_semaphore, #tpu.memory_space<semaphore_mem>>
        %dma_start3A_85 = arith.constant 0 : i32
        %dma_start3A_86 = tpu.memref_slice %arg15[%multiple_of3A, %dma_start3A_85] : memref<10112x128xf32, #tpu.memory_space<vmem_shared>> -> memref<632x128xf32, #tpu.memory_space<vmem_shared>>
        %dma_start3A_87 = arith.constant 0 : i32
        %dma_start3A_88 = tpu.memref_slice %arg7[%multiple_of3A, %dma_start3A_87] : memref<10112x128xf32, #tpu.memory_space<hbm>> -> memref<632x128xf32, #tpu.memory_space<hbm>>
        tpu.enqueue_dma source(%dma_start3A_88 : memref<632x128xf32, #tpu.memory_space<hbm>>) target(%dma_start3A_86 : memref<632x128xf32, #tpu.memory_space<vmem_shared>>) target_semaphore(%run_scoped3A : memref<!tpu.dma_semaphore, #tpu.memory_space<semaphore_mem>>)
        %dma_wait3A = arith.constant 0 : i32
        %dma_wait3A_89 = tpu.memref_slice %arg15[%multiple_of3A, %dma_wait3A] : memref<10112x128xf32, #tpu.memory_space<vmem_shared>> -> memref<632x128xf32, #tpu.memory_space<vmem_shared>>
        %dma_wait3A_90 = arith.constant 0 : i32
        %dma_wait3A_91 = tpu.memref_slice %arg7[%multiple_of3A, %dma_wait3A_90] : memref<10112x128xf32, #tpu.memory_space<hbm>> -> memref<632x128xf32, #tpu.memory_space<hbm>>
        tpu.wait_dma2 semaphore(%run_scoped3A : memref<!tpu.dma_semaphore, #tpu.memory_space<semaphore_mem>>) src(%dma_wait3A_91 : memref<632x128xf32, #tpu.memory_space<hbm>>) dst(%dma_wait3A_89 : memref<632x128xf32, #tpu.memory_space<vmem_shared>>)
        tpu.yield
      }) : () -> ()
      %barrier3A = arith.constant 0 : index
      tpu.barrier barrier_id(%barrier3A)
      %mul3A_25 = arith.constant 128 : i32
      %mul3A_26 = arith.muli %add3A, %mul3A_25 : i32
      %multiple_of3A_27 = tpu.assume_multiple %mul3A_26, 128 : i32
      %dma_start3A = arith.constant 0 : i32
      %dma_start3A_28 = arith.constant 0 : i32
      %dma_start3A_29 = tpu.memref_slice %arg2[%add3A, %dma_start3A, %dma_start3A_28] : memref<2500x1x128xi32, #tpu.memory_space<hbm>> -> memref<1x1x128xi32, #tpu.memory_space<hbm>>
      %dma_start3A_30 = tpu.memref_squeeze %dma_start3A_29 : memref<1x1x128xi32, #tpu.memory_space<hbm>> -> memref<128xi32, #tpu.memory_space<hbm>>
      %dma_start3A_31 = arith.constant 0 : i32
      %dma_start3A_32 = tpu.memref_slice %arg2[%add3A, %dma_start3A, %dma_start3A_31] : memref<2500x1x128xi32, #tpu.memory_space<hbm>> -> memref<1x1x128xi32, #tpu.memory_space<hbm>>
      %dma_start3A_33 = tpu.memref_squeeze %dma_start3A_32 : memref<1x1x128xi32, #tpu.memory_space<hbm>> -> memref<128xi32, #tpu.memory_space<hbm>>
      tpu.enqueue_dma source(%dma_start3A_33 : memref<128xi32, #tpu.memory_space<hbm>>) target(%arg16 : memref<128xi32, #tpu.memory_space<vmem>>) target_semaphore(%arg20 : memref<!tpu.dma_semaphore, #tpu.memory_space<semaphore_mem>>)
      %dma_start3A_34 = arith.constant 0 : i32
      %dma_start3A_35 = tpu.memref_slice %arg3[%multiple_of3A_27, %dma_start3A_34] : memref<320000x128xf32, #tpu.memory_space<hbm>> -> memref<128x128xf32, #tpu.memory_space<hbm>>
      %dma_start3A_36 = arith.constant 0 : i32
      %dma_start3A_37 = tpu.memref_slice %arg3[%multiple_of3A_27, %dma_start3A_36] : memref<320000x128xf32, #tpu.memory_space<hbm>> -> memref<128x128xf32, #tpu.memory_space<hbm>>
      tpu.enqueue_dma source(%dma_start3A_37 : memref<128x128xf32, #tpu.memory_space<hbm>>) target(%arg18 : memref<128x128xf32, #tpu.memory_space<vmem>>) target_semaphore(%arg20 : memref<!tpu.dma_semaphore, #tpu.memory_space<semaphore_mem>>)
      %while3A = arith.constant 0 : i32
      %while3A_38 = arith.constant 0 : i32
      %while3A_39 = arith.subi %add3A_4, %while3A_38 : i32
      %while3A_40 = arith.addi %while3A_38, %while3A_39 : i32
      %while3A_41 = arith.constant 1 : i32
      %while3A_42 = arith.divsi %while3A_39, %while3A_41 : i32
      %while3A_43 = arith.muli %while3A_42, %while3A_41 : i32
      %while3A_44 = arith.addi %while3A_38, %while3A_43 : i32
      %while3A_45 = arith.constant 1 : i32
      scf.for %while3A_85 = %while3A_38 to %while3A_44 step %while3A_45  : i32 {
        %jit3A_86 = arith.constant 2 : i32
        %eq3A_87 = arith.constant 0 : i32
        %eq3A_88 = arith.cmpi eq, %jit3A_86, %eq3A_87 : i32
        %jit3A_89 = arith.constant 1 : i32
        %select_n3A_90 = arith.select %eq3A_88, %jit3A_89, %jit3A_86 : i32
        %rem3A_91 = arith.remsi %while3A_85, %select_n3A_90 : i32
        %ne3A_92 = arith.constant 0 : i32
        %ne3A_93 = arith.cmpi ne, %rem3A_91, %ne3A_92 : i32
        %lt3A_94 = arith.constant 0 : i32
        %lt3A_95 = arith.cmpi slt, %rem3A_91, %lt3A_94 : i32
        %lt3A_96 = arith.constant 0 : i32
        %lt3A_97 = arith.cmpi slt, %select_n3A_90, %lt3A_96 : i32
        %ne3A_98 = arith.xori %lt3A_95, %lt3A_97 : i1
        %and3A_99 = arith.andi %ne3A_98, %ne3A_93 : i1
        %add3A_100 = arith.addi %rem3A_91, %select_n3A_90 : i32
        %select_n3A_101 = arith.select %and3A_99, %add3A_100, %rem3A_91 : i32
        %eq3A_102 = arith.constant 0 : i32
        %eq3A_103 = arith.cmpi eq, %select_n3A_101, %eq3A_102 : i32
        %convert_element_type3A_104 = arith.extui %eq3A_103 : i1 to i32
        %cond3A_105 = arith.constant 0 : i32
        %cond3A_106 = arith.cmpi ne, %convert_element_type3A_104, %cond3A_105 : i32
        scf.if %cond3A_106 {
          %dma_wait3A = arith.constant 0 : i32
          %dma_wait3A_128 = arith.constant 0 : i32
          %dma_wait3A_129 = arith.constant 0 : i32
          %dma_wait3A_130 = tpu.memref_slice %arg2[%dma_wait3A, %dma_wait3A_128, %dma_wait3A_129] : memref<2500x1x128xi32, #tpu.memory_space<hbm>> -> memref<1x1x128xi32, #tpu.memory_space<hbm>>
          %dma_wait3A_131 = tpu.memref_squeeze %dma_wait3A_130 : memref<1x1x128xi32, #tpu.memory_space<hbm>> -> memref<128xi32, #tpu.memory_space<hbm>>
          %dma_wait3A_132 = arith.constant 0 : i32
          %dma_wait3A_133 = tpu.memref_slice %arg2[%dma_wait3A, %dma_wait3A_128, %dma_wait3A_132] : memref<2500x1x128xi32, #tpu.memory_space<hbm>> -> memref<1x1x128xi32, #tpu.memory_space<hbm>>
          %dma_wait3A_134 = tpu.memref_squeeze %dma_wait3A_133 : memref<1x1x128xi32, #tpu.memory_space<hbm>> -> memref<128xi32, #tpu.memory_space<hbm>>
          tpu.wait_dma2 semaphore(%arg20 : memref<!tpu.dma_semaphore, #tpu.memory_space<semaphore_mem>>) src(%dma_wait3A_134 : memref<128xi32, #tpu.memory_space<hbm>>) dst(%arg16 : memref<128xi32, #tpu.memory_space<vmem>>)
          %dma_wait3A_135 = arith.constant 0 : i32
          %dma_wait3A_136 = arith.constant 0 : i32
          %dma_wait3A_137 = tpu.memref_slice %arg3[%dma_wait3A_135, %dma_wait3A_136] : memref<320000x128xf32, #tpu.memory_space<hbm>> -> memref<128x128xf32, #tpu.memory_space<hbm>>
          %dma_wait3A_138 = arith.constant 0 : i32
          %dma_wait3A_139 = arith.constant 0 : i32
          %dma_wait3A_140 = tpu.memref_slice %arg3[%dma_wait3A_138, %dma_wait3A_139] : memref<320000x128xf32, #tpu.memory_space<hbm>> -> memref<128x128xf32, #tpu.memory_space<hbm>>
          tpu.wait_dma2 semaphore(%arg20 : memref<!tpu.dma_semaphore, #tpu.memory_space<semaphore_mem>>) src(%dma_wait3A_140 : memref<128x128xf32, #tpu.memory_space<hbm>>) dst(%arg18 : memref<128x128xf32, #tpu.memory_space<vmem>>)
          %gt3A = arith.constant 0 : i32
          %gt3A_141 = arith.cmpi sgt, %while3A_85, %gt3A : i32
          %convert_element_type3A_142 = arith.extui %gt3A_141 : i1 to i32
          %cond3A_143 = arith.constant 0 : i32
          %cond3A_144 = arith.cmpi ne, %convert_element_type3A_142, %cond3A_143 : i32
          scf.if %cond3A_144 {
            %dma_wait3A_154 = arith.constant 0 : i32
            %dma_wait3A_155 = arith.constant 0 : i32
            %dma_wait3A_156 = tpu.memref_slice %arg15[%dma_wait3A_154, %dma_wait3A_155] : memref<10112x128xf32, #tpu.memory_space<vmem_shared>> -> memref<10112x128xf32, #tpu.memory_space<vmem_shared>>
            tpu.wait_indirect_dma semaphore(%arg23 : memref<!tpu.dma_semaphore, #tpu.memory_space<semaphore_mem>>) src(%arg19 : memref<128x128xf32, #tpu.memory_space<vmem>>) dst(%dma_wait3A_156 : memref<10112x128xf32, #tpu.memory_space<vmem_shared>>)
          } else {
          }
          %add3A_145 = arith.constant 1 : i32
          %add3A_146 = arith.addi %while3A_85, %add3A_145 : i32
          %lt3A_147 = arith.cmpi slt, %add3A_146, %add3A_4 : i32
          %convert_element_type3A_148 = arith.extui %lt3A_147 : i1 to i32
          %cond3A_149 = arith.constant 0 : i32
          %cond3A_150 = arith.cmpi ne, %convert_element_type3A_148, %cond3A_149 : i32
          scf.if %cond3A_150 {
            %add3A_154 = arith.addi %add3A, %while3A_85 : i32
            %add3A_155 = arith.constant 1 : i32
            %add3A_156 = arith.addi %add3A_154, %add3A_155 : i32
            %mul3A_157 = arith.constant 128 : i32
            %mul3A_158 = arith.muli %add3A_156, %mul3A_157 : i32
            %multiple_of3A_159 = tpu.assume_multiple %mul3A_158, 128 : i32
            %dma_start3A_160 = arith.constant 0 : i32
            %dma_start3A_161 = arith.constant 0 : i32
            %dma_start3A_162 = tpu.memref_slice %arg2[%add3A_156, %dma_start3A_160, %dma_start3A_161] : memref<2500x1x128xi32, #tpu.memory_space<hbm>> -> memref<1x1x128xi32, #tpu.memory_space<hbm>>
            %dma_start3A_163 = tpu.memref_squeeze %dma_start3A_162 : memref<1x1x128xi32, #tpu.memory_space<hbm>> -> memref<128xi32, #tpu.memory_space<hbm>>
            %dma_start3A_164 = arith.constant 0 : i32
            %dma_start3A_165 = tpu.memref_slice %arg2[%add3A_156, %dma_start3A_160, %dma_start3A_164] : memref<2500x1x128xi32, #tpu.memory_space<hbm>> -> memref<1x1x128xi32, #tpu.memory_space<hbm>>
            %dma_start3A_166 = tpu.memref_squeeze %dma_start3A_165 : memref<1x1x128xi32, #tpu.memory_space<hbm>> -> memref<128xi32, #tpu.memory_space<hbm>>
            tpu.enqueue_dma source(%dma_start3A_166 : memref<128xi32, #tpu.memory_space<hbm>>) target(%arg17 : memref<128xi32, #tpu.memory_space<vmem>>) target_semaphore(%arg21 : memref<!tpu.dma_semaphore, #tpu.memory_space<semaphore_mem>>)
            %dma_start3A_167 = arith.constant 0 : i32
            %dma_start3A_168 = tpu.memref_slice %arg3[%multiple_of3A_159, %dma_start3A_167] : memref<320000x128xf32, #tpu.memory_space<hbm>> -> memref<128x128xf32, #tpu.memory_space<hbm>>
            %dma_start3A_169 = arith.constant 0 : i32
            %dma_start3A_170 = tpu.memref_slice %arg3[%multiple_of3A_159, %dma_start3A_169] : memref<320000x128xf32, #tpu.memory_space<hbm>> -> memref<128x128xf32, #tpu.memory_space<hbm>>
            tpu.enqueue_dma source(%dma_start3A_170 : memref<128x128xf32, #tpu.memory_space<hbm>>) target(%arg19 : memref<128x128xf32, #tpu.memory_space<vmem>>) target_semaphore(%arg21 : memref<!tpu.dma_semaphore, #tpu.memory_space<semaphore_mem>>)
          } else {
          }
          %dma_start3A_151 = arith.constant 0 : i32
          %dma_start3A_152 = arith.constant 0 : i32
          %dma_start3A_153 = tpu.memref_slice %arg15[%dma_start3A_151, %dma_start3A_152] : memref<10112x128xf32, #tpu.memory_space<vmem_shared>> -> memref<10112x128xf32, #tpu.memory_space<vmem_shared>>
          tpu.enqueue_indirect_dma source(%arg18 : memref<128x128xf32, #tpu.memory_space<vmem>>) target(%dma_start3A_153 : memref<10112x128xf32, #tpu.memory_space<vmem_shared>>) offsets(%arg16 : memref<128xi32, #tpu.memory_space<vmem>>) semaphore(%arg22 : memref<!tpu.dma_semaphore, #tpu.memory_space<semaphore_mem>>) {add = true}
        } else {
        }
        %jit3A_107 = arith.constant 2 : i32
        %eq3A_108 = arith.constant 0 : i32
        %eq3A_109 = arith.cmpi eq, %jit3A_107, %eq3A_108 : i32
        %jit3A_110 = arith.constant 1 : i32
        %select_n3A_111 = arith.select %eq3A_109, %jit3A_110, %jit3A_107 : i32
        %rem3A_112 = arith.remsi %while3A_85, %select_n3A_111 : i32
        %ne3A_113 = arith.constant 0 : i32
        %ne3A_114 = arith.cmpi ne, %rem3A_112, %ne3A_113 : i32
        %lt3A_115 = arith.constant 0 : i32
        %lt3A_116 = arith.cmpi slt, %rem3A_112, %lt3A_115 : i32
        %lt3A_117 = arith.constant 0 : i32
        %lt3A_118 = arith.cmpi slt, %select_n3A_111, %lt3A_117 : i32
        %ne3A_119 = arith.xori %lt3A_116, %lt3A_118 : i1
        %and3A_120 = arith.andi %ne3A_119, %ne3A_114 : i1
        %add3A_121 = arith.addi %rem3A_112, %select_n3A_111 : i32
        %select_n3A_122 = arith.select %and3A_120, %add3A_121, %rem3A_112 : i32
        %eq3A_123 = arith.constant 1 : i32
        %eq3A_124 = arith.cmpi eq, %select_n3A_122, %eq3A_123 : i32
        %convert_element_type3A_125 = arith.extui %eq3A_124 : i1 to i32
        %cond3A_126 = arith.constant 0 : i32
        %cond3A_127 = arith.cmpi ne, %convert_element_type3A_125, %cond3A_126 : i32
        scf.if %cond3A_127 {
          %dma_wait3A = arith.constant 0 : i32
          %dma_wait3A_128 = arith.constant 0 : i32
          %dma_wait3A_129 = arith.constant 0 : i32
          %dma_wait3A_130 = tpu.memref_slice %arg2[%dma_wait3A, %dma_wait3A_128, %dma_wait3A_129] : memref<2500x1x128xi32, #tpu.memory_space<hbm>> -> memref<1x1x128xi32, #tpu.memory_space<hbm>>
          %dma_wait3A_131 = tpu.memref_squeeze %dma_wait3A_130 : memref<1x1x128xi32, #tpu.memory_space<hbm>> -> memref<128xi32, #tpu.memory_space<hbm>>
          %dma_wait3A_132 = arith.constant 0 : i32
          %dma_wait3A_133 = tpu.memref_slice %arg2[%dma_wait3A, %dma_wait3A_128, %dma_wait3A_132] : memref<2500x1x128xi32, #tpu.memory_space<hbm>> -> memref<1x1x128xi32, #tpu.memory_space<hbm>>
          %dma_wait3A_134 = tpu.memref_squeeze %dma_wait3A_133 : memref<1x1x128xi32, #tpu.memory_space<hbm>> -> memref<128xi32, #tpu.memory_space<hbm>>
          tpu.wait_dma2 semaphore(%arg21 : memref<!tpu.dma_semaphore, #tpu.memory_space<semaphore_mem>>) src(%dma_wait3A_134 : memref<128xi32, #tpu.memory_space<hbm>>) dst(%arg17 : memref<128xi32, #tpu.memory_space<vmem>>)
          %dma_wait3A_135 = arith.constant 0 : i32
          %dma_wait3A_136 = arith.constant 0 : i32
          %dma_wait3A_137 = tpu.memref_slice %arg3[%dma_wait3A_135, %dma_wait3A_136] : memref<320000x128xf32, #tpu.memory_space<hbm>> -> memref<128x128xf32, #tpu.memory_space<hbm>>
          %dma_wait3A_138 = arith.constant 0 : i32
          %dma_wait3A_139 = arith.constant 0 : i32
          %dma_wait3A_140 = tpu.memref_slice %arg3[%dma_wait3A_138, %dma_wait3A_139] : memref<320000x128xf32, #tpu.memory_space<hbm>> -> memref<128x128xf32, #tpu.memory_space<hbm>>
          tpu.wait_dma2 semaphore(%arg21 : memref<!tpu.dma_semaphore, #tpu.memory_space<semaphore_mem>>) src(%dma_wait3A_140 : memref<128x128xf32, #tpu.memory_space<hbm>>) dst(%arg19 : memref<128x128xf32, #tpu.memory_space<vmem>>)
          %gt3A = arith.constant 0 : i32
          %gt3A_141 = arith.cmpi sgt, %while3A_85, %gt3A : i32
          %convert_element_type3A_142 = arith.extui %gt3A_141 : i1 to i32
          %cond3A_143 = arith.constant 0 : i32
          %cond3A_144 = arith.cmpi ne, %convert_element_type3A_142, %cond3A_143 : i32
          scf.if %cond3A_144 {
            %dma_wait3A_154 = arith.constant 0 : i32
            %dma_wait3A_155 = arith.constant 0 : i32
            %dma_wait3A_156 = tpu.memref_slice %arg15[%dma_wait3A_154, %dma_wait3A_155] : memref<10112x128xf32, #tpu.memory_space<vmem_shared>> -> memref<10112x128xf32, #tpu.memory_space<vmem_shared>>
            tpu.wait_indirect_dma semaphore(%arg22 : memref<!tpu.dma_semaphore, #tpu.memory_space<semaphore_mem>>) src(%arg18 : memref<128x128xf32, #tpu.memory_space<vmem>>) dst(%dma_wait3A_156 : memref<10112x128xf32, #tpu.memory_space<vmem_shared>>)
          } else {
          }
          %add3A_145 = arith.constant 1 : i32
          %add3A_146 = arith.addi %while3A_85, %add3A_145 : i32
          %lt3A_147 = arith.cmpi slt, %add3A_146, %add3A_4 : i32
          %convert_element_type3A_148 = arith.extui %lt3A_147 : i1 to i32
          %cond3A_149 = arith.constant 0 : i32
          %cond3A_150 = arith.cmpi ne, %convert_element_type3A_148, %cond3A_149 : i32
          scf.if %cond3A_150 {
            %add3A_154 = arith.addi %add3A, %while3A_85 : i32
            %add3A_155 = arith.constant 1 : i32
            %add3A_156 = arith.addi %add3A_154, %add3A_155 : i32
            %mul3A_157 = arith.constant 128 : i32
            %mul3A_158 = arith.muli %add3A_156, %mul3A_157 : i32
            %multiple_of3A_159 = tpu.assume_multiple %mul3A_158, 128 : i32
            %dma_start3A_160 = arith.constant 0 : i32
            %dma_start3A_161 = arith.constant 0 : i32
            %dma_start3A_162 = tpu.memref_slice %arg2[%add3A_156, %dma_start3A_160, %dma_start3A_161] : memref<2500x1x128xi32, #tpu.memory_space<hbm>> -> memref<1x1x128xi32, #tpu.memory_space<hbm>>
            %dma_start3A_163 = tpu.memref_squeeze %dma_start3A_162 : memref<1x1x128xi32, #tpu.memory_space<hbm>> -> memref<128xi32, #tpu.memory_space<hbm>>
            %dma_start3A_164 = arith.constant 0 : i32
            %dma_start3A_165 = tpu.memref_slice %arg2[%add3A_156, %dma_start3A_160, %dma_start3A_164] : memref<2500x1x128xi32, #tpu.memory_space<hbm>> -> memref<1x1x128xi32, #tpu.memory_space<hbm>>
            %dma_start3A_166 = tpu.memref_squeeze %dma_start3A_165 : memref<1x1x128xi32, #tpu.memory_space<hbm>> -> memref<128xi32, #tpu.memory_space<hbm>>
            tpu.enqueue_dma source(%dma_start3A_166 : memref<128xi32, #tpu.memory_space<hbm>>) target(%arg16 : memref<128xi32, #tpu.memory_space<vmem>>) target_semaphore(%arg20 : memref<!tpu.dma_semaphore, #tpu.memory_space<semaphore_mem>>)
            %dma_start3A_167 = arith.constant 0 : i32
            %dma_start3A_168 = tpu.memref_slice %arg3[%multiple_of3A_159, %dma_start3A_167] : memref<320000x128xf32, #tpu.memory_space<hbm>> -> memref<128x128xf32, #tpu.memory_space<hbm>>
            %dma_start3A_169 = arith.constant 0 : i32
            %dma_start3A_170 = tpu.memref_slice %arg3[%multiple_of3A_159, %dma_start3A_169] : memref<320000x128xf32, #tpu.memory_space<hbm>> -> memref<128x128xf32, #tpu.memory_space<hbm>>
            tpu.enqueue_dma source(%dma_start3A_170 : memref<128x128xf32, #tpu.memory_space<hbm>>) target(%arg18 : memref<128x128xf32, #tpu.memory_space<vmem>>) target_semaphore(%arg20 : memref<!tpu.dma_semaphore, #tpu.memory_space<semaphore_mem>>)
          } else {
          }
          %dma_start3A_151 = arith.constant 0 : i32
          %dma_start3A_152 = arith.constant 0 : i32
          %dma_start3A_153 = tpu.memref_slice %arg15[%dma_start3A_151, %dma_start3A_152] : memref<10112x128xf32, #tpu.memory_space<vmem_shared>> -> memref<10112x128xf32, #tpu.memory_space<vmem_shared>>
          tpu.enqueue_indirect_dma source(%arg19 : memref<128x128xf32, #tpu.memory_space<vmem>>) target(%dma_start3A_153 : memref<10112x128xf32, #tpu.memory_space<vmem_shared>>) offsets(%arg17 : memref<128xi32, #tpu.memory_space<vmem>>) semaphore(%arg23 : memref<!tpu.dma_semaphore, #tpu.memory_space<semaphore_mem>>) {add = true}
        } else {
        }
      }
      %while3A_46 = arith.constant 1 : i32
      scf.for %while3A_85 = %while3A_44 to %while3A_40 step %while3A_46  : i32 {
        %jit3A_86 = arith.constant 2 : i32
        %eq3A_87 = arith.constant 0 : i32
        %eq3A_88 = arith.cmpi eq, %jit3A_86, %eq3A_87 : i32
        %jit3A_89 = arith.constant 1 : i32
        %select_n3A_90 = arith.select %eq3A_88, %jit3A_89, %jit3A_86 : i32
        %rem3A_91 = arith.remsi %while3A_85, %select_n3A_90 : i32
        %ne3A_92 = arith.constant 0 : i32
        %ne3A_93 = arith.cmpi ne, %rem3A_91, %ne3A_92 : i32
        %lt3A_94 = arith.constant 0 : i32
        %lt3A_95 = arith.cmpi slt, %rem3A_91, %lt3A_94 : i32
        %lt3A_96 = arith.constant 0 : i32
        %lt3A_97 = arith.cmpi slt, %select_n3A_90, %lt3A_96 : i32
        %ne3A_98 = arith.xori %lt3A_95, %lt3A_97 : i1
        %and3A_99 = arith.andi %ne3A_98, %ne3A_93 : i1
        %add3A_100 = arith.addi %rem3A_91, %select_n3A_90 : i32
        %select_n3A_101 = arith.select %and3A_99, %add3A_100, %rem3A_91 : i32
        %eq3A_102 = arith.constant 0 : i32
        %eq3A_103 = arith.cmpi eq, %select_n3A_101, %eq3A_102 : i32
        %convert_element_type3A_104 = arith.extui %eq3A_103 : i1 to i32
        %cond3A_105 = arith.constant 0 : i32
        %cond3A_106 = arith.cmpi ne, %convert_element_type3A_104, %cond3A_105 : i32
        scf.if %cond3A_106 {
          %dma_wait3A = arith.constant 0 : i32
          %dma_wait3A_128 = arith.constant 0 : i32
          %dma_wait3A_129 = arith.constant 0 : i32
          %dma_wait3A_130 = tpu.memref_slice %arg2[%dma_wait3A, %dma_wait3A_128, %dma_wait3A_129] : memref<2500x1x128xi32, #tpu.memory_space<hbm>> -> memref<1x1x128xi32, #tpu.memory_space<hbm>>
          %dma_wait3A_131 = tpu.memref_squeeze %dma_wait3A_130 : memref<1x1x128xi32, #tpu.memory_space<hbm>> -> memref<128xi32, #tpu.memory_space<hbm>>
          %dma_wait3A_132 = arith.constant 0 : i32
          %dma_wait3A_133 = tpu.memref_slice %arg2[%dma_wait3A, %dma_wait3A_128, %dma_wait3A_132] : memref<2500x1x128xi32, #tpu.memory_space<hbm>> -> memref<1x1x128xi32, #tpu.memory_space<hbm>>
          %dma_wait3A_134 = tpu.memref_squeeze %dma_wait3A_133 : memref<1x1x128xi32, #tpu.memory_space<hbm>> -> memref<128xi32, #tpu.memory_space<hbm>>
          tpu.wait_dma2 semaphore(%arg20 : memref<!tpu.dma_semaphore, #tpu.memory_space<semaphore_mem>>) src(%dma_wait3A_134 : memref<128xi32, #tpu.memory_space<hbm>>) dst(%arg16 : memref<128xi32, #tpu.memory_space<vmem>>)
          %dma_wait3A_135 = arith.constant 0 : i32
          %dma_wait3A_136 = arith.constant 0 : i32
          %dma_wait3A_137 = tpu.memref_slice %arg3[%dma_wait3A_135, %dma_wait3A_136] : memref<320000x128xf32, #tpu.memory_space<hbm>> -> memref<128x128xf32, #tpu.memory_space<hbm>>
          %dma_wait3A_138 = arith.constant 0 : i32
          %dma_wait3A_139 = arith.constant 0 : i32
          %dma_wait3A_140 = tpu.memref_slice %arg3[%dma_wait3A_138, %dma_wait3A_139] : memref<320000x128xf32, #tpu.memory_space<hbm>> -> memref<128x128xf32, #tpu.memory_space<hbm>>
          tpu.wait_dma2 semaphore(%arg20 : memref<!tpu.dma_semaphore, #tpu.memory_space<semaphore_mem>>) src(%dma_wait3A_140 : memref<128x128xf32, #tpu.memory_space<hbm>>) dst(%arg18 : memref<128x128xf32, #tpu.memory_space<vmem>>)
          %gt3A = arith.constant 0 : i32
          %gt3A_141 = arith.cmpi sgt, %while3A_85, %gt3A : i32
          %convert_element_type3A_142 = arith.extui %gt3A_141 : i1 to i32
          %cond3A_143 = arith.constant 0 : i32
          %cond3A_144 = arith.cmpi ne, %convert_element_type3A_142, %cond3A_143 : i32
          scf.if %cond3A_144 {
            %dma_wait3A_154 = arith.constant 0 : i32
            %dma_wait3A_155 = arith.constant 0 : i32
            %dma_wait3A_156 = tpu.memref_slice %arg15[%dma_wait3A_154, %dma_wait3A_155] : memref<10112x128xf32, #tpu.memory_space<vmem_shared>> -> memref<10112x128xf32, #tpu.memory_space<vmem_shared>>
            tpu.wait_indirect_dma semaphore(%arg23 : memref<!tpu.dma_semaphore, #tpu.memory_space<semaphore_mem>>) src(%arg19 : memref<128x128xf32, #tpu.memory_space<vmem>>) dst(%dma_wait3A_156 : memref<10112x128xf32, #tpu.memory_space<vmem_shared>>)
          } else {
          }
          %add3A_145 = arith.constant 1 : i32
          %add3A_146 = arith.addi %while3A_85, %add3A_145 : i32
          %lt3A_147 = arith.cmpi slt, %add3A_146, %add3A_4 : i32
          %convert_element_type3A_148 = arith.extui %lt3A_147 : i1 to i32
          %cond3A_149 = arith.constant 0 : i32
          %cond3A_150 = arith.cmpi ne, %convert_element_type3A_148, %cond3A_149 : i32
          scf.if %cond3A_150 {
            %add3A_154 = arith.addi %add3A, %while3A_85 : i32
            %add3A_155 = arith.constant 1 : i32
            %add3A_156 = arith.addi %add3A_154, %add3A_155 : i32
            %mul3A_157 = arith.constant 128 : i32
            %mul3A_158 = arith.muli %add3A_156, %mul3A_157 : i32
            %multiple_of3A_159 = tpu.assume_multiple %mul3A_158, 128 : i32
            %dma_start3A_160 = arith.constant 0 : i32
            %dma_start3A_161 = arith.constant 0 : i32
            %dma_start3A_162 = tpu.memref_slice %arg2[%add3A_156, %dma_start3A_160, %dma_start3A_161] : memref<2500x1x128xi32, #tpu.memory_space<hbm>> -> memref<1x1x128xi32, #tpu.memory_space<hbm>>
            %dma_start3A_163 = tpu.memref_squeeze %dma_start3A_162 : memref<1x1x128xi32, #tpu.memory_space<hbm>> -> memref<128xi32, #tpu.memory_space<hbm>>
            %dma_start3A_164 = arith.constant 0 : i32
            %dma_start3A_165 = tpu.memref_slice %arg2[%add3A_156, %dma_start3A_160, %dma_start3A_164] : memref<2500x1x128xi32, #tpu.memory_space<hbm>> -> memref<1x1x128xi32, #tpu.memory_space<hbm>>
            %dma_start3A_166 = tpu.memref_squeeze %dma_start3A_165 : memref<1x1x128xi32, #tpu.memory_space<hbm>> -> memref<128xi32, #tpu.memory_space<hbm>>
            tpu.enqueue_dma source(%dma_start3A_166 : memref<128xi32, #tpu.memory_space<hbm>>) target(%arg17 : memref<128xi32, #tpu.memory_space<vmem>>) target_semaphore(%arg21 : memref<!tpu.dma_semaphore, #tpu.memory_space<semaphore_mem>>)
            %dma_start3A_167 = arith.constant 0 : i32
            %dma_start3A_168 = tpu.memref_slice %arg3[%multiple_of3A_159, %dma_start3A_167] : memref<320000x128xf32, #tpu.memory_space<hbm>> -> memref<128x128xf32, #tpu.memory_space<hbm>>
            %dma_start3A_169 = arith.constant 0 : i32
            %dma_start3A_170 = tpu.memref_slice %arg3[%multiple_of3A_159, %dma_start3A_169] : memref<320000x128xf32, #tpu.memory_space<hbm>> -> memref<128x128xf32, #tpu.memory_space<hbm>>
            tpu.enqueue_dma source(%dma_start3A_170 : memref<128x128xf32, #tpu.memory_space<hbm>>) target(%arg19 : memref<128x128xf32, #tpu.memory_space<vmem>>) target_semaphore(%arg21 : memref<!tpu.dma_semaphore, #tpu.memory_space<semaphore_mem>>)
          } else {
          }
          %dma_start3A_151 = arith.constant 0 : i32
          %dma_start3A_152 = arith.constant 0 : i32
          %dma_start3A_153 = tpu.memref_slice %arg15[%dma_start3A_151, %dma_start3A_152] : memref<10112x128xf32, #tpu.memory_space<vmem_shared>> -> memref<10112x128xf32, #tpu.memory_space<vmem_shared>>
          tpu.enqueue_indirect_dma source(%arg18 : memref<128x128xf32, #tpu.memory_space<vmem>>) target(%dma_start3A_153 : memref<10112x128xf32, #tpu.memory_space<vmem_shared>>) offsets(%arg16 : memref<128xi32, #tpu.memory_space<vmem>>) semaphore(%arg22 : memref<!tpu.dma_semaphore, #tpu.memory_space<semaphore_mem>>) {add = true}
        } else {
        }
        %jit3A_107 = arith.constant 2 : i32
        %eq3A_108 = arith.constant 0 : i32
        %eq3A_109 = arith.cmpi eq, %jit3A_107, %eq3A_108 : i32
        %jit3A_110 = arith.constant 1 : i32
        %select_n3A_111 = arith.select %eq3A_109, %jit3A_110, %jit3A_107 : i32
        %rem3A_112 = arith.remsi %while3A_85, %select_n3A_111 : i32
        %ne3A_113 = arith.constant 0 : i32
        %ne3A_114 = arith.cmpi ne, %rem3A_112, %ne3A_113 : i32
        %lt3A_115 = arith.constant 0 : i32
        %lt3A_116 = arith.cmpi slt, %rem3A_112, %lt3A_115 : i32
        %lt3A_117 = arith.constant 0 : i32
        %lt3A_118 = arith.cmpi slt, %select_n3A_111, %lt3A_117 : i32
        %ne3A_119 = arith.xori %lt3A_116, %lt3A_118 : i1
        %and3A_120 = arith.andi %ne3A_119, %ne3A_114 : i1
        %add3A_121 = arith.addi %rem3A_112, %select_n3A_111 : i32
        %select_n3A_122 = arith.select %and3A_120, %add3A_121, %rem3A_112 : i32
        %eq3A_123 = arith.constant 1 : i32
        %eq3A_124 = arith.cmpi eq, %select_n3A_122, %eq3A_123 : i32
        %convert_element_type3A_125 = arith.extui %eq3A_124 : i1 to i32
        %cond3A_126 = arith.constant 0 : i32
        %cond3A_127 = arith.cmpi ne, %convert_element_type3A_125, %cond3A_126 : i32
        scf.if %cond3A_127 {
          %dma_wait3A = arith.constant 0 : i32
          %dma_wait3A_128 = arith.constant 0 : i32
          %dma_wait3A_129 = arith.constant 0 : i32
          %dma_wait3A_130 = tpu.memref_slice %arg2[%dma_wait3A, %dma_wait3A_128, %dma_wait3A_129] : memref<2500x1x128xi32, #tpu.memory_space<hbm>> -> memref<1x1x128xi32, #tpu.memory_space<hbm>>
          %dma_wait3A_131 = tpu.memref_squeeze %dma_wait3A_130 : memref<1x1x128xi32, #tpu.memory_space<hbm>> -> memref<128xi32, #tpu.memory_space<hbm>>
          %dma_wait3A_132 = arith.constant 0 : i32
          %dma_wait3A_133 = tpu.memref_slice %arg2[%dma_wait3A, %dma_wait3A_128, %dma_wait3A_132] : memref<2500x1x128xi32, #tpu.memory_space<hbm>> -> memref<1x1x128xi32, #tpu.memory_space<hbm>>
          %dma_wait3A_134 = tpu.memref_squeeze %dma_wait3A_133 : memref<1x1x128xi32, #tpu.memory_space<hbm>> -> memref<128xi32, #tpu.memory_space<hbm>>
          tpu.wait_dma2 semaphore(%arg21 : memref<!tpu.dma_semaphore, #tpu.memory_space<semaphore_mem>>) src(%dma_wait3A_134 : memref<128xi32, #tpu.memory_space<hbm>>) dst(%arg17 : memref<128xi32, #tpu.memory_space<vmem>>)
          %dma_wait3A_135 = arith.constant 0 : i32
          %dma_wait3A_136 = arith.constant 0 : i32
          %dma_wait3A_137 = tpu.memref_slice %arg3[%dma_wait3A_135, %dma_wait3A_136] : memref<320000x128xf32, #tpu.memory_space<hbm>> -> memref<128x128xf32, #tpu.memory_space<hbm>>
          %dma_wait3A_138 = arith.constant 0 : i32
          %dma_wait3A_139 = arith.constant 0 : i32
          %dma_wait3A_140 = tpu.memref_slice %arg3[%dma_wait3A_138, %dma_wait3A_139] : memref<320000x128xf32, #tpu.memory_space<hbm>> -> memref<128x128xf32, #tpu.memory_space<hbm>>
          tpu.wait_dma2 semaphore(%arg21 : memref<!tpu.dma_semaphore, #tpu.memory_space<semaphore_mem>>) src(%dma_wait3A_140 : memref<128x128xf32, #tpu.memory_space<hbm>>) dst(%arg19 : memref<128x128xf32, #tpu.memory_space<vmem>>)
          %gt3A = arith.constant 0 : i32
          %gt3A_141 = arith.cmpi sgt, %while3A_85, %gt3A : i32
          %convert_element_type3A_142 = arith.extui %gt3A_141 : i1 to i32
          %cond3A_143 = arith.constant 0 : i32
          %cond3A_144 = arith.cmpi ne, %convert_element_type3A_142, %cond3A_143 : i32
          scf.if %cond3A_144 {
            %dma_wait3A_154 = arith.constant 0 : i32
            %dma_wait3A_155 = arith.constant 0 : i32
            %dma_wait3A_156 = tpu.memref_slice %arg15[%dma_wait3A_154, %dma_wait3A_155] : memref<10112x128xf32, #tpu.memory_space<vmem_shared>> -> memref<10112x128xf32, #tpu.memory_space<vmem_shared>>
            tpu.wait_indirect_dma semaphore(%arg22 : memref<!tpu.dma_semaphore, #tpu.memory_space<semaphore_mem>>) src(%arg18 : memref<128x128xf32, #tpu.memory_space<vmem>>) dst(%dma_wait3A_156 : memref<10112x128xf32, #tpu.memory_space<vmem_shared>>)
          } else {
          }
          %add3A_145 = arith.constant 1 : i32
          %add3A_146 = arith.addi %while3A_85, %add3A_145 : i32
          %lt3A_147 = arith.cmpi slt, %add3A_146, %add3A_4 : i32
          %convert_element_type3A_148 = arith.extui %lt3A_147 : i1 to i32
          %cond3A_149 = arith.constant 0 : i32
          %cond3A_150 = arith.cmpi ne, %convert_element_type3A_148, %cond3A_149 : i32
          scf.if %cond3A_150 {
            %add3A_154 = arith.addi %add3A, %while3A_85 : i32
            %add3A_155 = arith.constant 1 : i32
            %add3A_156 = arith.addi %add3A_154, %add3A_155 : i32
            %mul3A_157 = arith.constant 128 : i32
            %mul3A_158 = arith.muli %add3A_156, %mul3A_157 : i32
            %multiple_of3A_159 = tpu.assume_multiple %mul3A_158, 128 : i32
            %dma_start3A_160 = arith.constant 0 : i32
            %dma_start3A_161 = arith.constant 0 : i32
            %dma_start3A_162 = tpu.memref_slice %arg2[%add3A_156, %dma_start3A_160, %dma_start3A_161] : memref<2500x1x128xi32, #tpu.memory_space<hbm>> -> memref<1x1x128xi32, #tpu.memory_space<hbm>>
            %dma_start3A_163 = tpu.memref_squeeze %dma_start3A_162 : memref<1x1x128xi32, #tpu.memory_space<hbm>> -> memref<128xi32, #tpu.memory_space<hbm>>
            %dma_start3A_164 = arith.constant 0 : i32
            %dma_start3A_165 = tpu.memref_slice %arg2[%add3A_156, %dma_start3A_160, %dma_start3A_164] : memref<2500x1x128xi32, #tpu.memory_space<hbm>> -> memref<1x1x128xi32, #tpu.memory_space<hbm>>
            %dma_start3A_166 = tpu.memref_squeeze %dma_start3A_165 : memref<1x1x128xi32, #tpu.memory_space<hbm>> -> memref<128xi32, #tpu.memory_space<hbm>>
            tpu.enqueue_dma source(%dma_start3A_166 : memref<128xi32, #tpu.memory_space<hbm>>) target(%arg16 : memref<128xi32, #tpu.memory_space<vmem>>) target_semaphore(%arg20 : memref<!tpu.dma_semaphore, #tpu.memory_space<semaphore_mem>>)
            %dma_start3A_167 = arith.constant 0 : i32
            %dma_start3A_168 = tpu.memref_slice %arg3[%multiple_of3A_159, %dma_start3A_167] : memref<320000x128xf32, #tpu.memory_space<hbm>> -> memref<128x128xf32, #tpu.memory_space<hbm>>
            %dma_start3A_169 = arith.constant 0 : i32
            %dma_start3A_170 = tpu.memref_slice %arg3[%multiple_of3A_159, %dma_start3A_169] : memref<320000x128xf32, #tpu.memory_space<hbm>> -> memref<128x128xf32, #tpu.memory_space<hbm>>
            tpu.enqueue_dma source(%dma_start3A_170 : memref<128x128xf32, #tpu.memory_space<hbm>>) target(%arg18 : memref<128x128xf32, #tpu.memory_space<vmem>>) target_semaphore(%arg20 : memref<!tpu.dma_semaphore, #tpu.memory_space<semaphore_mem>>)
          } else {
          }
          %dma_start3A_151 = arith.constant 0 : i32
          %dma_start3A_152 = arith.constant 0 : i32
          %dma_start3A_153 = tpu.memref_slice %arg15[%dma_start3A_151, %dma_start3A_152] : memref<10112x128xf32, #tpu.memory_space<vmem_shared>> -> memref<10112x128xf32, #tpu.memory_space<vmem_shared>>
          tpu.enqueue_indirect_dma source(%arg19 : memref<128x128xf32, #tpu.memory_space<vmem>>) target(%dma_start3A_153 : memref<10112x128xf32, #tpu.memory_space<vmem_shared>>) offsets(%arg17 : memref<128xi32, #tpu.memory_space<vmem>>) semaphore(%arg23 : memref<!tpu.dma_semaphore, #tpu.memory_space<semaphore_mem>>) {add = true}
        } else {
        }
      }
      %jit3A = arith.constant 2 : i32
      %eq3A_47 = arith.constant 0 : i32
      %eq3A_48 = arith.cmpi eq, %jit3A, %eq3A_47 : i32
      %jit3A_49 = arith.constant 1 : i32
      %select_n3A = arith.select %eq3A_48, %jit3A_49, %jit3A : i32
      %rem3A = arith.remsi %add3A_4, %select_n3A : i32
      %ne3A = arith.constant 0 : i32
      %ne3A_50 = arith.cmpi ne, %rem3A, %ne3A : i32
      %lt3A_51 = arith.constant 0 : i32
      %lt3A_52 = arith.cmpi slt, %rem3A, %lt3A_51 : i32
      %lt3A_53 = arith.constant 0 : i32
      %lt3A_54 = arith.cmpi slt, %select_n3A, %lt3A_53 : i32
      %ne3A_55 = arith.xori %lt3A_52, %lt3A_54 : i1
      %and3A = arith.andi %ne3A_55, %ne3A_50 : i1
      %add3A_56 = arith.addi %rem3A, %select_n3A : i32
      %select_n3A_57 = arith.select %and3A, %add3A_56, %rem3A : i32
      %eq3A_58 = arith.constant 1 : i32
      %eq3A_59 = arith.cmpi eq, %select_n3A_57, %eq3A_58 : i32
      %convert_element_type3A_60 = arith.extui %eq3A_59 : i1 to i32
      %cond3A_61 = arith.constant 0 : i32
      %cond3A_62 = arith.cmpi ne, %convert_element_type3A_60, %cond3A_61 : i32
      scf.if %cond3A_62 {
        %dma_wait3A = arith.constant 0 : i32
        %dma_wait3A_85 = arith.constant 0 : i32
        %dma_wait3A_86 = tpu.memref_slice %arg15[%dma_wait3A, %dma_wait3A_85] : memref<10112x128xf32, #tpu.memory_space<vmem_shared>> -> memref<10112x128xf32, #tpu.memory_space<vmem_shared>>
        tpu.wait_indirect_dma semaphore(%arg22 : memref<!tpu.dma_semaphore, #tpu.memory_space<semaphore_mem>>) src(%arg18 : memref<128x128xf32, #tpu.memory_space<vmem>>) dst(%dma_wait3A_86 : memref<10112x128xf32, #tpu.memory_space<vmem_shared>>)
      } else {
      }
      %jit3A_63 = arith.constant 2 : i32
      %eq3A_64 = arith.constant 0 : i32
      %eq3A_65 = arith.cmpi eq, %jit3A_63, %eq3A_64 : i32
      %jit3A_66 = arith.constant 1 : i32
      %select_n3A_67 = arith.select %eq3A_65, %jit3A_66, %jit3A_63 : i32
      %rem3A_68 = arith.remsi %add3A_4, %select_n3A_67 : i32
      %ne3A_69 = arith.constant 0 : i32
      %ne3A_70 = arith.cmpi ne, %rem3A_68, %ne3A_69 : i32
      %lt3A_71 = arith.constant 0 : i32
      %lt3A_72 = arith.cmpi slt, %rem3A_68, %lt3A_71 : i32
      %lt3A_73 = arith.constant 0 : i32
      %lt3A_74 = arith.cmpi slt, %select_n3A_67, %lt3A_73 : i32
      %ne3A_75 = arith.xori %lt3A_72, %lt3A_74 : i1
      %and3A_76 = arith.andi %ne3A_75, %ne3A_70 : i1
      %add3A_77 = arith.addi %rem3A_68, %select_n3A_67 : i32
      %select_n3A_78 = arith.select %and3A_76, %add3A_77, %rem3A_68 : i32
      %eq3A_79 = arith.constant 0 : i32
      %eq3A_80 = arith.cmpi eq, %select_n3A_78, %eq3A_79 : i32
      %convert_element_type3A_81 = arith.extui %eq3A_80 : i1 to i32
      %cond3A_82 = arith.constant 0 : i32
      %cond3A_83 = arith.cmpi ne, %convert_element_type3A_81, %cond3A_82 : i32
      scf.if %cond3A_83 {
        %dma_wait3A = arith.constant 0 : i32
        %dma_wait3A_85 = arith.constant 0 : i32
        %dma_wait3A_86 = tpu.memref_slice %arg15[%dma_wait3A, %dma_wait3A_85] : memref<10112x128xf32, #tpu.memory_space<vmem_shared>> -> memref<10112x128xf32, #tpu.memory_space<vmem_shared>>
        tpu.wait_indirect_dma semaphore(%arg23 : memref<!tpu.dma_semaphore, #tpu.memory_space<semaphore_mem>>) src(%arg19 : memref<128x128xf32, #tpu.memory_space<vmem>>) dst(%dma_wait3A_86 : memref<10112x128xf32, #tpu.memory_space<vmem_shared>>)
      } else {
      }
      %barrier3A_84 = arith.constant 0 : index
      tpu.barrier barrier_id(%barrier3A_84)
      "tpu.region"() ({
        %run_scoped3A = tpu.sem_alloc : memref<!tpu.dma_semaphore, #tpu.memory_space<semaphore_mem>>
        %dma_start3A_85 = arith.constant 0 : i32
        %dma_start3A_86 = tpu.memref_slice %arg11[%multiple_of3A, %dma_start3A_85] : memref<10112x128xf32, #tpu.memory_space<hbm>> -> memref<632x128xf32, #tpu.memory_space<hbm>>
        %dma_start3A_87 = arith.constant 0 : i32
        %dma_start3A_88 = tpu.memref_slice %arg15[%multiple_of3A, %dma_start3A_87] : memref<10112x128xf32, #tpu.memory_space<vmem_shared>> -> memref<632x128xf32, #tpu.memory_space<vmem_shared>>
        tpu.enqueue_dma source(%dma_start3A_88 : memref<632x128xf32, #tpu.memory_space<vmem_shared>>) target(%dma_start3A_86 : memref<632x128xf32, #tpu.memory_space<hbm>>) target_semaphore(%run_scoped3A : memref<!tpu.dma_semaphore, #tpu.memory_space<semaphore_mem>>)
        %dma_wait3A = arith.constant 0 : i32
        %dma_wait3A_89 = tpu.memref_slice %arg11[%multiple_of3A, %dma_wait3A] : memref<10112x128xf32, #tpu.memory_space<hbm>> -> memref<632x128xf32, #tpu.memory_space<hbm>>
        %dma_wait3A_90 = arith.constant 0 : i32
        %dma_wait3A_91 = tpu.memref_slice %arg15[%multiple_of3A, %dma_wait3A_90] : memref<10112x128xf32, #tpu.memory_space<vmem_shared>> -> memref<632x128xf32, #tpu.memory_space<vmem_shared>>
        tpu.wait_dma2 semaphore(%run_scoped3A : memref<!tpu.dma_semaphore, #tpu.memory_space<semaphore_mem>>) src(%dma_wait3A_91 : memref<632x128xf32, #tpu.memory_space<vmem_shared>>) dst(%dma_wait3A_89 : memref<632x128xf32, #tpu.memory_space<hbm>>)
        tpu.yield
      }) : () -> ()
    } else {
    }
    %eq3A_10 = arith.constant 0 : i32
    %eq3A_11 = arith.cmpi eq, %arg0, %eq3A_10 : i32
    %convert_element_type3A_12 = arith.extui %eq3A_11 : i1 to i32
    %cond3A_13 = arith.constant 0 : i32
    %cond3A_14 = arith.cmpi ne, %convert_element_type3A_12, %cond3A_13 : i32
    scf.if %cond3A_14 {
      "tpu.region"() ({
        %run_scoped3A = tpu.sem_alloc : memref<!tpu.dma_semaphore, #tpu.memory_space<semaphore_mem>>
        %dma_start3A_85 = arith.constant 0 : i32
        %dma_start3A_86 = tpu.memref_slice %arg15[%multiple_of3A, %dma_start3A_85] : memref<10112x128xf32, #tpu.memory_space<vmem_shared>> -> memref<632x128xf32, #tpu.memory_space<vmem_shared>>
        %dma_start3A_87 = arith.constant 0 : i32
        %dma_start3A_88 = tpu.memref_slice %arg8[%multiple_of3A, %dma_start3A_87] : memref<10112x128xf32, #tpu.memory_space<hbm>> -> memref<632x128xf32, #tpu.memory_space<hbm>>
        tpu.enqueue_dma source(%dma_start3A_88 : memref<632x128xf32, #tpu.memory_space<hbm>>) target(%dma_start3A_86 : memref<632x128xf32, #tpu.memory_space<vmem_shared>>) target_semaphore(%run_scoped3A : memref<!tpu.dma_semaphore, #tpu.memory_space<semaphore_mem>>)
        %dma_wait3A = arith.constant 0 : i32
        %dma_wait3A_89 = tpu.memref_slice %arg15[%multiple_of3A, %dma_wait3A] : memref<10112x128xf32, #tpu.memory_space<vmem_shared>> -> memref<632x128xf32, #tpu.memory_space<vmem_shared>>
        %dma_wait3A_90 = arith.constant 0 : i32
        %dma_wait3A_91 = tpu.memref_slice %arg8[%multiple_of3A, %dma_wait3A_90] : memref<10112x128xf32, #tpu.memory_space<hbm>> -> memref<632x128xf32, #tpu.memory_space<hbm>>
        tpu.wait_dma2 semaphore(%run_scoped3A : memref<!tpu.dma_semaphore, #tpu.memory_space<semaphore_mem>>) src(%dma_wait3A_91 : memref<632x128xf32, #tpu.memory_space<hbm>>) dst(%dma_wait3A_89 : memref<632x128xf32, #tpu.memory_space<vmem_shared>>)
        tpu.yield
      }) : () -> ()
      %barrier3A = arith.constant 0 : index
      tpu.barrier barrier_id(%barrier3A)
      %mul3A_25 = arith.constant 128 : i32
      %mul3A_26 = arith.muli %add3A, %mul3A_25 : i32
      %multiple_of3A_27 = tpu.assume_multiple %mul3A_26, 128 : i32
      %dma_start3A = arith.constant 0 : i32
      %dma_start3A_28 = arith.constant 0 : i32
      %dma_start3A_29 = tpu.memref_slice %arg2[%add3A, %dma_start3A, %dma_start3A_28] : memref<2500x1x128xi32, #tpu.memory_space<hbm>> -> memref<1x1x128xi32, #tpu.memory_space<hbm>>
      %dma_start3A_30 = tpu.memref_squeeze %dma_start3A_29 : memref<1x1x128xi32, #tpu.memory_space<hbm>> -> memref<128xi32, #tpu.memory_space<hbm>>
      %dma_start3A_31 = arith.constant 0 : i32
      %dma_start3A_32 = tpu.memref_slice %arg2[%add3A, %dma_start3A, %dma_start3A_31] : memref<2500x1x128xi32, #tpu.memory_space<hbm>> -> memref<1x1x128xi32, #tpu.memory_space<hbm>>
      %dma_start3A_33 = tpu.memref_squeeze %dma_start3A_32 : memref<1x1x128xi32, #tpu.memory_space<hbm>> -> memref<128xi32, #tpu.memory_space<hbm>>
      tpu.enqueue_dma source(%dma_start3A_33 : memref<128xi32, #tpu.memory_space<hbm>>) target(%arg16 : memref<128xi32, #tpu.memory_space<vmem>>) target_semaphore(%arg20 : memref<!tpu.dma_semaphore, #tpu.memory_space<semaphore_mem>>)
      %dma_start3A_34 = arith.constant 0 : i32
      %dma_start3A_35 = tpu.memref_slice %arg4[%multiple_of3A_27, %dma_start3A_34] : memref<320000x128xf32, #tpu.memory_space<hbm>> -> memref<128x128xf32, #tpu.memory_space<hbm>>
      %dma_start3A_36 = arith.constant 0 : i32
      %dma_start3A_37 = tpu.memref_slice %arg4[%multiple_of3A_27, %dma_start3A_36] : memref<320000x128xf32, #tpu.memory_space<hbm>> -> memref<128x128xf32, #tpu.memory_space<hbm>>
      tpu.enqueue_dma source(%dma_start3A_37 : memref<128x128xf32, #tpu.memory_space<hbm>>) target(%arg18 : memref<128x128xf32, #tpu.memory_space<vmem>>) target_semaphore(%arg20 : memref<!tpu.dma_semaphore, #tpu.memory_space<semaphore_mem>>)
      %while3A = arith.constant 0 : i32
      %while3A_38 = arith.constant 0 : i32
      %while3A_39 = arith.subi %add3A_4, %while3A_38 : i32
      %while3A_40 = arith.addi %while3A_38, %while3A_39 : i32
      %while3A_41 = arith.constant 1 : i32
      %while3A_42 = arith.divsi %while3A_39, %while3A_41 : i32
      %while3A_43 = arith.muli %while3A_42, %while3A_41 : i32
      %while3A_44 = arith.addi %while3A_38, %while3A_43 : i32
      %while3A_45 = arith.constant 1 : i32
      scf.for %while3A_85 = %while3A_38 to %while3A_44 step %while3A_45  : i32 {
        %jit3A_86 = arith.constant 2 : i32
        %eq3A_87 = arith.constant 0 : i32
        %eq3A_88 = arith.cmpi eq, %jit3A_86, %eq3A_87 : i32
        %jit3A_89 = arith.constant 1 : i32
        %select_n3A_90 = arith.select %eq3A_88, %jit3A_89, %jit3A_86 : i32
        %rem3A_91 = arith.remsi %while3A_85, %select_n3A_90 : i32
        %ne3A_92 = arith.constant 0 : i32
        %ne3A_93 = arith.cmpi ne, %rem3A_91, %ne3A_92 : i32
        %lt3A_94 = arith.constant 0 : i32
        %lt3A_95 = arith.cmpi slt, %rem3A_91, %lt3A_94 : i32
        %lt3A_96 = arith.constant 0 : i32
        %lt3A_97 = arith.cmpi slt, %select_n3A_90, %lt3A_96 : i32
        %ne3A_98 = arith.xori %lt3A_95, %lt3A_97 : i1
        %and3A_99 = arith.andi %ne3A_98, %ne3A_93 : i1
        %add3A_100 = arith.addi %rem3A_91, %select_n3A_90 : i32
        %select_n3A_101 = arith.select %and3A_99, %add3A_100, %rem3A_91 : i32
        %eq3A_102 = arith.constant 0 : i32
        %eq3A_103 = arith.cmpi eq, %select_n3A_101, %eq3A_102 : i32
        %convert_element_type3A_104 = arith.extui %eq3A_103 : i1 to i32
        %cond3A_105 = arith.constant 0 : i32
        %cond3A_106 = arith.cmpi ne, %convert_element_type3A_104, %cond3A_105 : i32
        scf.if %cond3A_106 {
          %dma_wait3A = arith.constant 0 : i32
          %dma_wait3A_128 = arith.constant 0 : i32
          %dma_wait3A_129 = arith.constant 0 : i32
          %dma_wait3A_130 = tpu.memref_slice %arg2[%dma_wait3A, %dma_wait3A_128, %dma_wait3A_129] : memref<2500x1x128xi32, #tpu.memory_space<hbm>> -> memref<1x1x128xi32, #tpu.memory_space<hbm>>
          %dma_wait3A_131 = tpu.memref_squeeze %dma_wait3A_130 : memref<1x1x128xi32, #tpu.memory_space<hbm>> -> memref<128xi32, #tpu.memory_space<hbm>>
          %dma_wait3A_132 = arith.constant 0 : i32
          %dma_wait3A_133 = tpu.memref_slice %arg2[%dma_wait3A, %dma_wait3A_128, %dma_wait3A_132] : memref<2500x1x128xi32, #tpu.memory_space<hbm>> -> memref<1x1x128xi32, #tpu.memory_space<hbm>>
          %dma_wait3A_134 = tpu.memref_squeeze %dma_wait3A_133 : memref<1x1x128xi32, #tpu.memory_space<hbm>> -> memref<128xi32, #tpu.memory_space<hbm>>
          tpu.wait_dma2 semaphore(%arg20 : memref<!tpu.dma_semaphore, #tpu.memory_space<semaphore_mem>>) src(%dma_wait3A_134 : memref<128xi32, #tpu.memory_space<hbm>>) dst(%arg16 : memref<128xi32, #tpu.memory_space<vmem>>)
          %dma_wait3A_135 = arith.constant 0 : i32
          %dma_wait3A_136 = arith.constant 0 : i32
          %dma_wait3A_137 = tpu.memref_slice %arg4[%dma_wait3A_135, %dma_wait3A_136] : memref<320000x128xf32, #tpu.memory_space<hbm>> -> memref<128x128xf32, #tpu.memory_space<hbm>>
          %dma_wait3A_138 = arith.constant 0 : i32
          %dma_wait3A_139 = arith.constant 0 : i32
          %dma_wait3A_140 = tpu.memref_slice %arg4[%dma_wait3A_138, %dma_wait3A_139] : memref<320000x128xf32, #tpu.memory_space<hbm>> -> memref<128x128xf32, #tpu.memory_space<hbm>>
          tpu.wait_dma2 semaphore(%arg20 : memref<!tpu.dma_semaphore, #tpu.memory_space<semaphore_mem>>) src(%dma_wait3A_140 : memref<128x128xf32, #tpu.memory_space<hbm>>) dst(%arg18 : memref<128x128xf32, #tpu.memory_space<vmem>>)
          %gt3A = arith.constant 0 : i32
          %gt3A_141 = arith.cmpi sgt, %while3A_85, %gt3A : i32
          %convert_element_type3A_142 = arith.extui %gt3A_141 : i1 to i32
          %cond3A_143 = arith.constant 0 : i32
          %cond3A_144 = arith.cmpi ne, %convert_element_type3A_142, %cond3A_143 : i32
          scf.if %cond3A_144 {
            %dma_wait3A_154 = arith.constant 0 : i32
            %dma_wait3A_155 = arith.constant 0 : i32
            %dma_wait3A_156 = tpu.memref_slice %arg15[%dma_wait3A_154, %dma_wait3A_155] : memref<10112x128xf32, #tpu.memory_space<vmem_shared>> -> memref<10112x128xf32, #tpu.memory_space<vmem_shared>>
            tpu.wait_indirect_dma semaphore(%arg23 : memref<!tpu.dma_semaphore, #tpu.memory_space<semaphore_mem>>) src(%arg19 : memref<128x128xf32, #tpu.memory_space<vmem>>) dst(%dma_wait3A_156 : memref<10112x128xf32, #tpu.memory_space<vmem_shared>>)
          } else {
          }
          %add3A_145 = arith.constant 1 : i32
          %add3A_146 = arith.addi %while3A_85, %add3A_145 : i32
          %lt3A_147 = arith.cmpi slt, %add3A_146, %add3A_4 : i32
          %convert_element_type3A_148 = arith.extui %lt3A_147 : i1 to i32
          %cond3A_149 = arith.constant 0 : i32
          %cond3A_150 = arith.cmpi ne, %convert_element_type3A_148, %cond3A_149 : i32
          scf.if %cond3A_150 {
            %add3A_154 = arith.addi %add3A, %while3A_85 : i32
            %add3A_155 = arith.constant 1 : i32
            %add3A_156 = arith.addi %add3A_154, %add3A_155 : i32
            %mul3A_157 = arith.constant 128 : i32
            %mul3A_158 = arith.muli %add3A_156, %mul3A_157 : i32
            %multiple_of3A_159 = tpu.assume_multiple %mul3A_158, 128 : i32
            %dma_start3A_160 = arith.constant 0 : i32
            %dma_start3A_161 = arith.constant 0 : i32
            %dma_start3A_162 = tpu.memref_slice %arg2[%add3A_156, %dma_start3A_160, %dma_start3A_161] : memref<2500x1x128xi32, #tpu.memory_space<hbm>> -> memref<1x1x128xi32, #tpu.memory_space<hbm>>
            %dma_start3A_163 = tpu.memref_squeeze %dma_start3A_162 : memref<1x1x128xi32, #tpu.memory_space<hbm>> -> memref<128xi32, #tpu.memory_space<hbm>>
            %dma_start3A_164 = arith.constant 0 : i32
            %dma_start3A_165 = tpu.memref_slice %arg2[%add3A_156, %dma_start3A_160, %dma_start3A_164] : memref<2500x1x128xi32, #tpu.memory_space<hbm>> -> memref<1x1x128xi32, #tpu.memory_space<hbm>>
            %dma_start3A_166 = tpu.memref_squeeze %dma_start3A_165 : memref<1x1x128xi32, #tpu.memory_space<hbm>> -> memref<128xi32, #tpu.memory_space<hbm>>
            tpu.enqueue_dma source(%dma_start3A_166 : memref<128xi32, #tpu.memory_space<hbm>>) target(%arg17 : memref<128xi32, #tpu.memory_space<vmem>>) target_semaphore(%arg21 : memref<!tpu.dma_semaphore, #tpu.memory_space<semaphore_mem>>)
            %dma_start3A_167 = arith.constant 0 : i32
            %dma_start3A_168 = tpu.memref_slice %arg4[%multiple_of3A_159, %dma_start3A_167] : memref<320000x128xf32, #tpu.memory_space<hbm>> -> memref<128x128xf32, #tpu.memory_space<hbm>>
            %dma_start3A_169 = arith.constant 0 : i32
            %dma_start3A_170 = tpu.memref_slice %arg4[%multiple_of3A_159, %dma_start3A_169] : memref<320000x128xf32, #tpu.memory_space<hbm>> -> memref<128x128xf32, #tpu.memory_space<hbm>>
            tpu.enqueue_dma source(%dma_start3A_170 : memref<128x128xf32, #tpu.memory_space<hbm>>) target(%arg19 : memref<128x128xf32, #tpu.memory_space<vmem>>) target_semaphore(%arg21 : memref<!tpu.dma_semaphore, #tpu.memory_space<semaphore_mem>>)
          } else {
          }
          %dma_start3A_151 = arith.constant 0 : i32
          %dma_start3A_152 = arith.constant 0 : i32
          %dma_start3A_153 = tpu.memref_slice %arg15[%dma_start3A_151, %dma_start3A_152] : memref<10112x128xf32, #tpu.memory_space<vmem_shared>> -> memref<10112x128xf32, #tpu.memory_space<vmem_shared>>
          tpu.enqueue_indirect_dma source(%arg18 : memref<128x128xf32, #tpu.memory_space<vmem>>) target(%dma_start3A_153 : memref<10112x128xf32, #tpu.memory_space<vmem_shared>>) offsets(%arg16 : memref<128xi32, #tpu.memory_space<vmem>>) semaphore(%arg22 : memref<!tpu.dma_semaphore, #tpu.memory_space<semaphore_mem>>) {add = true}
        } else {
        }
        %jit3A_107 = arith.constant 2 : i32
        %eq3A_108 = arith.constant 0 : i32
        %eq3A_109 = arith.cmpi eq, %jit3A_107, %eq3A_108 : i32
        %jit3A_110 = arith.constant 1 : i32
        %select_n3A_111 = arith.select %eq3A_109, %jit3A_110, %jit3A_107 : i32
        %rem3A_112 = arith.remsi %while3A_85, %select_n3A_111 : i32
        %ne3A_113 = arith.constant 0 : i32
        %ne3A_114 = arith.cmpi ne, %rem3A_112, %ne3A_113 : i32
        %lt3A_115 = arith.constant 0 : i32
        %lt3A_116 = arith.cmpi slt, %rem3A_112, %lt3A_115 : i32
        %lt3A_117 = arith.constant 0 : i32
        %lt3A_118 = arith.cmpi slt, %select_n3A_111, %lt3A_117 : i32
        %ne3A_119 = arith.xori %lt3A_116, %lt3A_118 : i1
        %and3A_120 = arith.andi %ne3A_119, %ne3A_114 : i1
        %add3A_121 = arith.addi %rem3A_112, %select_n3A_111 : i32
        %select_n3A_122 = arith.select %and3A_120, %add3A_121, %rem3A_112 : i32
        %eq3A_123 = arith.constant 1 : i32
        %eq3A_124 = arith.cmpi eq, %select_n3A_122, %eq3A_123 : i32
        %convert_element_type3A_125 = arith.extui %eq3A_124 : i1 to i32
        %cond3A_126 = arith.constant 0 : i32
        %cond3A_127 = arith.cmpi ne, %convert_element_type3A_125, %cond3A_126 : i32
        scf.if %cond3A_127 {
          %dma_wait3A = arith.constant 0 : i32
          %dma_wait3A_128 = arith.constant 0 : i32
          %dma_wait3A_129 = arith.constant 0 : i32
          %dma_wait3A_130 = tpu.memref_slice %arg2[%dma_wait3A, %dma_wait3A_128, %dma_wait3A_129] : memref<2500x1x128xi32, #tpu.memory_space<hbm>> -> memref<1x1x128xi32, #tpu.memory_space<hbm>>
          %dma_wait3A_131 = tpu.memref_squeeze %dma_wait3A_130 : memref<1x1x128xi32, #tpu.memory_space<hbm>> -> memref<128xi32, #tpu.memory_space<hbm>>
          %dma_wait3A_132 = arith.constant 0 : i32
          %dma_wait3A_133 = tpu.memref_slice %arg2[%dma_wait3A, %dma_wait3A_128, %dma_wait3A_132] : memref<2500x1x128xi32, #tpu.memory_space<hbm>> -> memref<1x1x128xi32, #tpu.memory_space<hbm>>
          %dma_wait3A_134 = tpu.memref_squeeze %dma_wait3A_133 : memref<1x1x128xi32, #tpu.memory_space<hbm>> -> memref<128xi32, #tpu.memory_space<hbm>>
          tpu.wait_dma2 semaphore(%arg21 : memref<!tpu.dma_semaphore, #tpu.memory_space<semaphore_mem>>) src(%dma_wait3A_134 : memref<128xi32, #tpu.memory_space<hbm>>) dst(%arg17 : memref<128xi32, #tpu.memory_space<vmem>>)
          %dma_wait3A_135 = arith.constant 0 : i32
          %dma_wait3A_136 = arith.constant 0 : i32
          %dma_wait3A_137 = tpu.memref_slice %arg4[%dma_wait3A_135, %dma_wait3A_136] : memref<320000x128xf32, #tpu.memory_space<hbm>> -> memref<128x128xf32, #tpu.memory_space<hbm>>
          %dma_wait3A_138 = arith.constant 0 : i32
          %dma_wait3A_139 = arith.constant 0 : i32
          %dma_wait3A_140 = tpu.memref_slice %arg4[%dma_wait3A_138, %dma_wait3A_139] : memref<320000x128xf32, #tpu.memory_space<hbm>> -> memref<128x128xf32, #tpu.memory_space<hbm>>
          tpu.wait_dma2 semaphore(%arg21 : memref<!tpu.dma_semaphore, #tpu.memory_space<semaphore_mem>>) src(%dma_wait3A_140 : memref<128x128xf32, #tpu.memory_space<hbm>>) dst(%arg19 : memref<128x128xf32, #tpu.memory_space<vmem>>)
          %gt3A = arith.constant 0 : i32
          %gt3A_141 = arith.cmpi sgt, %while3A_85, %gt3A : i32
          %convert_element_type3A_142 = arith.extui %gt3A_141 : i1 to i32
          %cond3A_143 = arith.constant 0 : i32
          %cond3A_144 = arith.cmpi ne, %convert_element_type3A_142, %cond3A_143 : i32
          scf.if %cond3A_144 {
            %dma_wait3A_154 = arith.constant 0 : i32
            %dma_wait3A_155 = arith.constant 0 : i32
            %dma_wait3A_156 = tpu.memref_slice %arg15[%dma_wait3A_154, %dma_wait3A_155] : memref<10112x128xf32, #tpu.memory_space<vmem_shared>> -> memref<10112x128xf32, #tpu.memory_space<vmem_shared>>
            tpu.wait_indirect_dma semaphore(%arg22 : memref<!tpu.dma_semaphore, #tpu.memory_space<semaphore_mem>>) src(%arg18 : memref<128x128xf32, #tpu.memory_space<vmem>>) dst(%dma_wait3A_156 : memref<10112x128xf32, #tpu.memory_space<vmem_shared>>)
          } else {
          }
          %add3A_145 = arith.constant 1 : i32
          %add3A_146 = arith.addi %while3A_85, %add3A_145 : i32
          %lt3A_147 = arith.cmpi slt, %add3A_146, %add3A_4 : i32
          %convert_element_type3A_148 = arith.extui %lt3A_147 : i1 to i32
          %cond3A_149 = arith.constant 0 : i32
          %cond3A_150 = arith.cmpi ne, %convert_element_type3A_148, %cond3A_149 : i32
          scf.if %cond3A_150 {
            %add3A_154 = arith.addi %add3A, %while3A_85 : i32
            %add3A_155 = arith.constant 1 : i32
            %add3A_156 = arith.addi %add3A_154, %add3A_155 : i32
            %mul3A_157 = arith.constant 128 : i32
            %mul3A_158 = arith.muli %add3A_156, %mul3A_157 : i32
            %multiple_of3A_159 = tpu.assume_multiple %mul3A_158, 128 : i32
            %dma_start3A_160 = arith.constant 0 : i32
            %dma_start3A_161 = arith.constant 0 : i32
            %dma_start3A_162 = tpu.memref_slice %arg2[%add3A_156, %dma_start3A_160, %dma_start3A_161] : memref<2500x1x128xi32, #tpu.memory_space<hbm>> -> memref<1x1x128xi32, #tpu.memory_space<hbm>>
            %dma_start3A_163 = tpu.memref_squeeze %dma_start3A_162 : memref<1x1x128xi32, #tpu.memory_space<hbm>> -> memref<128xi32, #tpu.memory_space<hbm>>
            %dma_start3A_164 = arith.constant 0 : i32
            %dma_start3A_165 = tpu.memref_slice %arg2[%add3A_156, %dma_start3A_160, %dma_start3A_164] : memref<2500x1x128xi32, #tpu.memory_space<hbm>> -> memref<1x1x128xi32, #tpu.memory_space<hbm>>
            %dma_start3A_166 = tpu.memref_squeeze %dma_start3A_165 : memref<1x1x128xi32, #tpu.memory_space<hbm>> -> memref<128xi32, #tpu.memory_space<hbm>>
            tpu.enqueue_dma source(%dma_start3A_166 : memref<128xi32, #tpu.memory_space<hbm>>) target(%arg16 : memref<128xi32, #tpu.memory_space<vmem>>) target_semaphore(%arg20 : memref<!tpu.dma_semaphore, #tpu.memory_space<semaphore_mem>>)
            %dma_start3A_167 = arith.constant 0 : i32
            %dma_start3A_168 = tpu.memref_slice %arg4[%multiple_of3A_159, %dma_start3A_167] : memref<320000x128xf32, #tpu.memory_space<hbm>> -> memref<128x128xf32, #tpu.memory_space<hbm>>
            %dma_start3A_169 = arith.constant 0 : i32
            %dma_start3A_170 = tpu.memref_slice %arg4[%multiple_of3A_159, %dma_start3A_169] : memref<320000x128xf32, #tpu.memory_space<hbm>> -> memref<128x128xf32, #tpu.memory_space<hbm>>
            tpu.enqueue_dma source(%dma_start3A_170 : memref<128x128xf32, #tpu.memory_space<hbm>>) target(%arg18 : memref<128x128xf32, #tpu.memory_space<vmem>>) target_semaphore(%arg20 : memref<!tpu.dma_semaphore, #tpu.memory_space<semaphore_mem>>)
          } else {
          }
          %dma_start3A_151 = arith.constant 0 : i32
          %dma_start3A_152 = arith.constant 0 : i32
          %dma_start3A_153 = tpu.memref_slice %arg15[%dma_start3A_151, %dma_start3A_152] : memref<10112x128xf32, #tpu.memory_space<vmem_shared>> -> memref<10112x128xf32, #tpu.memory_space<vmem_shared>>
          tpu.enqueue_indirect_dma source(%arg19 : memref<128x128xf32, #tpu.memory_space<vmem>>) target(%dma_start3A_153 : memref<10112x128xf32, #tpu.memory_space<vmem_shared>>) offsets(%arg17 : memref<128xi32, #tpu.memory_space<vmem>>) semaphore(%arg23 : memref<!tpu.dma_semaphore, #tpu.memory_space<semaphore_mem>>) {add = true}
        } else {
        }
      }
      %while3A_46 = arith.constant 1 : i32
      scf.for %while3A_85 = %while3A_44 to %while3A_40 step %while3A_46  : i32 {
        %jit3A_86 = arith.constant 2 : i32
        %eq3A_87 = arith.constant 0 : i32
        %eq3A_88 = arith.cmpi eq, %jit3A_86, %eq3A_87 : i32
        %jit3A_89 = arith.constant 1 : i32
        %select_n3A_90 = arith.select %eq3A_88, %jit3A_89, %jit3A_86 : i32
        %rem3A_91 = arith.remsi %while3A_85, %select_n3A_90 : i32
        %ne3A_92 = arith.constant 0 : i32
        %ne3A_93 = arith.cmpi ne, %rem3A_91, %ne3A_92 : i32
        %lt3A_94 = arith.constant 0 : i32
        %lt3A_95 = arith.cmpi slt, %rem3A_91, %lt3A_94 : i32
        %lt3A_96 = arith.constant 0 : i32
        %lt3A_97 = arith.cmpi slt, %select_n3A_90, %lt3A_96 : i32
        %ne3A_98 = arith.xori %lt3A_95, %lt3A_97 : i1
        %and3A_99 = arith.andi %ne3A_98, %ne3A_93 : i1
        %add3A_100 = arith.addi %rem3A_91, %select_n3A_90 : i32
        %select_n3A_101 = arith.select %and3A_99, %add3A_100, %rem3A_91 : i32
        %eq3A_102 = arith.constant 0 : i32
        %eq3A_103 = arith.cmpi eq, %select_n3A_101, %eq3A_102 : i32
        %convert_element_type3A_104 = arith.extui %eq3A_103 : i1 to i32
        %cond3A_105 = arith.constant 0 : i32
        %cond3A_106 = arith.cmpi ne, %convert_element_type3A_104, %cond3A_105 : i32
        scf.if %cond3A_106 {
          %dma_wait3A = arith.constant 0 : i32
          %dma_wait3A_128 = arith.constant 0 : i32
          %dma_wait3A_129 = arith.constant 0 : i32
          %dma_wait3A_130 = tpu.memref_slice %arg2[%dma_wait3A, %dma_wait3A_128, %dma_wait3A_129] : memref<2500x1x128xi32, #tpu.memory_space<hbm>> -> memref<1x1x128xi32, #tpu.memory_space<hbm>>
          %dma_wait3A_131 = tpu.memref_squeeze %dma_wait3A_130 : memref<1x1x128xi32, #tpu.memory_space<hbm>> -> memref<128xi32, #tpu.memory_space<hbm>>
          %dma_wait3A_132 = arith.constant 0 : i32
          %dma_wait3A_133 = tpu.memref_slice %arg2[%dma_wait3A, %dma_wait3A_128, %dma_wait3A_132] : memref<2500x1x128xi32, #tpu.memory_space<hbm>> -> memref<1x1x128xi32, #tpu.memory_space<hbm>>
          %dma_wait3A_134 = tpu.memref_squeeze %dma_wait3A_133 : memref<1x1x128xi32, #tpu.memory_space<hbm>> -> memref<128xi32, #tpu.memory_space<hbm>>
          tpu.wait_dma2 semaphore(%arg20 : memref<!tpu.dma_semaphore, #tpu.memory_space<semaphore_mem>>) src(%dma_wait3A_134 : memref<128xi32, #tpu.memory_space<hbm>>) dst(%arg16 : memref<128xi32, #tpu.memory_space<vmem>>)
          %dma_wait3A_135 = arith.constant 0 : i32
          %dma_wait3A_136 = arith.constant 0 : i32
          %dma_wait3A_137 = tpu.memref_slice %arg4[%dma_wait3A_135, %dma_wait3A_136] : memref<320000x128xf32, #tpu.memory_space<hbm>> -> memref<128x128xf32, #tpu.memory_space<hbm>>
          %dma_wait3A_138 = arith.constant 0 : i32
          %dma_wait3A_139 = arith.constant 0 : i32
          %dma_wait3A_140 = tpu.memref_slice %arg4[%dma_wait3A_138, %dma_wait3A_139] : memref<320000x128xf32, #tpu.memory_space<hbm>> -> memref<128x128xf32, #tpu.memory_space<hbm>>
          tpu.wait_dma2 semaphore(%arg20 : memref<!tpu.dma_semaphore, #tpu.memory_space<semaphore_mem>>) src(%dma_wait3A_140 : memref<128x128xf32, #tpu.memory_space<hbm>>) dst(%arg18 : memref<128x128xf32, #tpu.memory_space<vmem>>)
          %gt3A = arith.constant 0 : i32
          %gt3A_141 = arith.cmpi sgt, %while3A_85, %gt3A : i32
          %convert_element_type3A_142 = arith.extui %gt3A_141 : i1 to i32
          %cond3A_143 = arith.constant 0 : i32
          %cond3A_144 = arith.cmpi ne, %convert_element_type3A_142, %cond3A_143 : i32
          scf.if %cond3A_144 {
            %dma_wait3A_154 = arith.constant 0 : i32
            %dma_wait3A_155 = arith.constant 0 : i32
            %dma_wait3A_156 = tpu.memref_slice %arg15[%dma_wait3A_154, %dma_wait3A_155] : memref<10112x128xf32, #tpu.memory_space<vmem_shared>> -> memref<10112x128xf32, #tpu.memory_space<vmem_shared>>
            tpu.wait_indirect_dma semaphore(%arg23 : memref<!tpu.dma_semaphore, #tpu.memory_space<semaphore_mem>>) src(%arg19 : memref<128x128xf32, #tpu.memory_space<vmem>>) dst(%dma_wait3A_156 : memref<10112x128xf32, #tpu.memory_space<vmem_shared>>)
          } else {
          }
          %add3A_145 = arith.constant 1 : i32
          %add3A_146 = arith.addi %while3A_85, %add3A_145 : i32
          %lt3A_147 = arith.cmpi slt, %add3A_146, %add3A_4 : i32
          %convert_element_type3A_148 = arith.extui %lt3A_147 : i1 to i32
          %cond3A_149 = arith.constant 0 : i32
          %cond3A_150 = arith.cmpi ne, %convert_element_type3A_148, %cond3A_149 : i32
          scf.if %cond3A_150 {
            %add3A_154 = arith.addi %add3A, %while3A_85 : i32
            %add3A_155 = arith.constant 1 : i32
            %add3A_156 = arith.addi %add3A_154, %add3A_155 : i32
            %mul3A_157 = arith.constant 128 : i32
            %mul3A_158 = arith.muli %add3A_156, %mul3A_157 : i32
            %multiple_of3A_159 = tpu.assume_multiple %mul3A_158, 128 : i32
            %dma_start3A_160 = arith.constant 0 : i32
            %dma_start3A_161 = arith.constant 0 : i32
            %dma_start3A_162 = tpu.memref_slice %arg2[%add3A_156, %dma_start3A_160, %dma_start3A_161] : memref<2500x1x128xi32, #tpu.memory_space<hbm>> -> memref<1x1x128xi32, #tpu.memory_space<hbm>>
            %dma_start3A_163 = tpu.memref_squeeze %dma_start3A_162 : memref<1x1x128xi32, #tpu.memory_space<hbm>> -> memref<128xi32, #tpu.memory_space<hbm>>
            %dma_start3A_164 = arith.constant 0 : i32
            %dma_start3A_165 = tpu.memref_slice %arg2[%add3A_156, %dma_start3A_160, %dma_start3A_164] : memref<2500x1x128xi32, #tpu.memory_space<hbm>> -> memref<1x1x128xi32, #tpu.memory_space<hbm>>
            %dma_start3A_166 = tpu.memref_squeeze %dma_start3A_165 : memref<1x1x128xi32, #tpu.memory_space<hbm>> -> memref<128xi32, #tpu.memory_space<hbm>>
            tpu.enqueue_dma source(%dma_start3A_166 : memref<128xi32, #tpu.memory_space<hbm>>) target(%arg17 : memref<128xi32, #tpu.memory_space<vmem>>) target_semaphore(%arg21 : memref<!tpu.dma_semaphore, #tpu.memory_space<semaphore_mem>>)
            %dma_start3A_167 = arith.constant 0 : i32
            %dma_start3A_168 = tpu.memref_slice %arg4[%multiple_of3A_159, %dma_start3A_167] : memref<320000x128xf32, #tpu.memory_space<hbm>> -> memref<128x128xf32, #tpu.memory_space<hbm>>
            %dma_start3A_169 = arith.constant 0 : i32
            %dma_start3A_170 = tpu.memref_slice %arg4[%multiple_of3A_159, %dma_start3A_169] : memref<320000x128xf32, #tpu.memory_space<hbm>> -> memref<128x128xf32, #tpu.memory_space<hbm>>
            tpu.enqueue_dma source(%dma_start3A_170 : memref<128x128xf32, #tpu.memory_space<hbm>>) target(%arg19 : memref<128x128xf32, #tpu.memory_space<vmem>>) target_semaphore(%arg21 : memref<!tpu.dma_semaphore, #tpu.memory_space<semaphore_mem>>)
          } else {
          }
          %dma_start3A_151 = arith.constant 0 : i32
          %dma_start3A_152 = arith.constant 0 : i32
          %dma_start3A_153 = tpu.memref_slice %arg15[%dma_start3A_151, %dma_start3A_152] : memref<10112x128xf32, #tpu.memory_space<vmem_shared>> -> memref<10112x128xf32, #tpu.memory_space<vmem_shared>>
          tpu.enqueue_indirect_dma source(%arg18 : memref<128x128xf32, #tpu.memory_space<vmem>>) target(%dma_start3A_153 : memref<10112x128xf32, #tpu.memory_space<vmem_shared>>) offsets(%arg16 : memref<128xi32, #tpu.memory_space<vmem>>) semaphore(%arg22 : memref<!tpu.dma_semaphore, #tpu.memory_space<semaphore_mem>>) {add = true}
        } else {
        }
        %jit3A_107 = arith.constant 2 : i32
        %eq3A_108 = arith.constant 0 : i32
        %eq3A_109 = arith.cmpi eq, %jit3A_107, %eq3A_108 : i32
        %jit3A_110 = arith.constant 1 : i32
        %select_n3A_111 = arith.select %eq3A_109, %jit3A_110, %jit3A_107 : i32
        %rem3A_112 = arith.remsi %while3A_85, %select_n3A_111 : i32
        %ne3A_113 = arith.constant 0 : i32
        %ne3A_114 = arith.cmpi ne, %rem3A_112, %ne3A_113 : i32
        %lt3A_115 = arith.constant 0 : i32
        %lt3A_116 = arith.cmpi slt, %rem3A_112, %lt3A_115 : i32
        %lt3A_117 = arith.constant 0 : i32
        %lt3A_118 = arith.cmpi slt, %select_n3A_111, %lt3A_117 : i32
        %ne3A_119 = arith.xori %lt3A_116, %lt3A_118 : i1
        %and3A_120 = arith.andi %ne3A_119, %ne3A_114 : i1
        %add3A_121 = arith.addi %rem3A_112, %select_n3A_111 : i32
        %select_n3A_122 = arith.select %and3A_120, %add3A_121, %rem3A_112 : i32
        %eq3A_123 = arith.constant 1 : i32
        %eq3A_124 = arith.cmpi eq, %select_n3A_122, %eq3A_123 : i32
        %convert_element_type3A_125 = arith.extui %eq3A_124 : i1 to i32
        %cond3A_126 = arith.constant 0 : i32
        %cond3A_127 = arith.cmpi ne, %convert_element_type3A_125, %cond3A_126 : i32
        scf.if %cond3A_127 {
          %dma_wait3A = arith.constant 0 : i32
          %dma_wait3A_128 = arith.constant 0 : i32
          %dma_wait3A_129 = arith.constant 0 : i32
          %dma_wait3A_130 = tpu.memref_slice %arg2[%dma_wait3A, %dma_wait3A_128, %dma_wait3A_129] : memref<2500x1x128xi32, #tpu.memory_space<hbm>> -> memref<1x1x128xi32, #tpu.memory_space<hbm>>
          %dma_wait3A_131 = tpu.memref_squeeze %dma_wait3A_130 : memref<1x1x128xi32, #tpu.memory_space<hbm>> -> memref<128xi32, #tpu.memory_space<hbm>>
          %dma_wait3A_132 = arith.constant 0 : i32
          %dma_wait3A_133 = tpu.memref_slice %arg2[%dma_wait3A, %dma_wait3A_128, %dma_wait3A_132] : memref<2500x1x128xi32, #tpu.memory_space<hbm>> -> memref<1x1x128xi32, #tpu.memory_space<hbm>>
          %dma_wait3A_134 = tpu.memref_squeeze %dma_wait3A_133 : memref<1x1x128xi32, #tpu.memory_space<hbm>> -> memref<128xi32, #tpu.memory_space<hbm>>
          tpu.wait_dma2 semaphore(%arg21 : memref<!tpu.dma_semaphore, #tpu.memory_space<semaphore_mem>>) src(%dma_wait3A_134 : memref<128xi32, #tpu.memory_space<hbm>>) dst(%arg17 : memref<128xi32, #tpu.memory_space<vmem>>)
          %dma_wait3A_135 = arith.constant 0 : i32
          %dma_wait3A_136 = arith.constant 0 : i32
          %dma_wait3A_137 = tpu.memref_slice %arg4[%dma_wait3A_135, %dma_wait3A_136] : memref<320000x128xf32, #tpu.memory_space<hbm>> -> memref<128x128xf32, #tpu.memory_space<hbm>>
          %dma_wait3A_138 = arith.constant 0 : i32
          %dma_wait3A_139 = arith.constant 0 : i32
          %dma_wait3A_140 = tpu.memref_slice %arg4[%dma_wait3A_138, %dma_wait3A_139] : memref<320000x128xf32, #tpu.memory_space<hbm>> -> memref<128x128xf32, #tpu.memory_space<hbm>>
          tpu.wait_dma2 semaphore(%arg21 : memref<!tpu.dma_semaphore, #tpu.memory_space<semaphore_mem>>) src(%dma_wait3A_140 : memref<128x128xf32, #tpu.memory_space<hbm>>) dst(%arg19 : memref<128x128xf32, #tpu.memory_space<vmem>>)
          %gt3A = arith.constant 0 : i32
          %gt3A_141 = arith.cmpi sgt, %while3A_85, %gt3A : i32
          %convert_element_type3A_142 = arith.extui %gt3A_141 : i1 to i32
          %cond3A_143 = arith.constant 0 : i32
          %cond3A_144 = arith.cmpi ne, %convert_element_type3A_142, %cond3A_143 : i32
          scf.if %cond3A_144 {
            %dma_wait3A_154 = arith.constant 0 : i32
            %dma_wait3A_155 = arith.constant 0 : i32
            %dma_wait3A_156 = tpu.memref_slice %arg15[%dma_wait3A_154, %dma_wait3A_155] : memref<10112x128xf32, #tpu.memory_space<vmem_shared>> -> memref<10112x128xf32, #tpu.memory_space<vmem_shared>>
            tpu.wait_indirect_dma semaphore(%arg22 : memref<!tpu.dma_semaphore, #tpu.memory_space<semaphore_mem>>) src(%arg18 : memref<128x128xf32, #tpu.memory_space<vmem>>) dst(%dma_wait3A_156 : memref<10112x128xf32, #tpu.memory_space<vmem_shared>>)
          } else {
          }
          %add3A_145 = arith.constant 1 : i32
          %add3A_146 = arith.addi %while3A_85, %add3A_145 : i32
          %lt3A_147 = arith.cmpi slt, %add3A_146, %add3A_4 : i32
          %convert_element_type3A_148 = arith.extui %lt3A_147 : i1 to i32
          %cond3A_149 = arith.constant 0 : i32
          %cond3A_150 = arith.cmpi ne, %convert_element_type3A_148, %cond3A_149 : i32
          scf.if %cond3A_150 {
            %add3A_154 = arith.addi %add3A, %while3A_85 : i32
            %add3A_155 = arith.constant 1 : i32
            %add3A_156 = arith.addi %add3A_154, %add3A_155 : i32
            %mul3A_157 = arith.constant 128 : i32
            %mul3A_158 = arith.muli %add3A_156, %mul3A_157 : i32
            %multiple_of3A_159 = tpu.assume_multiple %mul3A_158, 128 : i32
            %dma_start3A_160 = arith.constant 0 : i32
            %dma_start3A_161 = arith.constant 0 : i32
            %dma_start3A_162 = tpu.memref_slice %arg2[%add3A_156, %dma_start3A_160, %dma_start3A_161] : memref<2500x1x128xi32, #tpu.memory_space<hbm>> -> memref<1x1x128xi32, #tpu.memory_space<hbm>>
            %dma_start3A_163 = tpu.memref_squeeze %dma_start3A_162 : memref<1x1x128xi32, #tpu.memory_space<hbm>> -> memref<128xi32, #tpu.memory_space<hbm>>
            %dma_start3A_164 = arith.constant 0 : i32
            %dma_start3A_165 = tpu.memref_slice %arg2[%add3A_156, %dma_start3A_160, %dma_start3A_164] : memref<2500x1x128xi32, #tpu.memory_space<hbm>> -> memref<1x1x128xi32, #tpu.memory_space<hbm>>
            %dma_start3A_166 = tpu.memref_squeeze %dma_start3A_165 : memref<1x1x128xi32, #tpu.memory_space<hbm>> -> memref<128xi32, #tpu.memory_space<hbm>>
            tpu.enqueue_dma source(%dma_start3A_166 : memref<128xi32, #tpu.memory_space<hbm>>) target(%arg16 : memref<128xi32, #tpu.memory_space<vmem>>) target_semaphore(%arg20 : memref<!tpu.dma_semaphore, #tpu.memory_space<semaphore_mem>>)
            %dma_start3A_167 = arith.constant 0 : i32
            %dma_start3A_168 = tpu.memref_slice %arg4[%multiple_of3A_159, %dma_start3A_167] : memref<320000x128xf32, #tpu.memory_space<hbm>> -> memref<128x128xf32, #tpu.memory_space<hbm>>
            %dma_start3A_169 = arith.constant 0 : i32
            %dma_start3A_170 = tpu.memref_slice %arg4[%multiple_of3A_159, %dma_start3A_169] : memref<320000x128xf32, #tpu.memory_space<hbm>> -> memref<128x128xf32, #tpu.memory_space<hbm>>
            tpu.enqueue_dma source(%dma_start3A_170 : memref<128x128xf32, #tpu.memory_space<hbm>>) target(%arg18 : memref<128x128xf32, #tpu.memory_space<vmem>>) target_semaphore(%arg20 : memref<!tpu.dma_semaphore, #tpu.memory_space<semaphore_mem>>)
          } else {
          }
          %dma_start3A_151 = arith.constant 0 : i32
          %dma_start3A_152 = arith.constant 0 : i32
          %dma_start3A_153 = tpu.memref_slice %arg15[%dma_start3A_151, %dma_start3A_152] : memref<10112x128xf32, #tpu.memory_space<vmem_shared>> -> memref<10112x128xf32, #tpu.memory_space<vmem_shared>>
          tpu.enqueue_indirect_dma source(%arg19 : memref<128x128xf32, #tpu.memory_space<vmem>>) target(%dma_start3A_153 : memref<10112x128xf32, #tpu.memory_space<vmem_shared>>) offsets(%arg17 : memref<128xi32, #tpu.memory_space<vmem>>) semaphore(%arg23 : memref<!tpu.dma_semaphore, #tpu.memory_space<semaphore_mem>>) {add = true}
        } else {
        }
      }
      %jit3A = arith.constant 2 : i32
      %eq3A_47 = arith.constant 0 : i32
      %eq3A_48 = arith.cmpi eq, %jit3A, %eq3A_47 : i32
      %jit3A_49 = arith.constant 1 : i32
      %select_n3A = arith.select %eq3A_48, %jit3A_49, %jit3A : i32
      %rem3A = arith.remsi %add3A_4, %select_n3A : i32
      %ne3A = arith.constant 0 : i32
      %ne3A_50 = arith.cmpi ne, %rem3A, %ne3A : i32
      %lt3A_51 = arith.constant 0 : i32
      %lt3A_52 = arith.cmpi slt, %rem3A, %lt3A_51 : i32
      %lt3A_53 = arith.constant 0 : i32
      %lt3A_54 = arith.cmpi slt, %select_n3A, %lt3A_53 : i32
      %ne3A_55 = arith.xori %lt3A_52, %lt3A_54 : i1
      %and3A = arith.andi %ne3A_55, %ne3A_50 : i1
      %add3A_56 = arith.addi %rem3A, %select_n3A : i32
      %select_n3A_57 = arith.select %and3A, %add3A_56, %rem3A : i32
      %eq3A_58 = arith.constant 1 : i32
      %eq3A_59 = arith.cmpi eq, %select_n3A_57, %eq3A_58 : i32
      %convert_element_type3A_60 = arith.extui %eq3A_59 : i1 to i32
      %cond3A_61 = arith.constant 0 : i32
      %cond3A_62 = arith.cmpi ne, %convert_element_type3A_60, %cond3A_61 : i32
      scf.if %cond3A_62 {
        %dma_wait3A = arith.constant 0 : i32
        %dma_wait3A_85 = arith.constant 0 : i32
        %dma_wait3A_86 = tpu.memref_slice %arg15[%dma_wait3A, %dma_wait3A_85] : memref<10112x128xf32, #tpu.memory_space<vmem_shared>> -> memref<10112x128xf32, #tpu.memory_space<vmem_shared>>
        tpu.wait_indirect_dma semaphore(%arg22 : memref<!tpu.dma_semaphore, #tpu.memory_space<semaphore_mem>>) src(%arg18 : memref<128x128xf32, #tpu.memory_space<vmem>>) dst(%dma_wait3A_86 : memref<10112x128xf32, #tpu.memory_space<vmem_shared>>)
      } else {
      }
      %jit3A_63 = arith.constant 2 : i32
      %eq3A_64 = arith.constant 0 : i32
      %eq3A_65 = arith.cmpi eq, %jit3A_63, %eq3A_64 : i32
      %jit3A_66 = arith.constant 1 : i32
      %select_n3A_67 = arith.select %eq3A_65, %jit3A_66, %jit3A_63 : i32
      %rem3A_68 = arith.remsi %add3A_4, %select_n3A_67 : i32
      %ne3A_69 = arith.constant 0 : i32
      %ne3A_70 = arith.cmpi ne, %rem3A_68, %ne3A_69 : i32
      %lt3A_71 = arith.constant 0 : i32
      %lt3A_72 = arith.cmpi slt, %rem3A_68, %lt3A_71 : i32
      %lt3A_73 = arith.constant 0 : i32
      %lt3A_74 = arith.cmpi slt, %select_n3A_67, %lt3A_73 : i32
      %ne3A_75 = arith.xori %lt3A_72, %lt3A_74 : i1
      %and3A_76 = arith.andi %ne3A_75, %ne3A_70 : i1
      %add3A_77 = arith.addi %rem3A_68, %select_n3A_67 : i32
      %select_n3A_78 = arith.select %and3A_76, %add3A_77, %rem3A_68 : i32
      %eq3A_79 = arith.constant 0 : i32
      %eq3A_80 = arith.cmpi eq, %select_n3A_78, %eq3A_79 : i32
      %convert_element_type3A_81 = arith.extui %eq3A_80 : i1 to i32
      %cond3A_82 = arith.constant 0 : i32
      %cond3A_83 = arith.cmpi ne, %convert_element_type3A_81, %cond3A_82 : i32
      scf.if %cond3A_83 {
        %dma_wait3A = arith.constant 0 : i32
        %dma_wait3A_85 = arith.constant 0 : i32
        %dma_wait3A_86 = tpu.memref_slice %arg15[%dma_wait3A, %dma_wait3A_85] : memref<10112x128xf32, #tpu.memory_space<vmem_shared>> -> memref<10112x128xf32, #tpu.memory_space<vmem_shared>>
        tpu.wait_indirect_dma semaphore(%arg23 : memref<!tpu.dma_semaphore, #tpu.memory_space<semaphore_mem>>) src(%arg19 : memref<128x128xf32, #tpu.memory_space<vmem>>) dst(%dma_wait3A_86 : memref<10112x128xf32, #tpu.memory_space<vmem_shared>>)
      } else {
      }
      %barrier3A_84 = arith.constant 0 : index
      tpu.barrier barrier_id(%barrier3A_84)
      "tpu.region"() ({
        %run_scoped3A = tpu.sem_alloc : memref<!tpu.dma_semaphore, #tpu.memory_space<semaphore_mem>>
        %dma_start3A_85 = arith.constant 0 : i32
        %dma_start3A_86 = tpu.memref_slice %arg12[%multiple_of3A, %dma_start3A_85] : memref<10112x128xf32, #tpu.memory_space<hbm>> -> memref<632x128xf32, #tpu.memory_space<hbm>>
        %dma_start3A_87 = arith.constant 0 : i32
        %dma_start3A_88 = tpu.memref_slice %arg15[%multiple_of3A, %dma_start3A_87] : memref<10112x128xf32, #tpu.memory_space<vmem_shared>> -> memref<632x128xf32, #tpu.memory_space<vmem_shared>>
        tpu.enqueue_dma source(%dma_start3A_88 : memref<632x128xf32, #tpu.memory_space<vmem_shared>>) target(%dma_start3A_86 : memref<632x128xf32, #tpu.memory_space<hbm>>) target_semaphore(%run_scoped3A : memref<!tpu.dma_semaphore, #tpu.memory_space<semaphore_mem>>)
        %dma_wait3A = arith.constant 0 : i32
        %dma_wait3A_89 = tpu.memref_slice %arg12[%multiple_of3A, %dma_wait3A] : memref<10112x128xf32, #tpu.memory_space<hbm>> -> memref<632x128xf32, #tpu.memory_space<hbm>>
        %dma_wait3A_90 = arith.constant 0 : i32
        %dma_wait3A_91 = tpu.memref_slice %arg15[%multiple_of3A, %dma_wait3A_90] : memref<10112x128xf32, #tpu.memory_space<vmem_shared>> -> memref<632x128xf32, #tpu.memory_space<vmem_shared>>
        tpu.wait_dma2 semaphore(%run_scoped3A : memref<!tpu.dma_semaphore, #tpu.memory_space<semaphore_mem>>) src(%dma_wait3A_91 : memref<632x128xf32, #tpu.memory_space<vmem_shared>>) dst(%dma_wait3A_89 : memref<632x128xf32, #tpu.memory_space<hbm>>)
        tpu.yield
      }) : () -> ()
    } else {
    }
    %eq3A_15 = arith.constant 1 : i32
    %eq3A_16 = arith.cmpi eq, %arg0, %eq3A_15 : i32
    %convert_element_type3A_17 = arith.extui %eq3A_16 : i1 to i32
    %cond3A_18 = arith.constant 0 : i32
    %cond3A_19 = arith.cmpi ne, %convert_element_type3A_17, %cond3A_18 : i32
    scf.if %cond3A_19 {
      "tpu.region"() ({
        %run_scoped3A = tpu.sem_alloc : memref<!tpu.dma_semaphore, #tpu.memory_space<semaphore_mem>>
        %dma_start3A_85 = arith.constant 0 : i32
        %dma_start3A_86 = tpu.memref_slice %arg15[%multiple_of3A, %dma_start3A_85] : memref<10112x128xf32, #tpu.memory_space<vmem_shared>> -> memref<632x128xf32, #tpu.memory_space<vmem_shared>>
        %dma_start3A_87 = arith.constant 0 : i32
        %dma_start3A_88 = tpu.memref_slice %arg9[%multiple_of3A, %dma_start3A_87] : memref<10112x128xf32, #tpu.memory_space<hbm>> -> memref<632x128xf32, #tpu.memory_space<hbm>>
        tpu.enqueue_dma source(%dma_start3A_88 : memref<632x128xf32, #tpu.memory_space<hbm>>) target(%dma_start3A_86 : memref<632x128xf32, #tpu.memory_space<vmem_shared>>) target_semaphore(%run_scoped3A : memref<!tpu.dma_semaphore, #tpu.memory_space<semaphore_mem>>)
        %dma_wait3A = arith.constant 0 : i32
        %dma_wait3A_89 = tpu.memref_slice %arg15[%multiple_of3A, %dma_wait3A] : memref<10112x128xf32, #tpu.memory_space<vmem_shared>> -> memref<632x128xf32, #tpu.memory_space<vmem_shared>>
        %dma_wait3A_90 = arith.constant 0 : i32
        %dma_wait3A_91 = tpu.memref_slice %arg9[%multiple_of3A, %dma_wait3A_90] : memref<10112x128xf32, #tpu.memory_space<hbm>> -> memref<632x128xf32, #tpu.memory_space<hbm>>
        tpu.wait_dma2 semaphore(%run_scoped3A : memref<!tpu.dma_semaphore, #tpu.memory_space<semaphore_mem>>) src(%dma_wait3A_91 : memref<632x128xf32, #tpu.memory_space<hbm>>) dst(%dma_wait3A_89 : memref<632x128xf32, #tpu.memory_space<vmem_shared>>)
        tpu.yield
      }) : () -> ()
      %barrier3A = arith.constant 0 : index
      tpu.barrier barrier_id(%barrier3A)
      %mul3A_25 = arith.constant 128 : i32
      %mul3A_26 = arith.muli %add3A, %mul3A_25 : i32
      %multiple_of3A_27 = tpu.assume_multiple %mul3A_26, 128 : i32
      %dma_start3A = arith.constant 0 : i32
      %dma_start3A_28 = arith.constant 0 : i32
      %dma_start3A_29 = tpu.memref_slice %arg2[%add3A, %dma_start3A, %dma_start3A_28] : memref<2500x1x128xi32, #tpu.memory_space<hbm>> -> memref<1x1x128xi32, #tpu.memory_space<hbm>>
      %dma_start3A_30 = tpu.memref_squeeze %dma_start3A_29 : memref<1x1x128xi32, #tpu.memory_space<hbm>> -> memref<128xi32, #tpu.memory_space<hbm>>
      %dma_start3A_31 = arith.constant 0 : i32
      %dma_start3A_32 = tpu.memref_slice %arg2[%add3A, %dma_start3A, %dma_start3A_31] : memref<2500x1x128xi32, #tpu.memory_space<hbm>> -> memref<1x1x128xi32, #tpu.memory_space<hbm>>
      %dma_start3A_33 = tpu.memref_squeeze %dma_start3A_32 : memref<1x1x128xi32, #tpu.memory_space<hbm>> -> memref<128xi32, #tpu.memory_space<hbm>>
      tpu.enqueue_dma source(%dma_start3A_33 : memref<128xi32, #tpu.memory_space<hbm>>) target(%arg16 : memref<128xi32, #tpu.memory_space<vmem>>) target_semaphore(%arg20 : memref<!tpu.dma_semaphore, #tpu.memory_space<semaphore_mem>>)
      %dma_start3A_34 = arith.constant 0 : i32
      %dma_start3A_35 = tpu.memref_slice %arg5[%multiple_of3A_27, %dma_start3A_34] : memref<320000x128xf32, #tpu.memory_space<hbm>> -> memref<128x128xf32, #tpu.memory_space<hbm>>
      %dma_start3A_36 = arith.constant 0 : i32
      %dma_start3A_37 = tpu.memref_slice %arg5[%multiple_of3A_27, %dma_start3A_36] : memref<320000x128xf32, #tpu.memory_space<hbm>> -> memref<128x128xf32, #tpu.memory_space<hbm>>
      tpu.enqueue_dma source(%dma_start3A_37 : memref<128x128xf32, #tpu.memory_space<hbm>>) target(%arg18 : memref<128x128xf32, #tpu.memory_space<vmem>>) target_semaphore(%arg20 : memref<!tpu.dma_semaphore, #tpu.memory_space<semaphore_mem>>)
      %while3A = arith.constant 0 : i32
      %while3A_38 = arith.constant 0 : i32
      %while3A_39 = arith.subi %add3A_4, %while3A_38 : i32
      %while3A_40 = arith.addi %while3A_38, %while3A_39 : i32
      %while3A_41 = arith.constant 1 : i32
      %while3A_42 = arith.divsi %while3A_39, %while3A_41 : i32
      %while3A_43 = arith.muli %while3A_42, %while3A_41 : i32
      %while3A_44 = arith.addi %while3A_38, %while3A_43 : i32
      %while3A_45 = arith.constant 1 : i32
      scf.for %while3A_85 = %while3A_38 to %while3A_44 step %while3A_45  : i32 {
        %jit3A_86 = arith.constant 2 : i32
        %eq3A_87 = arith.constant 0 : i32
        %eq3A_88 = arith.cmpi eq, %jit3A_86, %eq3A_87 : i32
        %jit3A_89 = arith.constant 1 : i32
        %select_n3A_90 = arith.select %eq3A_88, %jit3A_89, %jit3A_86 : i32
        %rem3A_91 = arith.remsi %while3A_85, %select_n3A_90 : i32
        %ne3A_92 = arith.constant 0 : i32
        %ne3A_93 = arith.cmpi ne, %rem3A_91, %ne3A_92 : i32
        %lt3A_94 = arith.constant 0 : i32
        %lt3A_95 = arith.cmpi slt, %rem3A_91, %lt3A_94 : i32
        %lt3A_96 = arith.constant 0 : i32
        %lt3A_97 = arith.cmpi slt, %select_n3A_90, %lt3A_96 : i32
        %ne3A_98 = arith.xori %lt3A_95, %lt3A_97 : i1
        %and3A_99 = arith.andi %ne3A_98, %ne3A_93 : i1
        %add3A_100 = arith.addi %rem3A_91, %select_n3A_90 : i32
        %select_n3A_101 = arith.select %and3A_99, %add3A_100, %rem3A_91 : i32
        %eq3A_102 = arith.constant 0 : i32
        %eq3A_103 = arith.cmpi eq, %select_n3A_101, %eq3A_102 : i32
        %convert_element_type3A_104 = arith.extui %eq3A_103 : i1 to i32
        %cond3A_105 = arith.constant 0 : i32
        %cond3A_106 = arith.cmpi ne, %convert_element_type3A_104, %cond3A_105 : i32
        scf.if %cond3A_106 {
          %dma_wait3A = arith.constant 0 : i32
          %dma_wait3A_128 = arith.constant 0 : i32
          %dma_wait3A_129 = arith.constant 0 : i32
          %dma_wait3A_130 = tpu.memref_slice %arg2[%dma_wait3A, %dma_wait3A_128, %dma_wait3A_129] : memref<2500x1x128xi32, #tpu.memory_space<hbm>> -> memref<1x1x128xi32, #tpu.memory_space<hbm>>
          %dma_wait3A_131 = tpu.memref_squeeze %dma_wait3A_130 : memref<1x1x128xi32, #tpu.memory_space<hbm>> -> memref<128xi32, #tpu.memory_space<hbm>>
          %dma_wait3A_132 = arith.constant 0 : i32
          %dma_wait3A_133 = tpu.memref_slice %arg2[%dma_wait3A, %dma_wait3A_128, %dma_wait3A_132] : memref<2500x1x128xi32, #tpu.memory_space<hbm>> -> memref<1x1x128xi32, #tpu.memory_space<hbm>>
          %dma_wait3A_134 = tpu.memref_squeeze %dma_wait3A_133 : memref<1x1x128xi32, #tpu.memory_space<hbm>> -> memref<128xi32, #tpu.memory_space<hbm>>
          tpu.wait_dma2 semaphore(%arg20 : memref<!tpu.dma_semaphore, #tpu.memory_space<semaphore_mem>>) src(%dma_wait3A_134 : memref<128xi32, #tpu.memory_space<hbm>>) dst(%arg16 : memref<128xi32, #tpu.memory_space<vmem>>)
          %dma_wait3A_135 = arith.constant 0 : i32
          %dma_wait3A_136 = arith.constant 0 : i32
          %dma_wait3A_137 = tpu.memref_slice %arg5[%dma_wait3A_135, %dma_wait3A_136] : memref<320000x128xf32, #tpu.memory_space<hbm>> -> memref<128x128xf32, #tpu.memory_space<hbm>>
          %dma_wait3A_138 = arith.constant 0 : i32
          %dma_wait3A_139 = arith.constant 0 : i32
          %dma_wait3A_140 = tpu.memref_slice %arg5[%dma_wait3A_138, %dma_wait3A_139] : memref<320000x128xf32, #tpu.memory_space<hbm>> -> memref<128x128xf32, #tpu.memory_space<hbm>>
          tpu.wait_dma2 semaphore(%arg20 : memref<!tpu.dma_semaphore, #tpu.memory_space<semaphore_mem>>) src(%dma_wait3A_140 : memref<128x128xf32, #tpu.memory_space<hbm>>) dst(%arg18 : memref<128x128xf32, #tpu.memory_space<vmem>>)
          %gt3A = arith.constant 0 : i32
          %gt3A_141 = arith.cmpi sgt, %while3A_85, %gt3A : i32
          %convert_element_type3A_142 = arith.extui %gt3A_141 : i1 to i32
          %cond3A_143 = arith.constant 0 : i32
          %cond3A_144 = arith.cmpi ne, %convert_element_type3A_142, %cond3A_143 : i32
          scf.if %cond3A_144 {
            %dma_wait3A_154 = arith.constant 0 : i32
            %dma_wait3A_155 = arith.constant 0 : i32
            %dma_wait3A_156 = tpu.memref_slice %arg15[%dma_wait3A_154, %dma_wait3A_155] : memref<10112x128xf32, #tpu.memory_space<vmem_shared>> -> memref<10112x128xf32, #tpu.memory_space<vmem_shared>>
            tpu.wait_indirect_dma semaphore(%arg23 : memref<!tpu.dma_semaphore, #tpu.memory_space<semaphore_mem>>) src(%arg19 : memref<128x128xf32, #tpu.memory_space<vmem>>) dst(%dma_wait3A_156 : memref<10112x128xf32, #tpu.memory_space<vmem_shared>>)
          } else {
          }
          %add3A_145 = arith.constant 1 : i32
          %add3A_146 = arith.addi %while3A_85, %add3A_145 : i32
          %lt3A_147 = arith.cmpi slt, %add3A_146, %add3A_4 : i32
          %convert_element_type3A_148 = arith.extui %lt3A_147 : i1 to i32
          %cond3A_149 = arith.constant 0 : i32
          %cond3A_150 = arith.cmpi ne, %convert_element_type3A_148, %cond3A_149 : i32
          scf.if %cond3A_150 {
            %add3A_154 = arith.addi %add3A, %while3A_85 : i32
            %add3A_155 = arith.constant 1 : i32
            %add3A_156 = arith.addi %add3A_154, %add3A_155 : i32
            %mul3A_157 = arith.constant 128 : i32
            %mul3A_158 = arith.muli %add3A_156, %mul3A_157 : i32
            %multiple_of3A_159 = tpu.assume_multiple %mul3A_158, 128 : i32
            %dma_start3A_160 = arith.constant 0 : i32
            %dma_start3A_161 = arith.constant 0 : i32
            %dma_start3A_162 = tpu.memref_slice %arg2[%add3A_156, %dma_start3A_160, %dma_start3A_161] : memref<2500x1x128xi32, #tpu.memory_space<hbm>> -> memref<1x1x128xi32, #tpu.memory_space<hbm>>
            %dma_start3A_163 = tpu.memref_squeeze %dma_start3A_162 : memref<1x1x128xi32, #tpu.memory_space<hbm>> -> memref<128xi32, #tpu.memory_space<hbm>>
            %dma_start3A_164 = arith.constant 0 : i32
            %dma_start3A_165 = tpu.memref_slice %arg2[%add3A_156, %dma_start3A_160, %dma_start3A_164] : memref<2500x1x128xi32, #tpu.memory_space<hbm>> -> memref<1x1x128xi32, #tpu.memory_space<hbm>>
            %dma_start3A_166 = tpu.memref_squeeze %dma_start3A_165 : memref<1x1x128xi32, #tpu.memory_space<hbm>> -> memref<128xi32, #tpu.memory_space<hbm>>
            tpu.enqueue_dma source(%dma_start3A_166 : memref<128xi32, #tpu.memory_space<hbm>>) target(%arg17 : memref<128xi32, #tpu.memory_space<vmem>>) target_semaphore(%arg21 : memref<!tpu.dma_semaphore, #tpu.memory_space<semaphore_mem>>)
            %dma_start3A_167 = arith.constant 0 : i32
            %dma_start3A_168 = tpu.memref_slice %arg5[%multiple_of3A_159, %dma_start3A_167] : memref<320000x128xf32, #tpu.memory_space<hbm>> -> memref<128x128xf32, #tpu.memory_space<hbm>>
            %dma_start3A_169 = arith.constant 0 : i32
            %dma_start3A_170 = tpu.memref_slice %arg5[%multiple_of3A_159, %dma_start3A_169] : memref<320000x128xf32, #tpu.memory_space<hbm>> -> memref<128x128xf32, #tpu.memory_space<hbm>>
            tpu.enqueue_dma source(%dma_start3A_170 : memref<128x128xf32, #tpu.memory_space<hbm>>) target(%arg19 : memref<128x128xf32, #tpu.memory_space<vmem>>) target_semaphore(%arg21 : memref<!tpu.dma_semaphore, #tpu.memory_space<semaphore_mem>>)
          } else {
          }
          %dma_start3A_151 = arith.constant 0 : i32
          %dma_start3A_152 = arith.constant 0 : i32
          %dma_start3A_153 = tpu.memref_slice %arg15[%dma_start3A_151, %dma_start3A_152] : memref<10112x128xf32, #tpu.memory_space<vmem_shared>> -> memref<10112x128xf32, #tpu.memory_space<vmem_shared>>
          tpu.enqueue_indirect_dma source(%arg18 : memref<128x128xf32, #tpu.memory_space<vmem>>) target(%dma_start3A_153 : memref<10112x128xf32, #tpu.memory_space<vmem_shared>>) offsets(%arg16 : memref<128xi32, #tpu.memory_space<vmem>>) semaphore(%arg22 : memref<!tpu.dma_semaphore, #tpu.memory_space<semaphore_mem>>) {add = true}
        } else {
        }
        %jit3A_107 = arith.constant 2 : i32
        %eq3A_108 = arith.constant 0 : i32
        %eq3A_109 = arith.cmpi eq, %jit3A_107, %eq3A_108 : i32
        %jit3A_110 = arith.constant 1 : i32
        %select_n3A_111 = arith.select %eq3A_109, %jit3A_110, %jit3A_107 : i32
        %rem3A_112 = arith.remsi %while3A_85, %select_n3A_111 : i32
        %ne3A_113 = arith.constant 0 : i32
        %ne3A_114 = arith.cmpi ne, %rem3A_112, %ne3A_113 : i32
        %lt3A_115 = arith.constant 0 : i32
        %lt3A_116 = arith.cmpi slt, %rem3A_112, %lt3A_115 : i32
        %lt3A_117 = arith.constant 0 : i32
        %lt3A_118 = arith.cmpi slt, %select_n3A_111, %lt3A_117 : i32
        %ne3A_119 = arith.xori %lt3A_116, %lt3A_118 : i1
        %and3A_120 = arith.andi %ne3A_119, %ne3A_114 : i1
        %add3A_121 = arith.addi %rem3A_112, %select_n3A_111 : i32
        %select_n3A_122 = arith.select %and3A_120, %add3A_121, %rem3A_112 : i32
        %eq3A_123 = arith.constant 1 : i32
        %eq3A_124 = arith.cmpi eq, %select_n3A_122, %eq3A_123 : i32
        %convert_element_type3A_125 = arith.extui %eq3A_124 : i1 to i32
        %cond3A_126 = arith.constant 0 : i32
        %cond3A_127 = arith.cmpi ne, %convert_element_type3A_125, %cond3A_126 : i32
        scf.if %cond3A_127 {
          %dma_wait3A = arith.constant 0 : i32
          %dma_wait3A_128 = arith.constant 0 : i32
          %dma_wait3A_129 = arith.constant 0 : i32
          %dma_wait3A_130 = tpu.memref_slice %arg2[%dma_wait3A, %dma_wait3A_128, %dma_wait3A_129] : memref<2500x1x128xi32, #tpu.memory_space<hbm>> -> memref<1x1x128xi32, #tpu.memory_space<hbm>>
          %dma_wait3A_131 = tpu.memref_squeeze %dma_wait3A_130 : memref<1x1x128xi32, #tpu.memory_space<hbm>> -> memref<128xi32, #tpu.memory_space<hbm>>
          %dma_wait3A_132 = arith.constant 0 : i32
          %dma_wait3A_133 = tpu.memref_slice %arg2[%dma_wait3A, %dma_wait3A_128, %dma_wait3A_132] : memref<2500x1x128xi32, #tpu.memory_space<hbm>> -> memref<1x1x128xi32, #tpu.memory_space<hbm>>
          %dma_wait3A_134 = tpu.memref_squeeze %dma_wait3A_133 : memref<1x1x128xi32, #tpu.memory_space<hbm>> -> memref<128xi32, #tpu.memory_space<hbm>>
          tpu.wait_dma2 semaphore(%arg21 : memref<!tpu.dma_semaphore, #tpu.memory_space<semaphore_mem>>) src(%dma_wait3A_134 : memref<128xi32, #tpu.memory_space<hbm>>) dst(%arg17 : memref<128xi32, #tpu.memory_space<vmem>>)
          %dma_wait3A_135 = arith.constant 0 : i32
          %dma_wait3A_136 = arith.constant 0 : i32
          %dma_wait3A_137 = tpu.memref_slice %arg5[%dma_wait3A_135, %dma_wait3A_136] : memref<320000x128xf32, #tpu.memory_space<hbm>> -> memref<128x128xf32, #tpu.memory_space<hbm>>
          %dma_wait3A_138 = arith.constant 0 : i32
          %dma_wait3A_139 = arith.constant 0 : i32
          %dma_wait3A_140 = tpu.memref_slice %arg5[%dma_wait3A_138, %dma_wait3A_139] : memref<320000x128xf32, #tpu.memory_space<hbm>> -> memref<128x128xf32, #tpu.memory_space<hbm>>
          tpu.wait_dma2 semaphore(%arg21 : memref<!tpu.dma_semaphore, #tpu.memory_space<semaphore_mem>>) src(%dma_wait3A_140 : memref<128x128xf32, #tpu.memory_space<hbm>>) dst(%arg19 : memref<128x128xf32, #tpu.memory_space<vmem>>)
          %gt3A = arith.constant 0 : i32
          %gt3A_141 = arith.cmpi sgt, %while3A_85, %gt3A : i32
          %convert_element_type3A_142 = arith.extui %gt3A_141 : i1 to i32
          %cond3A_143 = arith.constant 0 : i32
          %cond3A_144 = arith.cmpi ne, %convert_element_type3A_142, %cond3A_143 : i32
          scf.if %cond3A_144 {
            %dma_wait3A_154 = arith.constant 0 : i32
            %dma_wait3A_155 = arith.constant 0 : i32
            %dma_wait3A_156 = tpu.memref_slice %arg15[%dma_wait3A_154, %dma_wait3A_155] : memref<10112x128xf32, #tpu.memory_space<vmem_shared>> -> memref<10112x128xf32, #tpu.memory_space<vmem_shared>>
            tpu.wait_indirect_dma semaphore(%arg22 : memref<!tpu.dma_semaphore, #tpu.memory_space<semaphore_mem>>) src(%arg18 : memref<128x128xf32, #tpu.memory_space<vmem>>) dst(%dma_wait3A_156 : memref<10112x128xf32, #tpu.memory_space<vmem_shared>>)
          } else {
          }
          %add3A_145 = arith.constant 1 : i32
          %add3A_146 = arith.addi %while3A_85, %add3A_145 : i32
          %lt3A_147 = arith.cmpi slt, %add3A_146, %add3A_4 : i32
          %convert_element_type3A_148 = arith.extui %lt3A_147 : i1 to i32
          %cond3A_149 = arith.constant 0 : i32
          %cond3A_150 = arith.cmpi ne, %convert_element_type3A_148, %cond3A_149 : i32
          scf.if %cond3A_150 {
            %add3A_154 = arith.addi %add3A, %while3A_85 : i32
            %add3A_155 = arith.constant 1 : i32
            %add3A_156 = arith.addi %add3A_154, %add3A_155 : i32
            %mul3A_157 = arith.constant 128 : i32
            %mul3A_158 = arith.muli %add3A_156, %mul3A_157 : i32
            %multiple_of3A_159 = tpu.assume_multiple %mul3A_158, 128 : i32
            %dma_start3A_160 = arith.constant 0 : i32
            %dma_start3A_161 = arith.constant 0 : i32
            %dma_start3A_162 = tpu.memref_slice %arg2[%add3A_156, %dma_start3A_160, %dma_start3A_161] : memref<2500x1x128xi32, #tpu.memory_space<hbm>> -> memref<1x1x128xi32, #tpu.memory_space<hbm>>
            %dma_start3A_163 = tpu.memref_squeeze %dma_start3A_162 : memref<1x1x128xi32, #tpu.memory_space<hbm>> -> memref<128xi32, #tpu.memory_space<hbm>>
            %dma_start3A_164 = arith.constant 0 : i32
            %dma_start3A_165 = tpu.memref_slice %arg2[%add3A_156, %dma_start3A_160, %dma_start3A_164] : memref<2500x1x128xi32, #tpu.memory_space<hbm>> -> memref<1x1x128xi32, #tpu.memory_space<hbm>>
            %dma_start3A_166 = tpu.memref_squeeze %dma_start3A_165 : memref<1x1x128xi32, #tpu.memory_space<hbm>> -> memref<128xi32, #tpu.memory_space<hbm>>
            tpu.enqueue_dma source(%dma_start3A_166 : memref<128xi32, #tpu.memory_space<hbm>>) target(%arg16 : memref<128xi32, #tpu.memory_space<vmem>>) target_semaphore(%arg20 : memref<!tpu.dma_semaphore, #tpu.memory_space<semaphore_mem>>)
            %dma_start3A_167 = arith.constant 0 : i32
            %dma_start3A_168 = tpu.memref_slice %arg5[%multiple_of3A_159, %dma_start3A_167] : memref<320000x128xf32, #tpu.memory_space<hbm>> -> memref<128x128xf32, #tpu.memory_space<hbm>>
            %dma_start3A_169 = arith.constant 0 : i32
            %dma_start3A_170 = tpu.memref_slice %arg5[%multiple_of3A_159, %dma_start3A_169] : memref<320000x128xf32, #tpu.memory_space<hbm>> -> memref<128x128xf32, #tpu.memory_space<hbm>>
            tpu.enqueue_dma source(%dma_start3A_170 : memref<128x128xf32, #tpu.memory_space<hbm>>) target(%arg18 : memref<128x128xf32, #tpu.memory_space<vmem>>) target_semaphore(%arg20 : memref<!tpu.dma_semaphore, #tpu.memory_space<semaphore_mem>>)
          } else {
          }
          %dma_start3A_151 = arith.constant 0 : i32
          %dma_start3A_152 = arith.constant 0 : i32
          %dma_start3A_153 = tpu.memref_slice %arg15[%dma_start3A_151, %dma_start3A_152] : memref<10112x128xf32, #tpu.memory_space<vmem_shared>> -> memref<10112x128xf32, #tpu.memory_space<vmem_shared>>
          tpu.enqueue_indirect_dma source(%arg19 : memref<128x128xf32, #tpu.memory_space<vmem>>) target(%dma_start3A_153 : memref<10112x128xf32, #tpu.memory_space<vmem_shared>>) offsets(%arg17 : memref<128xi32, #tpu.memory_space<vmem>>) semaphore(%arg23 : memref<!tpu.dma_semaphore, #tpu.memory_space<semaphore_mem>>) {add = true}
        } else {
        }
      }
      %while3A_46 = arith.constant 1 : i32
      scf.for %while3A_85 = %while3A_44 to %while3A_40 step %while3A_46  : i32 {
        %jit3A_86 = arith.constant 2 : i32
        %eq3A_87 = arith.constant 0 : i32
        %eq3A_88 = arith.cmpi eq, %jit3A_86, %eq3A_87 : i32
        %jit3A_89 = arith.constant 1 : i32
        %select_n3A_90 = arith.select %eq3A_88, %jit3A_89, %jit3A_86 : i32
        %rem3A_91 = arith.remsi %while3A_85, %select_n3A_90 : i32
        %ne3A_92 = arith.constant 0 : i32
        %ne3A_93 = arith.cmpi ne, %rem3A_91, %ne3A_92 : i32
        %lt3A_94 = arith.constant 0 : i32
        %lt3A_95 = arith.cmpi slt, %rem3A_91, %lt3A_94 : i32
        %lt3A_96 = arith.constant 0 : i32
        %lt3A_97 = arith.cmpi slt, %select_n3A_90, %lt3A_96 : i32
        %ne3A_98 = arith.xori %lt3A_95, %lt3A_97 : i1
        %and3A_99 = arith.andi %ne3A_98, %ne3A_93 : i1
        %add3A_100 = arith.addi %rem3A_91, %select_n3A_90 : i32
        %select_n3A_101 = arith.select %and3A_99, %add3A_100, %rem3A_91 : i32
        %eq3A_102 = arith.constant 0 : i32
        %eq3A_103 = arith.cmpi eq, %select_n3A_101, %eq3A_102 : i32
        %convert_element_type3A_104 = arith.extui %eq3A_103 : i1 to i32
        %cond3A_105 = arith.constant 0 : i32
        %cond3A_106 = arith.cmpi ne, %convert_element_type3A_104, %cond3A_105 : i32
        scf.if %cond3A_106 {
          %dma_wait3A = arith.constant 0 : i32
          %dma_wait3A_128 = arith.constant 0 : i32
          %dma_wait3A_129 = arith.constant 0 : i32
          %dma_wait3A_130 = tpu.memref_slice %arg2[%dma_wait3A, %dma_wait3A_128, %dma_wait3A_129] : memref<2500x1x128xi32, #tpu.memory_space<hbm>> -> memref<1x1x128xi32, #tpu.memory_space<hbm>>
          %dma_wait3A_131 = tpu.memref_squeeze %dma_wait3A_130 : memref<1x1x128xi32, #tpu.memory_space<hbm>> -> memref<128xi32, #tpu.memory_space<hbm>>
          %dma_wait3A_132 = arith.constant 0 : i32
          %dma_wait3A_133 = tpu.memref_slice %arg2[%dma_wait3A, %dma_wait3A_128, %dma_wait3A_132] : memref<2500x1x128xi32, #tpu.memory_space<hbm>> -> memref<1x1x128xi32, #tpu.memory_space<hbm>>
          %dma_wait3A_134 = tpu.memref_squeeze %dma_wait3A_133 : memref<1x1x128xi32, #tpu.memory_space<hbm>> -> memref<128xi32, #tpu.memory_space<hbm>>
          tpu.wait_dma2 semaphore(%arg20 : memref<!tpu.dma_semaphore, #tpu.memory_space<semaphore_mem>>) src(%dma_wait3A_134 : memref<128xi32, #tpu.memory_space<hbm>>) dst(%arg16 : memref<128xi32, #tpu.memory_space<vmem>>)
          %dma_wait3A_135 = arith.constant 0 : i32
          %dma_wait3A_136 = arith.constant 0 : i32
          %dma_wait3A_137 = tpu.memref_slice %arg5[%dma_wait3A_135, %dma_wait3A_136] : memref<320000x128xf32, #tpu.memory_space<hbm>> -> memref<128x128xf32, #tpu.memory_space<hbm>>
          %dma_wait3A_138 = arith.constant 0 : i32
          %dma_wait3A_139 = arith.constant 0 : i32
          %dma_wait3A_140 = tpu.memref_slice %arg5[%dma_wait3A_138, %dma_wait3A_139] : memref<320000x128xf32, #tpu.memory_space<hbm>> -> memref<128x128xf32, #tpu.memory_space<hbm>>
          tpu.wait_dma2 semaphore(%arg20 : memref<!tpu.dma_semaphore, #tpu.memory_space<semaphore_mem>>) src(%dma_wait3A_140 : memref<128x128xf32, #tpu.memory_space<hbm>>) dst(%arg18 : memref<128x128xf32, #tpu.memory_space<vmem>>)
          %gt3A = arith.constant 0 : i32
          %gt3A_141 = arith.cmpi sgt, %while3A_85, %gt3A : i32
          %convert_element_type3A_142 = arith.extui %gt3A_141 : i1 to i32
          %cond3A_143 = arith.constant 0 : i32
          %cond3A_144 = arith.cmpi ne, %convert_element_type3A_142, %cond3A_143 : i32
          scf.if %cond3A_144 {
            %dma_wait3A_154 = arith.constant 0 : i32
            %dma_wait3A_155 = arith.constant 0 : i32
            %dma_wait3A_156 = tpu.memref_slice %arg15[%dma_wait3A_154, %dma_wait3A_155] : memref<10112x128xf32, #tpu.memory_space<vmem_shared>> -> memref<10112x128xf32, #tpu.memory_space<vmem_shared>>
            tpu.wait_indirect_dma semaphore(%arg23 : memref<!tpu.dma_semaphore, #tpu.memory_space<semaphore_mem>>) src(%arg19 : memref<128x128xf32, #tpu.memory_space<vmem>>) dst(%dma_wait3A_156 : memref<10112x128xf32, #tpu.memory_space<vmem_shared>>)
          } else {
          }
          %add3A_145 = arith.constant 1 : i32
          %add3A_146 = arith.addi %while3A_85, %add3A_145 : i32
          %lt3A_147 = arith.cmpi slt, %add3A_146, %add3A_4 : i32
          %convert_element_type3A_148 = arith.extui %lt3A_147 : i1 to i32
          %cond3A_149 = arith.constant 0 : i32
          %cond3A_150 = arith.cmpi ne, %convert_element_type3A_148, %cond3A_149 : i32
          scf.if %cond3A_150 {
            %add3A_154 = arith.addi %add3A, %while3A_85 : i32
            %add3A_155 = arith.constant 1 : i32
            %add3A_156 = arith.addi %add3A_154, %add3A_155 : i32
            %mul3A_157 = arith.constant 128 : i32
            %mul3A_158 = arith.muli %add3A_156, %mul3A_157 : i32
            %multiple_of3A_159 = tpu.assume_multiple %mul3A_158, 128 : i32
            %dma_start3A_160 = arith.constant 0 : i32
            %dma_start3A_161 = arith.constant 0 : i32
            %dma_start3A_162 = tpu.memref_slice %arg2[%add3A_156, %dma_start3A_160, %dma_start3A_161] : memref<2500x1x128xi32, #tpu.memory_space<hbm>> -> memref<1x1x128xi32, #tpu.memory_space<hbm>>
            %dma_start3A_163 = tpu.memref_squeeze %dma_start3A_162 : memref<1x1x128xi32, #tpu.memory_space<hbm>> -> memref<128xi32, #tpu.memory_space<hbm>>
            %dma_start3A_164 = arith.constant 0 : i32
            %dma_start3A_165 = tpu.memref_slice %arg2[%add3A_156, %dma_start3A_160, %dma_start3A_164] : memref<2500x1x128xi32, #tpu.memory_space<hbm>> -> memref<1x1x128xi32, #tpu.memory_space<hbm>>
            %dma_start3A_166 = tpu.memref_squeeze %dma_start3A_165 : memref<1x1x128xi32, #tpu.memory_space<hbm>> -> memref<128xi32, #tpu.memory_space<hbm>>
            tpu.enqueue_dma source(%dma_start3A_166 : memref<128xi32, #tpu.memory_space<hbm>>) target(%arg17 : memref<128xi32, #tpu.memory_space<vmem>>) target_semaphore(%arg21 : memref<!tpu.dma_semaphore, #tpu.memory_space<semaphore_mem>>)
            %dma_start3A_167 = arith.constant 0 : i32
            %dma_start3A_168 = tpu.memref_slice %arg5[%multiple_of3A_159, %dma_start3A_167] : memref<320000x128xf32, #tpu.memory_space<hbm>> -> memref<128x128xf32, #tpu.memory_space<hbm>>
            %dma_start3A_169 = arith.constant 0 : i32
            %dma_start3A_170 = tpu.memref_slice %arg5[%multiple_of3A_159, %dma_start3A_169] : memref<320000x128xf32, #tpu.memory_space<hbm>> -> memref<128x128xf32, #tpu.memory_space<hbm>>
            tpu.enqueue_dma source(%dma_start3A_170 : memref<128x128xf32, #tpu.memory_space<hbm>>) target(%arg19 : memref<128x128xf32, #tpu.memory_space<vmem>>) target_semaphore(%arg21 : memref<!tpu.dma_semaphore, #tpu.memory_space<semaphore_mem>>)
          } else {
          }
          %dma_start3A_151 = arith.constant 0 : i32
          %dma_start3A_152 = arith.constant 0 : i32
          %dma_start3A_153 = tpu.memref_slice %arg15[%dma_start3A_151, %dma_start3A_152] : memref<10112x128xf32, #tpu.memory_space<vmem_shared>> -> memref<10112x128xf32, #tpu.memory_space<vmem_shared>>
          tpu.enqueue_indirect_dma source(%arg18 : memref<128x128xf32, #tpu.memory_space<vmem>>) target(%dma_start3A_153 : memref<10112x128xf32, #tpu.memory_space<vmem_shared>>) offsets(%arg16 : memref<128xi32, #tpu.memory_space<vmem>>) semaphore(%arg22 : memref<!tpu.dma_semaphore, #tpu.memory_space<semaphore_mem>>) {add = true}
        } else {
        }
        %jit3A_107 = arith.constant 2 : i32
        %eq3A_108 = arith.constant 0 : i32
        %eq3A_109 = arith.cmpi eq, %jit3A_107, %eq3A_108 : i32
        %jit3A_110 = arith.constant 1 : i32
        %select_n3A_111 = arith.select %eq3A_109, %jit3A_110, %jit3A_107 : i32
        %rem3A_112 = arith.remsi %while3A_85, %select_n3A_111 : i32
        %ne3A_113 = arith.constant 0 : i32
        %ne3A_114 = arith.cmpi ne, %rem3A_112, %ne3A_113 : i32
        %lt3A_115 = arith.constant 0 : i32
        %lt3A_116 = arith.cmpi slt, %rem3A_112, %lt3A_115 : i32
        %lt3A_117 = arith.constant 0 : i32
        %lt3A_118 = arith.cmpi slt, %select_n3A_111, %lt3A_117 : i32
        %ne3A_119 = arith.xori %lt3A_116, %lt3A_118 : i1
        %and3A_120 = arith.andi %ne3A_119, %ne3A_114 : i1
        %add3A_121 = arith.addi %rem3A_112, %select_n3A_111 : i32
        %select_n3A_122 = arith.select %and3A_120, %add3A_121, %rem3A_112 : i32
        %eq3A_123 = arith.constant 1 : i32
        %eq3A_124 = arith.cmpi eq, %select_n3A_122, %eq3A_123 : i32
        %convert_element_type3A_125 = arith.extui %eq3A_124 : i1 to i32
        %cond3A_126 = arith.constant 0 : i32
        %cond3A_127 = arith.cmpi ne, %convert_element_type3A_125, %cond3A_126 : i32
        scf.if %cond3A_127 {
          %dma_wait3A = arith.constant 0 : i32
          %dma_wait3A_128 = arith.constant 0 : i32
          %dma_wait3A_129 = arith.constant 0 : i32
          %dma_wait3A_130 = tpu.memref_slice %arg2[%dma_wait3A, %dma_wait3A_128, %dma_wait3A_129] : memref<2500x1x128xi32, #tpu.memory_space<hbm>> -> memref<1x1x128xi32, #tpu.memory_space<hbm>>
          %dma_wait3A_131 = tpu.memref_squeeze %dma_wait3A_130 : memref<1x1x128xi32, #tpu.memory_space<hbm>> -> memref<128xi32, #tpu.memory_space<hbm>>
          %dma_wait3A_132 = arith.constant 0 : i32
          %dma_wait3A_133 = tpu.memref_slice %arg2[%dma_wait3A, %dma_wait3A_128, %dma_wait3A_132] : memref<2500x1x128xi32, #tpu.memory_space<hbm>> -> memref<1x1x128xi32, #tpu.memory_space<hbm>>
          %dma_wait3A_134 = tpu.memref_squeeze %dma_wait3A_133 : memref<1x1x128xi32, #tpu.memory_space<hbm>> -> memref<128xi32, #tpu.memory_space<hbm>>
          tpu.wait_dma2 semaphore(%arg21 : memref<!tpu.dma_semaphore, #tpu.memory_space<semaphore_mem>>) src(%dma_wait3A_134 : memref<128xi32, #tpu.memory_space<hbm>>) dst(%arg17 : memref<128xi32, #tpu.memory_space<vmem>>)
          %dma_wait3A_135 = arith.constant 0 : i32
          %dma_wait3A_136 = arith.constant 0 : i32
          %dma_wait3A_137 = tpu.memref_slice %arg5[%dma_wait3A_135, %dma_wait3A_136] : memref<320000x128xf32, #tpu.memory_space<hbm>> -> memref<128x128xf32, #tpu.memory_space<hbm>>
          %dma_wait3A_138 = arith.constant 0 : i32
          %dma_wait3A_139 = arith.constant 0 : i32
          %dma_wait3A_140 = tpu.memref_slice %arg5[%dma_wait3A_138, %dma_wait3A_139] : memref<320000x128xf32, #tpu.memory_space<hbm>> -> memref<128x128xf32, #tpu.memory_space<hbm>>
          tpu.wait_dma2 semaphore(%arg21 : memref<!tpu.dma_semaphore, #tpu.memory_space<semaphore_mem>>) src(%dma_wait3A_140 : memref<128x128xf32, #tpu.memory_space<hbm>>) dst(%arg19 : memref<128x128xf32, #tpu.memory_space<vmem>>)
          %gt3A = arith.constant 0 : i32
          %gt3A_141 = arith.cmpi sgt, %while3A_85, %gt3A : i32
          %convert_element_type3A_142 = arith.extui %gt3A_141 : i1 to i32
          %cond3A_143 = arith.constant 0 : i32
          %cond3A_144 = arith.cmpi ne, %convert_element_type3A_142, %cond3A_143 : i32
          scf.if %cond3A_144 {
            %dma_wait3A_154 = arith.constant 0 : i32
            %dma_wait3A_155 = arith.constant 0 : i32
            %dma_wait3A_156 = tpu.memref_slice %arg15[%dma_wait3A_154, %dma_wait3A_155] : memref<10112x128xf32, #tpu.memory_space<vmem_shared>> -> memref<10112x128xf32, #tpu.memory_space<vmem_shared>>
            tpu.wait_indirect_dma semaphore(%arg22 : memref<!tpu.dma_semaphore, #tpu.memory_space<semaphore_mem>>) src(%arg18 : memref<128x128xf32, #tpu.memory_space<vmem>>) dst(%dma_wait3A_156 : memref<10112x128xf32, #tpu.memory_space<vmem_shared>>)
          } else {
          }
          %add3A_145 = arith.constant 1 : i32
          %add3A_146 = arith.addi %while3A_85, %add3A_145 : i32
          %lt3A_147 = arith.cmpi slt, %add3A_146, %add3A_4 : i32
          %convert_element_type3A_148 = arith.extui %lt3A_147 : i1 to i32
          %cond3A_149 = arith.constant 0 : i32
          %cond3A_150 = arith.cmpi ne, %convert_element_type3A_148, %cond3A_149 : i32
          scf.if %cond3A_150 {
            %add3A_154 = arith.addi %add3A, %while3A_85 : i32
            %add3A_155 = arith.constant 1 : i32
            %add3A_156 = arith.addi %add3A_154, %add3A_155 : i32
            %mul3A_157 = arith.constant 128 : i32
            %mul3A_158 = arith.muli %add3A_156, %mul3A_157 : i32
            %multiple_of3A_159 = tpu.assume_multiple %mul3A_158, 128 : i32
            %dma_start3A_160 = arith.constant 0 : i32
            %dma_start3A_161 = arith.constant 0 : i32
            %dma_start3A_162 = tpu.memref_slice %arg2[%add3A_156, %dma_start3A_160, %dma_start3A_161] : memref<2500x1x128xi32, #tpu.memory_space<hbm>> -> memref<1x1x128xi32, #tpu.memory_space<hbm>>
            %dma_start3A_163 = tpu.memref_squeeze %dma_start3A_162 : memref<1x1x128xi32, #tpu.memory_space<hbm>> -> memref<128xi32, #tpu.memory_space<hbm>>
            %dma_start3A_164 = arith.constant 0 : i32
            %dma_start3A_165 = tpu.memref_slice %arg2[%add3A_156, %dma_start3A_160, %dma_start3A_164] : memref<2500x1x128xi32, #tpu.memory_space<hbm>> -> memref<1x1x128xi32, #tpu.memory_space<hbm>>
            %dma_start3A_166 = tpu.memref_squeeze %dma_start3A_165 : memref<1x1x128xi32, #tpu.memory_space<hbm>> -> memref<128xi32, #tpu.memory_space<hbm>>
            tpu.enqueue_dma source(%dma_start3A_166 : memref<128xi32, #tpu.memory_space<hbm>>) target(%arg16 : memref<128xi32, #tpu.memory_space<vmem>>) target_semaphore(%arg20 : memref<!tpu.dma_semaphore, #tpu.memory_space<semaphore_mem>>)
            %dma_start3A_167 = arith.constant 0 : i32
            %dma_start3A_168 = tpu.memref_slice %arg5[%multiple_of3A_159, %dma_start3A_167] : memref<320000x128xf32, #tpu.memory_space<hbm>> -> memref<128x128xf32, #tpu.memory_space<hbm>>
            %dma_start3A_169 = arith.constant 0 : i32
            %dma_start3A_170 = tpu.memref_slice %arg5[%multiple_of3A_159, %dma_start3A_169] : memref<320000x128xf32, #tpu.memory_space<hbm>> -> memref<128x128xf32, #tpu.memory_space<hbm>>
            tpu.enqueue_dma source(%dma_start3A_170 : memref<128x128xf32, #tpu.memory_space<hbm>>) target(%arg18 : memref<128x128xf32, #tpu.memory_space<vmem>>) target_semaphore(%arg20 : memref<!tpu.dma_semaphore, #tpu.memory_space<semaphore_mem>>)
          } else {
          }
          %dma_start3A_151 = arith.constant 0 : i32
          %dma_start3A_152 = arith.constant 0 : i32
          %dma_start3A_153 = tpu.memref_slice %arg15[%dma_start3A_151, %dma_start3A_152] : memref<10112x128xf32, #tpu.memory_space<vmem_shared>> -> memref<10112x128xf32, #tpu.memory_space<vmem_shared>>
          tpu.enqueue_indirect_dma source(%arg19 : memref<128x128xf32, #tpu.memory_space<vmem>>) target(%dma_start3A_153 : memref<10112x128xf32, #tpu.memory_space<vmem_shared>>) offsets(%arg17 : memref<128xi32, #tpu.memory_space<vmem>>) semaphore(%arg23 : memref<!tpu.dma_semaphore, #tpu.memory_space<semaphore_mem>>) {add = true}
        } else {
        }
      }
      %jit3A = arith.constant 2 : i32
      %eq3A_47 = arith.constant 0 : i32
      %eq3A_48 = arith.cmpi eq, %jit3A, %eq3A_47 : i32
      %jit3A_49 = arith.constant 1 : i32
      %select_n3A = arith.select %eq3A_48, %jit3A_49, %jit3A : i32
      %rem3A = arith.remsi %add3A_4, %select_n3A : i32
      %ne3A = arith.constant 0 : i32
      %ne3A_50 = arith.cmpi ne, %rem3A, %ne3A : i32
      %lt3A_51 = arith.constant 0 : i32
      %lt3A_52 = arith.cmpi slt, %rem3A, %lt3A_51 : i32
      %lt3A_53 = arith.constant 0 : i32
      %lt3A_54 = arith.cmpi slt, %select_n3A, %lt3A_53 : i32
      %ne3A_55 = arith.xori %lt3A_52, %lt3A_54 : i1
      %and3A = arith.andi %ne3A_55, %ne3A_50 : i1
      %add3A_56 = arith.addi %rem3A, %select_n3A : i32
      %select_n3A_57 = arith.select %and3A, %add3A_56, %rem3A : i32
      %eq3A_58 = arith.constant 1 : i32
      %eq3A_59 = arith.cmpi eq, %select_n3A_57, %eq3A_58 : i32
      %convert_element_type3A_60 = arith.extui %eq3A_59 : i1 to i32
      %cond3A_61 = arith.constant 0 : i32
      %cond3A_62 = arith.cmpi ne, %convert_element_type3A_60, %cond3A_61 : i32
      scf.if %cond3A_62 {
        %dma_wait3A = arith.constant 0 : i32
        %dma_wait3A_85 = arith.constant 0 : i32
        %dma_wait3A_86 = tpu.memref_slice %arg15[%dma_wait3A, %dma_wait3A_85] : memref<10112x128xf32, #tpu.memory_space<vmem_shared>> -> memref<10112x128xf32, #tpu.memory_space<vmem_shared>>
        tpu.wait_indirect_dma semaphore(%arg22 : memref<!tpu.dma_semaphore, #tpu.memory_space<semaphore_mem>>) src(%arg18 : memref<128x128xf32, #tpu.memory_space<vmem>>) dst(%dma_wait3A_86 : memref<10112x128xf32, #tpu.memory_space<vmem_shared>>)
      } else {
      }
      %jit3A_63 = arith.constant 2 : i32
      %eq3A_64 = arith.constant 0 : i32
      %eq3A_65 = arith.cmpi eq, %jit3A_63, %eq3A_64 : i32
      %jit3A_66 = arith.constant 1 : i32
      %select_n3A_67 = arith.select %eq3A_65, %jit3A_66, %jit3A_63 : i32
      %rem3A_68 = arith.remsi %add3A_4, %select_n3A_67 : i32
      %ne3A_69 = arith.constant 0 : i32
      %ne3A_70 = arith.cmpi ne, %rem3A_68, %ne3A_69 : i32
      %lt3A_71 = arith.constant 0 : i32
      %lt3A_72 = arith.cmpi slt, %rem3A_68, %lt3A_71 : i32
      %lt3A_73 = arith.constant 0 : i32
      %lt3A_74 = arith.cmpi slt, %select_n3A_67, %lt3A_73 : i32
      %ne3A_75 = arith.xori %lt3A_72, %lt3A_74 : i1
      %and3A_76 = arith.andi %ne3A_75, %ne3A_70 : i1
      %add3A_77 = arith.addi %rem3A_68, %select_n3A_67 : i32
      %select_n3A_78 = arith.select %and3A_76, %add3A_77, %rem3A_68 : i32
      %eq3A_79 = arith.constant 0 : i32
      %eq3A_80 = arith.cmpi eq, %select_n3A_78, %eq3A_79 : i32
      %convert_element_type3A_81 = arith.extui %eq3A_80 : i1 to i32
      %cond3A_82 = arith.constant 0 : i32
      %cond3A_83 = arith.cmpi ne, %convert_element_type3A_81, %cond3A_82 : i32
      scf.if %cond3A_83 {
        %dma_wait3A = arith.constant 0 : i32
        %dma_wait3A_85 = arith.constant 0 : i32
        %dma_wait3A_86 = tpu.memref_slice %arg15[%dma_wait3A, %dma_wait3A_85] : memref<10112x128xf32, #tpu.memory_space<vmem_shared>> -> memref<10112x128xf32, #tpu.memory_space<vmem_shared>>
        tpu.wait_indirect_dma semaphore(%arg23 : memref<!tpu.dma_semaphore, #tpu.memory_space<semaphore_mem>>) src(%arg19 : memref<128x128xf32, #tpu.memory_space<vmem>>) dst(%dma_wait3A_86 : memref<10112x128xf32, #tpu.memory_space<vmem_shared>>)
      } else {
      }
      %barrier3A_84 = arith.constant 0 : index
      tpu.barrier barrier_id(%barrier3A_84)
      "tpu.region"() ({
        %run_scoped3A = tpu.sem_alloc : memref<!tpu.dma_semaphore, #tpu.memory_space<semaphore_mem>>
        %dma_start3A_85 = arith.constant 0 : i32
        %dma_start3A_86 = tpu.memref_slice %arg13[%multiple_of3A, %dma_start3A_85] : memref<10112x128xf32, #tpu.memory_space<hbm>> -> memref<632x128xf32, #tpu.memory_space<hbm>>
        %dma_start3A_87 = arith.constant 0 : i32
        %dma_start3A_88 = tpu.memref_slice %arg15[%multiple_of3A, %dma_start3A_87] : memref<10112x128xf32, #tpu.memory_space<vmem_shared>> -> memref<632x128xf32, #tpu.memory_space<vmem_shared>>
        tpu.enqueue_dma source(%dma_start3A_88 : memref<632x128xf32, #tpu.memory_space<vmem_shared>>) target(%dma_start3A_86 : memref<632x128xf32, #tpu.memory_space<hbm>>) target_semaphore(%run_scoped3A : memref<!tpu.dma_semaphore, #tpu.memory_space<semaphore_mem>>)
        %dma_wait3A = arith.constant 0 : i32
        %dma_wait3A_89 = tpu.memref_slice %arg13[%multiple_of3A, %dma_wait3A] : memref<10112x128xf32, #tpu.memory_space<hbm>> -> memref<632x128xf32, #tpu.memory_space<hbm>>
        %dma_wait3A_90 = arith.constant 0 : i32
        %dma_wait3A_91 = tpu.memref_slice %arg15[%multiple_of3A, %dma_wait3A_90] : memref<10112x128xf32, #tpu.memory_space<vmem_shared>> -> memref<632x128xf32, #tpu.memory_space<vmem_shared>>
        tpu.wait_dma2 semaphore(%run_scoped3A : memref<!tpu.dma_semaphore, #tpu.memory_space<semaphore_mem>>) src(%dma_wait3A_91 : memref<632x128xf32, #tpu.memory_space<vmem_shared>>) dst(%dma_wait3A_89 : memref<632x128xf32, #tpu.memory_space<hbm>>)
        tpu.yield
      }) : () -> ()
    } else {
    }
    %eq3A_20 = arith.constant 1 : i32
    %eq3A_21 = arith.cmpi eq, %arg0, %eq3A_20 : i32
    %convert_element_type3A_22 = arith.extui %eq3A_21 : i1 to i32
    %cond3A_23 = arith.constant 0 : i32
    %cond3A_24 = arith.cmpi ne, %convert_element_type3A_22, %cond3A_23 : i32
    scf.if %cond3A_24 {
      "tpu.region"() ({
        %run_scoped3A = tpu.sem_alloc : memref<!tpu.dma_semaphore, #tpu.memory_space<semaphore_mem>>
        %dma_start3A_85 = arith.constant 0 : i32
        %dma_start3A_86 = tpu.memref_slice %arg15[%multiple_of3A, %dma_start3A_85] : memref<10112x128xf32, #tpu.memory_space<vmem_shared>> -> memref<632x128xf32, #tpu.memory_space<vmem_shared>>
        %dma_start3A_87 = arith.constant 0 : i32
        %dma_start3A_88 = tpu.memref_slice %arg10[%multiple_of3A, %dma_start3A_87] : memref<10112x128xf32, #tpu.memory_space<hbm>> -> memref<632x128xf32, #tpu.memory_space<hbm>>
        tpu.enqueue_dma source(%dma_start3A_88 : memref<632x128xf32, #tpu.memory_space<hbm>>) target(%dma_start3A_86 : memref<632x128xf32, #tpu.memory_space<vmem_shared>>) target_semaphore(%run_scoped3A : memref<!tpu.dma_semaphore, #tpu.memory_space<semaphore_mem>>)
        %dma_wait3A = arith.constant 0 : i32
        %dma_wait3A_89 = tpu.memref_slice %arg15[%multiple_of3A, %dma_wait3A] : memref<10112x128xf32, #tpu.memory_space<vmem_shared>> -> memref<632x128xf32, #tpu.memory_space<vmem_shared>>
        %dma_wait3A_90 = arith.constant 0 : i32
        %dma_wait3A_91 = tpu.memref_slice %arg10[%multiple_of3A, %dma_wait3A_90] : memref<10112x128xf32, #tpu.memory_space<hbm>> -> memref<632x128xf32, #tpu.memory_space<hbm>>
        tpu.wait_dma2 semaphore(%run_scoped3A : memref<!tpu.dma_semaphore, #tpu.memory_space<semaphore_mem>>) src(%dma_wait3A_91 : memref<632x128xf32, #tpu.memory_space<hbm>>) dst(%dma_wait3A_89 : memref<632x128xf32, #tpu.memory_space<vmem_shared>>)
        tpu.yield
      }) : () -> ()
      %barrier3A = arith.constant 0 : index
      tpu.barrier barrier_id(%barrier3A)
      %mul3A_25 = arith.constant 128 : i32
      %mul3A_26 = arith.muli %add3A, %mul3A_25 : i32
      %multiple_of3A_27 = tpu.assume_multiple %mul3A_26, 128 : i32
      %dma_start3A = arith.constant 0 : i32
      %dma_start3A_28 = arith.constant 0 : i32
      %dma_start3A_29 = tpu.memref_slice %arg2[%add3A, %dma_start3A, %dma_start3A_28] : memref<2500x1x128xi32, #tpu.memory_space<hbm>> -> memref<1x1x128xi32, #tpu.memory_space<hbm>>
      %dma_start3A_30 = tpu.memref_squeeze %dma_start3A_29 : memref<1x1x128xi32, #tpu.memory_space<hbm>> -> memref<128xi32, #tpu.memory_space<hbm>>
      %dma_start3A_31 = arith.constant 0 : i32
      %dma_start3A_32 = tpu.memref_slice %arg2[%add3A, %dma_start3A, %dma_start3A_31] : memref<2500x1x128xi32, #tpu.memory_space<hbm>> -> memref<1x1x128xi32, #tpu.memory_space<hbm>>
      %dma_start3A_33 = tpu.memref_squeeze %dma_start3A_32 : memref<1x1x128xi32, #tpu.memory_space<hbm>> -> memref<128xi32, #tpu.memory_space<hbm>>
      tpu.enqueue_dma source(%dma_start3A_33 : memref<128xi32, #tpu.memory_space<hbm>>) target(%arg16 : memref<128xi32, #tpu.memory_space<vmem>>) target_semaphore(%arg20 : memref<!tpu.dma_semaphore, #tpu.memory_space<semaphore_mem>>)
      %dma_start3A_34 = arith.constant 0 : i32
      %dma_start3A_35 = tpu.memref_slice %arg6[%multiple_of3A_27, %dma_start3A_34] : memref<320000x128xf32, #tpu.memory_space<hbm>> -> memref<128x128xf32, #tpu.memory_space<hbm>>
      %dma_start3A_36 = arith.constant 0 : i32
      %dma_start3A_37 = tpu.memref_slice %arg6[%multiple_of3A_27, %dma_start3A_36] : memref<320000x128xf32, #tpu.memory_space<hbm>> -> memref<128x128xf32, #tpu.memory_space<hbm>>
      tpu.enqueue_dma source(%dma_start3A_37 : memref<128x128xf32, #tpu.memory_space<hbm>>) target(%arg18 : memref<128x128xf32, #tpu.memory_space<vmem>>) target_semaphore(%arg20 : memref<!tpu.dma_semaphore, #tpu.memory_space<semaphore_mem>>)
      %while3A = arith.constant 0 : i32
      %while3A_38 = arith.constant 0 : i32
      %while3A_39 = arith.subi %add3A_4, %while3A_38 : i32
      %while3A_40 = arith.addi %while3A_38, %while3A_39 : i32
      %while3A_41 = arith.constant 1 : i32
      %while3A_42 = arith.divsi %while3A_39, %while3A_41 : i32
      %while3A_43 = arith.muli %while3A_42, %while3A_41 : i32
      %while3A_44 = arith.addi %while3A_38, %while3A_43 : i32
      %while3A_45 = arith.constant 1 : i32
      scf.for %while3A_85 = %while3A_38 to %while3A_44 step %while3A_45  : i32 {
        %jit3A_86 = arith.constant 2 : i32
        %eq3A_87 = arith.constant 0 : i32
        %eq3A_88 = arith.cmpi eq, %jit3A_86, %eq3A_87 : i32
        %jit3A_89 = arith.constant 1 : i32
        %select_n3A_90 = arith.select %eq3A_88, %jit3A_89, %jit3A_86 : i32
        %rem3A_91 = arith.remsi %while3A_85, %select_n3A_90 : i32
        %ne3A_92 = arith.constant 0 : i32
        %ne3A_93 = arith.cmpi ne, %rem3A_91, %ne3A_92 : i32
        %lt3A_94 = arith.constant 0 : i32
        %lt3A_95 = arith.cmpi slt, %rem3A_91, %lt3A_94 : i32
        %lt3A_96 = arith.constant 0 : i32
        %lt3A_97 = arith.cmpi slt, %select_n3A_90, %lt3A_96 : i32
        %ne3A_98 = arith.xori %lt3A_95, %lt3A_97 : i1
        %and3A_99 = arith.andi %ne3A_98, %ne3A_93 : i1
        %add3A_100 = arith.addi %rem3A_91, %select_n3A_90 : i32
        %select_n3A_101 = arith.select %and3A_99, %add3A_100, %rem3A_91 : i32
        %eq3A_102 = arith.constant 0 : i32
        %eq3A_103 = arith.cmpi eq, %select_n3A_101, %eq3A_102 : i32
        %convert_element_type3A_104 = arith.extui %eq3A_103 : i1 to i32
        %cond3A_105 = arith.constant 0 : i32
        %cond3A_106 = arith.cmpi ne, %convert_element_type3A_104, %cond3A_105 : i32
        scf.if %cond3A_106 {
          %dma_wait3A = arith.constant 0 : i32
          %dma_wait3A_128 = arith.constant 0 : i32
          %dma_wait3A_129 = arith.constant 0 : i32
          %dma_wait3A_130 = tpu.memref_slice %arg2[%dma_wait3A, %dma_wait3A_128, %dma_wait3A_129] : memref<2500x1x128xi32, #tpu.memory_space<hbm>> -> memref<1x1x128xi32, #tpu.memory_space<hbm>>
          %dma_wait3A_131 = tpu.memref_squeeze %dma_wait3A_130 : memref<1x1x128xi32, #tpu.memory_space<hbm>> -> memref<128xi32, #tpu.memory_space<hbm>>
          %dma_wait3A_132 = arith.constant 0 : i32
          %dma_wait3A_133 = tpu.memref_slice %arg2[%dma_wait3A, %dma_wait3A_128, %dma_wait3A_132] : memref<2500x1x128xi32, #tpu.memory_space<hbm>> -> memref<1x1x128xi32, #tpu.memory_space<hbm>>
          %dma_wait3A_134 = tpu.memref_squeeze %dma_wait3A_133 : memref<1x1x128xi32, #tpu.memory_space<hbm>> -> memref<128xi32, #tpu.memory_space<hbm>>
          tpu.wait_dma2 semaphore(%arg20 : memref<!tpu.dma_semaphore, #tpu.memory_space<semaphore_mem>>) src(%dma_wait3A_134 : memref<128xi32, #tpu.memory_space<hbm>>) dst(%arg16 : memref<128xi32, #tpu.memory_space<vmem>>)
          %dma_wait3A_135 = arith.constant 0 : i32
          %dma_wait3A_136 = arith.constant 0 : i32
          %dma_wait3A_137 = tpu.memref_slice %arg6[%dma_wait3A_135, %dma_wait3A_136] : memref<320000x128xf32, #tpu.memory_space<hbm>> -> memref<128x128xf32, #tpu.memory_space<hbm>>
          %dma_wait3A_138 = arith.constant 0 : i32
          %dma_wait3A_139 = arith.constant 0 : i32
          %dma_wait3A_140 = tpu.memref_slice %arg6[%dma_wait3A_138, %dma_wait3A_139] : memref<320000x128xf32, #tpu.memory_space<hbm>> -> memref<128x128xf32, #tpu.memory_space<hbm>>
          tpu.wait_dma2 semaphore(%arg20 : memref<!tpu.dma_semaphore, #tpu.memory_space<semaphore_mem>>) src(%dma_wait3A_140 : memref<128x128xf32, #tpu.memory_space<hbm>>) dst(%arg18 : memref<128x128xf32, #tpu.memory_space<vmem>>)
          %gt3A = arith.constant 0 : i32
          %gt3A_141 = arith.cmpi sgt, %while3A_85, %gt3A : i32
          %convert_element_type3A_142 = arith.extui %gt3A_141 : i1 to i32
          %cond3A_143 = arith.constant 0 : i32
          %cond3A_144 = arith.cmpi ne, %convert_element_type3A_142, %cond3A_143 : i32
          scf.if %cond3A_144 {
            %dma_wait3A_154 = arith.constant 0 : i32
            %dma_wait3A_155 = arith.constant 0 : i32
            %dma_wait3A_156 = tpu.memref_slice %arg15[%dma_wait3A_154, %dma_wait3A_155] : memref<10112x128xf32, #tpu.memory_space<vmem_shared>> -> memref<10112x128xf32, #tpu.memory_space<vmem_shared>>
            tpu.wait_indirect_dma semaphore(%arg23 : memref<!tpu.dma_semaphore, #tpu.memory_space<semaphore_mem>>) src(%arg19 : memref<128x128xf32, #tpu.memory_space<vmem>>) dst(%dma_wait3A_156 : memref<10112x128xf32, #tpu.memory_space<vmem_shared>>)
          } else {
          }
          %add3A_145 = arith.constant 1 : i32
          %add3A_146 = arith.addi %while3A_85, %add3A_145 : i32
          %lt3A_147 = arith.cmpi slt, %add3A_146, %add3A_4 : i32
          %convert_element_type3A_148 = arith.extui %lt3A_147 : i1 to i32
          %cond3A_149 = arith.constant 0 : i32
          %cond3A_150 = arith.cmpi ne, %convert_element_type3A_148, %cond3A_149 : i32
          scf.if %cond3A_150 {
            %add3A_154 = arith.addi %add3A, %while3A_85 : i32
            %add3A_155 = arith.constant 1 : i32
            %add3A_156 = arith.addi %add3A_154, %add3A_155 : i32
            %mul3A_157 = arith.constant 128 : i32
            %mul3A_158 = arith.muli %add3A_156, %mul3A_157 : i32
            %multiple_of3A_159 = tpu.assume_multiple %mul3A_158, 128 : i32
            %dma_start3A_160 = arith.constant 0 : i32
            %dma_start3A_161 = arith.constant 0 : i32
            %dma_start3A_162 = tpu.memref_slice %arg2[%add3A_156, %dma_start3A_160, %dma_start3A_161] : memref<2500x1x128xi32, #tpu.memory_space<hbm>> -> memref<1x1x128xi32, #tpu.memory_space<hbm>>
            %dma_start3A_163 = tpu.memref_squeeze %dma_start3A_162 : memref<1x1x128xi32, #tpu.memory_space<hbm>> -> memref<128xi32, #tpu.memory_space<hbm>>
            %dma_start3A_164 = arith.constant 0 : i32
            %dma_start3A_165 = tpu.memref_slice %arg2[%add3A_156, %dma_start3A_160, %dma_start3A_164] : memref<2500x1x128xi32, #tpu.memory_space<hbm>> -> memref<1x1x128xi32, #tpu.memory_space<hbm>>
            %dma_start3A_166 = tpu.memref_squeeze %dma_start3A_165 : memref<1x1x128xi32, #tpu.memory_space<hbm>> -> memref<128xi32, #tpu.memory_space<hbm>>
            tpu.enqueue_dma source(%dma_start3A_166 : memref<128xi32, #tpu.memory_space<hbm>>) target(%arg17 : memref<128xi32, #tpu.memory_space<vmem>>) target_semaphore(%arg21 : memref<!tpu.dma_semaphore, #tpu.memory_space<semaphore_mem>>)
            %dma_start3A_167 = arith.constant 0 : i32
            %dma_start3A_168 = tpu.memref_slice %arg6[%multiple_of3A_159, %dma_start3A_167] : memref<320000x128xf32, #tpu.memory_space<hbm>> -> memref<128x128xf32, #tpu.memory_space<hbm>>
            %dma_start3A_169 = arith.constant 0 : i32
            %dma_start3A_170 = tpu.memref_slice %arg6[%multiple_of3A_159, %dma_start3A_169] : memref<320000x128xf32, #tpu.memory_space<hbm>> -> memref<128x128xf32, #tpu.memory_space<hbm>>
            tpu.enqueue_dma source(%dma_start3A_170 : memref<128x128xf32, #tpu.memory_space<hbm>>) target(%arg19 : memref<128x128xf32, #tpu.memory_space<vmem>>) target_semaphore(%arg21 : memref<!tpu.dma_semaphore, #tpu.memory_space<semaphore_mem>>)
          } else {
          }
          %dma_start3A_151 = arith.constant 0 : i32
          %dma_start3A_152 = arith.constant 0 : i32
          %dma_start3A_153 = tpu.memref_slice %arg15[%dma_start3A_151, %dma_start3A_152] : memref<10112x128xf32, #tpu.memory_space<vmem_shared>> -> memref<10112x128xf32, #tpu.memory_space<vmem_shared>>
          tpu.enqueue_indirect_dma source(%arg18 : memref<128x128xf32, #tpu.memory_space<vmem>>) target(%dma_start3A_153 : memref<10112x128xf32, #tpu.memory_space<vmem_shared>>) offsets(%arg16 : memref<128xi32, #tpu.memory_space<vmem>>) semaphore(%arg22 : memref<!tpu.dma_semaphore, #tpu.memory_space<semaphore_mem>>) {add = true}
        } else {
        }
        %jit3A_107 = arith.constant 2 : i32
        %eq3A_108 = arith.constant 0 : i32
        %eq3A_109 = arith.cmpi eq, %jit3A_107, %eq3A_108 : i32
        %jit3A_110 = arith.constant 1 : i32
        %select_n3A_111 = arith.select %eq3A_109, %jit3A_110, %jit3A_107 : i32
        %rem3A_112 = arith.remsi %while3A_85, %select_n3A_111 : i32
        %ne3A_113 = arith.constant 0 : i32
        %ne3A_114 = arith.cmpi ne, %rem3A_112, %ne3A_113 : i32
        %lt3A_115 = arith.constant 0 : i32
        %lt3A_116 = arith.cmpi slt, %rem3A_112, %lt3A_115 : i32
        %lt3A_117 = arith.constant 0 : i32
        %lt3A_118 = arith.cmpi slt, %select_n3A_111, %lt3A_117 : i32
        %ne3A_119 = arith.xori %lt3A_116, %lt3A_118 : i1
        %and3A_120 = arith.andi %ne3A_119, %ne3A_114 : i1
        %add3A_121 = arith.addi %rem3A_112, %select_n3A_111 : i32
        %select_n3A_122 = arith.select %and3A_120, %add3A_121, %rem3A_112 : i32
        %eq3A_123 = arith.constant 1 : i32
        %eq3A_124 = arith.cmpi eq, %select_n3A_122, %eq3A_123 : i32
        %convert_element_type3A_125 = arith.extui %eq3A_124 : i1 to i32
        %cond3A_126 = arith.constant 0 : i32
        %cond3A_127 = arith.cmpi ne, %convert_element_type3A_125, %cond3A_126 : i32
        scf.if %cond3A_127 {
          %dma_wait3A = arith.constant 0 : i32
          %dma_wait3A_128 = arith.constant 0 : i32
          %dma_wait3A_129 = arith.constant 0 : i32
          %dma_wait3A_130 = tpu.memref_slice %arg2[%dma_wait3A, %dma_wait3A_128, %dma_wait3A_129] : memref<2500x1x128xi32, #tpu.memory_space<hbm>> -> memref<1x1x128xi32, #tpu.memory_space<hbm>>
          %dma_wait3A_131 = tpu.memref_squeeze %dma_wait3A_130 : memref<1x1x128xi32, #tpu.memory_space<hbm>> -> memref<128xi32, #tpu.memory_space<hbm>>
          %dma_wait3A_132 = arith.constant 0 : i32
          %dma_wait3A_133 = tpu.memref_slice %arg2[%dma_wait3A, %dma_wait3A_128, %dma_wait3A_132] : memref<2500x1x128xi32, #tpu.memory_space<hbm>> -> memref<1x1x128xi32, #tpu.memory_space<hbm>>
          %dma_wait3A_134 = tpu.memref_squeeze %dma_wait3A_133 : memref<1x1x128xi32, #tpu.memory_space<hbm>> -> memref<128xi32, #tpu.memory_space<hbm>>
          tpu.wait_dma2 semaphore(%arg21 : memref<!tpu.dma_semaphore, #tpu.memory_space<semaphore_mem>>) src(%dma_wait3A_134 : memref<128xi32, #tpu.memory_space<hbm>>) dst(%arg17 : memref<128xi32, #tpu.memory_space<vmem>>)
          %dma_wait3A_135 = arith.constant 0 : i32
          %dma_wait3A_136 = arith.constant 0 : i32
          %dma_wait3A_137 = tpu.memref_slice %arg6[%dma_wait3A_135, %dma_wait3A_136] : memref<320000x128xf32, #tpu.memory_space<hbm>> -> memref<128x128xf32, #tpu.memory_space<hbm>>
          %dma_wait3A_138 = arith.constant 0 : i32
          %dma_wait3A_139 = arith.constant 0 : i32
          %dma_wait3A_140 = tpu.memref_slice %arg6[%dma_wait3A_138, %dma_wait3A_139] : memref<320000x128xf32, #tpu.memory_space<hbm>> -> memref<128x128xf32, #tpu.memory_space<hbm>>
          tpu.wait_dma2 semaphore(%arg21 : memref<!tpu.dma_semaphore, #tpu.memory_space<semaphore_mem>>) src(%dma_wait3A_140 : memref<128x128xf32, #tpu.memory_space<hbm>>) dst(%arg19 : memref<128x128xf32, #tpu.memory_space<vmem>>)
          %gt3A = arith.constant 0 : i32
          %gt3A_141 = arith.cmpi sgt, %while3A_85, %gt3A : i32
          %convert_element_type3A_142 = arith.extui %gt3A_141 : i1 to i32
          %cond3A_143 = arith.constant 0 : i32
          %cond3A_144 = arith.cmpi ne, %convert_element_type3A_142, %cond3A_143 : i32
          scf.if %cond3A_144 {
            %dma_wait3A_154 = arith.constant 0 : i32
            %dma_wait3A_155 = arith.constant 0 : i32
            %dma_wait3A_156 = tpu.memref_slice %arg15[%dma_wait3A_154, %dma_wait3A_155] : memref<10112x128xf32, #tpu.memory_space<vmem_shared>> -> memref<10112x128xf32, #tpu.memory_space<vmem_shared>>
            tpu.wait_indirect_dma semaphore(%arg22 : memref<!tpu.dma_semaphore, #tpu.memory_space<semaphore_mem>>) src(%arg18 : memref<128x128xf32, #tpu.memory_space<vmem>>) dst(%dma_wait3A_156 : memref<10112x128xf32, #tpu.memory_space<vmem_shared>>)
          } else {
          }
          %add3A_145 = arith.constant 1 : i32
          %add3A_146 = arith.addi %while3A_85, %add3A_145 : i32
          %lt3A_147 = arith.cmpi slt, %add3A_146, %add3A_4 : i32
          %convert_element_type3A_148 = arith.extui %lt3A_147 : i1 to i32
          %cond3A_149 = arith.constant 0 : i32
          %cond3A_150 = arith.cmpi ne, %convert_element_type3A_148, %cond3A_149 : i32
          scf.if %cond3A_150 {
            %add3A_154 = arith.addi %add3A, %while3A_85 : i32
            %add3A_155 = arith.constant 1 : i32
            %add3A_156 = arith.addi %add3A_154, %add3A_155 : i32
            %mul3A_157 = arith.constant 128 : i32
            %mul3A_158 = arith.muli %add3A_156, %mul3A_157 : i32
            %multiple_of3A_159 = tpu.assume_multiple %mul3A_158, 128 : i32
            %dma_start3A_160 = arith.constant 0 : i32
            %dma_start3A_161 = arith.constant 0 : i32
            %dma_start3A_162 = tpu.memref_slice %arg2[%add3A_156, %dma_start3A_160, %dma_start3A_161] : memref<2500x1x128xi32, #tpu.memory_space<hbm>> -> memref<1x1x128xi32, #tpu.memory_space<hbm>>
            %dma_start3A_163 = tpu.memref_squeeze %dma_start3A_162 : memref<1x1x128xi32, #tpu.memory_space<hbm>> -> memref<128xi32, #tpu.memory_space<hbm>>
            %dma_start3A_164 = arith.constant 0 : i32
            %dma_start3A_165 = tpu.memref_slice %arg2[%add3A_156, %dma_start3A_160, %dma_start3A_164] : memref<2500x1x128xi32, #tpu.memory_space<hbm>> -> memref<1x1x128xi32, #tpu.memory_space<hbm>>
            %dma_start3A_166 = tpu.memref_squeeze %dma_start3A_165 : memref<1x1x128xi32, #tpu.memory_space<hbm>> -> memref<128xi32, #tpu.memory_space<hbm>>
            tpu.enqueue_dma source(%dma_start3A_166 : memref<128xi32, #tpu.memory_space<hbm>>) target(%arg16 : memref<128xi32, #tpu.memory_space<vmem>>) target_semaphore(%arg20 : memref<!tpu.dma_semaphore, #tpu.memory_space<semaphore_mem>>)
            %dma_start3A_167 = arith.constant 0 : i32
            %dma_start3A_168 = tpu.memref_slice %arg6[%multiple_of3A_159, %dma_start3A_167] : memref<320000x128xf32, #tpu.memory_space<hbm>> -> memref<128x128xf32, #tpu.memory_space<hbm>>
            %dma_start3A_169 = arith.constant 0 : i32
            %dma_start3A_170 = tpu.memref_slice %arg6[%multiple_of3A_159, %dma_start3A_169] : memref<320000x128xf32, #tpu.memory_space<hbm>> -> memref<128x128xf32, #tpu.memory_space<hbm>>
            tpu.enqueue_dma source(%dma_start3A_170 : memref<128x128xf32, #tpu.memory_space<hbm>>) target(%arg18 : memref<128x128xf32, #tpu.memory_space<vmem>>) target_semaphore(%arg20 : memref<!tpu.dma_semaphore, #tpu.memory_space<semaphore_mem>>)
          } else {
          }
          %dma_start3A_151 = arith.constant 0 : i32
          %dma_start3A_152 = arith.constant 0 : i32
          %dma_start3A_153 = tpu.memref_slice %arg15[%dma_start3A_151, %dma_start3A_152] : memref<10112x128xf32, #tpu.memory_space<vmem_shared>> -> memref<10112x128xf32, #tpu.memory_space<vmem_shared>>
          tpu.enqueue_indirect_dma source(%arg19 : memref<128x128xf32, #tpu.memory_space<vmem>>) target(%dma_start3A_153 : memref<10112x128xf32, #tpu.memory_space<vmem_shared>>) offsets(%arg17 : memref<128xi32, #tpu.memory_space<vmem>>) semaphore(%arg23 : memref<!tpu.dma_semaphore, #tpu.memory_space<semaphore_mem>>) {add = true}
        } else {
        }
      }
      %while3A_46 = arith.constant 1 : i32
      scf.for %while3A_85 = %while3A_44 to %while3A_40 step %while3A_46  : i32 {
        %jit3A_86 = arith.constant 2 : i32
        %eq3A_87 = arith.constant 0 : i32
        %eq3A_88 = arith.cmpi eq, %jit3A_86, %eq3A_87 : i32
        %jit3A_89 = arith.constant 1 : i32
        %select_n3A_90 = arith.select %eq3A_88, %jit3A_89, %jit3A_86 : i32
        %rem3A_91 = arith.remsi %while3A_85, %select_n3A_90 : i32
        %ne3A_92 = arith.constant 0 : i32
        %ne3A_93 = arith.cmpi ne, %rem3A_91, %ne3A_92 : i32
        %lt3A_94 = arith.constant 0 : i32
        %lt3A_95 = arith.cmpi slt, %rem3A_91, %lt3A_94 : i32
        %lt3A_96 = arith.constant 0 : i32
        %lt3A_97 = arith.cmpi slt, %select_n3A_90, %lt3A_96 : i32
        %ne3A_98 = arith.xori %lt3A_95, %lt3A_97 : i1
        %and3A_99 = arith.andi %ne3A_98, %ne3A_93 : i1
        %add3A_100 = arith.addi %rem3A_91, %select_n3A_90 : i32
        %select_n3A_101 = arith.select %and3A_99, %add3A_100, %rem3A_91 : i32
        %eq3A_102 = arith.constant 0 : i32
        %eq3A_103 = arith.cmpi eq, %select_n3A_101, %eq3A_102 : i32
        %convert_element_type3A_104 = arith.extui %eq3A_103 : i1 to i32
        %cond3A_105 = arith.constant 0 : i32
        %cond3A_106 = arith.cmpi ne, %convert_element_type3A_104, %cond3A_105 : i32
        scf.if %cond3A_106 {
          %dma_wait3A = arith.constant 0 : i32
          %dma_wait3A_128 = arith.constant 0 : i32
          %dma_wait3A_129 = arith.constant 0 : i32
          %dma_wait3A_130 = tpu.memref_slice %arg2[%dma_wait3A, %dma_wait3A_128, %dma_wait3A_129] : memref<2500x1x128xi32, #tpu.memory_space<hbm>> -> memref<1x1x128xi32, #tpu.memory_space<hbm>>
          %dma_wait3A_131 = tpu.memref_squeeze %dma_wait3A_130 : memref<1x1x128xi32, #tpu.memory_space<hbm>> -> memref<128xi32, #tpu.memory_space<hbm>>
          %dma_wait3A_132 = arith.constant 0 : i32
          %dma_wait3A_133 = tpu.memref_slice %arg2[%dma_wait3A, %dma_wait3A_128, %dma_wait3A_132] : memref<2500x1x128xi32, #tpu.memory_space<hbm>> -> memref<1x1x128xi32, #tpu.memory_space<hbm>>
          %dma_wait3A_134 = tpu.memref_squeeze %dma_wait3A_133 : memref<1x1x128xi32, #tpu.memory_space<hbm>> -> memref<128xi32, #tpu.memory_space<hbm>>
          tpu.wait_dma2 semaphore(%arg20 : memref<!tpu.dma_semaphore, #tpu.memory_space<semaphore_mem>>) src(%dma_wait3A_134 : memref<128xi32, #tpu.memory_space<hbm>>) dst(%arg16 : memref<128xi32, #tpu.memory_space<vmem>>)
          %dma_wait3A_135 = arith.constant 0 : i32
          %dma_wait3A_136 = arith.constant 0 : i32
          %dma_wait3A_137 = tpu.memref_slice %arg6[%dma_wait3A_135, %dma_wait3A_136] : memref<320000x128xf32, #tpu.memory_space<hbm>> -> memref<128x128xf32, #tpu.memory_space<hbm>>
          %dma_wait3A_138 = arith.constant 0 : i32
          %dma_wait3A_139 = arith.constant 0 : i32
          %dma_wait3A_140 = tpu.memref_slice %arg6[%dma_wait3A_138, %dma_wait3A_139] : memref<320000x128xf32, #tpu.memory_space<hbm>> -> memref<128x128xf32, #tpu.memory_space<hbm>>
          tpu.wait_dma2 semaphore(%arg20 : memref<!tpu.dma_semaphore, #tpu.memory_space<semaphore_mem>>) src(%dma_wait3A_140 : memref<128x128xf32, #tpu.memory_space<hbm>>) dst(%arg18 : memref<128x128xf32, #tpu.memory_space<vmem>>)
          %gt3A = arith.constant 0 : i32
          %gt3A_141 = arith.cmpi sgt, %while3A_85, %gt3A : i32
          %convert_element_type3A_142 = arith.extui %gt3A_141 : i1 to i32
          %cond3A_143 = arith.constant 0 : i32
          %cond3A_144 = arith.cmpi ne, %convert_element_type3A_142, %cond3A_143 : i32
          scf.if %cond3A_144 {
            %dma_wait3A_154 = arith.constant 0 : i32
            %dma_wait3A_155 = arith.constant 0 : i32
            %dma_wait3A_156 = tpu.memref_slice %arg15[%dma_wait3A_154, %dma_wait3A_155] : memref<10112x128xf32, #tpu.memory_space<vmem_shared>> -> memref<10112x128xf32, #tpu.memory_space<vmem_shared>>
            tpu.wait_indirect_dma semaphore(%arg23 : memref<!tpu.dma_semaphore, #tpu.memory_space<semaphore_mem>>) src(%arg19 : memref<128x128xf32, #tpu.memory_space<vmem>>) dst(%dma_wait3A_156 : memref<10112x128xf32, #tpu.memory_space<vmem_shared>>)
          } else {
          }
          %add3A_145 = arith.constant 1 : i32
          %add3A_146 = arith.addi %while3A_85, %add3A_145 : i32
          %lt3A_147 = arith.cmpi slt, %add3A_146, %add3A_4 : i32
          %convert_element_type3A_148 = arith.extui %lt3A_147 : i1 to i32
          %cond3A_149 = arith.constant 0 : i32
          %cond3A_150 = arith.cmpi ne, %convert_element_type3A_148, %cond3A_149 : i32
          scf.if %cond3A_150 {
            %add3A_154 = arith.addi %add3A, %while3A_85 : i32
            %add3A_155 = arith.constant 1 : i32
            %add3A_156 = arith.addi %add3A_154, %add3A_155 : i32
            %mul3A_157 = arith.constant 128 : i32
            %mul3A_158 = arith.muli %add3A_156, %mul3A_157 : i32
            %multiple_of3A_159 = tpu.assume_multiple %mul3A_158, 128 : i32
            %dma_start3A_160 = arith.constant 0 : i32
            %dma_start3A_161 = arith.constant 0 : i32
            %dma_start3A_162 = tpu.memref_slice %arg2[%add3A_156, %dma_start3A_160, %dma_start3A_161] : memref<2500x1x128xi32, #tpu.memory_space<hbm>> -> memref<1x1x128xi32, #tpu.memory_space<hbm>>
            %dma_start3A_163 = tpu.memref_squeeze %dma_start3A_162 : memref<1x1x128xi32, #tpu.memory_space<hbm>> -> memref<128xi32, #tpu.memory_space<hbm>>
            %dma_start3A_164 = arith.constant 0 : i32
            %dma_start3A_165 = tpu.memref_slice %arg2[%add3A_156, %dma_start3A_160, %dma_start3A_164] : memref<2500x1x128xi32, #tpu.memory_space<hbm>> -> memref<1x1x128xi32, #tpu.memory_space<hbm>>
            %dma_start3A_166 = tpu.memref_squeeze %dma_start3A_165 : memref<1x1x128xi32, #tpu.memory_space<hbm>> -> memref<128xi32, #tpu.memory_space<hbm>>
            tpu.enqueue_dma source(%dma_start3A_166 : memref<128xi32, #tpu.memory_space<hbm>>) target(%arg17 : memref<128xi32, #tpu.memory_space<vmem>>) target_semaphore(%arg21 : memref<!tpu.dma_semaphore, #tpu.memory_space<semaphore_mem>>)
            %dma_start3A_167 = arith.constant 0 : i32
            %dma_start3A_168 = tpu.memref_slice %arg6[%multiple_of3A_159, %dma_start3A_167] : memref<320000x128xf32, #tpu.memory_space<hbm>> -> memref<128x128xf32, #tpu.memory_space<hbm>>
            %dma_start3A_169 = arith.constant 0 : i32
            %dma_start3A_170 = tpu.memref_slice %arg6[%multiple_of3A_159, %dma_start3A_169] : memref<320000x128xf32, #tpu.memory_space<hbm>> -> memref<128x128xf32, #tpu.memory_space<hbm>>
            tpu.enqueue_dma source(%dma_start3A_170 : memref<128x128xf32, #tpu.memory_space<hbm>>) target(%arg19 : memref<128x128xf32, #tpu.memory_space<vmem>>) target_semaphore(%arg21 : memref<!tpu.dma_semaphore, #tpu.memory_space<semaphore_mem>>)
          } else {
          }
          %dma_start3A_151 = arith.constant 0 : i32
          %dma_start3A_152 = arith.constant 0 : i32
          %dma_start3A_153 = tpu.memref_slice %arg15[%dma_start3A_151, %dma_start3A_152] : memref<10112x128xf32, #tpu.memory_space<vmem_shared>> -> memref<10112x128xf32, #tpu.memory_space<vmem_shared>>
          tpu.enqueue_indirect_dma source(%arg18 : memref<128x128xf32, #tpu.memory_space<vmem>>) target(%dma_start3A_153 : memref<10112x128xf32, #tpu.memory_space<vmem_shared>>) offsets(%arg16 : memref<128xi32, #tpu.memory_space<vmem>>) semaphore(%arg22 : memref<!tpu.dma_semaphore, #tpu.memory_space<semaphore_mem>>) {add = true}
        } else {
        }
        %jit3A_107 = arith.constant 2 : i32
        %eq3A_108 = arith.constant 0 : i32
        %eq3A_109 = arith.cmpi eq, %jit3A_107, %eq3A_108 : i32
        %jit3A_110 = arith.constant 1 : i32
        %select_n3A_111 = arith.select %eq3A_109, %jit3A_110, %jit3A_107 : i32
        %rem3A_112 = arith.remsi %while3A_85, %select_n3A_111 : i32
        %ne3A_113 = arith.constant 0 : i32
        %ne3A_114 = arith.cmpi ne, %rem3A_112, %ne3A_113 : i32
        %lt3A_115 = arith.constant 0 : i32
        %lt3A_116 = arith.cmpi slt, %rem3A_112, %lt3A_115 : i32
        %lt3A_117 = arith.constant 0 : i32
        %lt3A_118 = arith.cmpi slt, %select_n3A_111, %lt3A_117 : i32
        %ne3A_119 = arith.xori %lt3A_116, %lt3A_118 : i1
        %and3A_120 = arith.andi %ne3A_119, %ne3A_114 : i1
        %add3A_121 = arith.addi %rem3A_112, %select_n3A_111 : i32
        %select_n3A_122 = arith.select %and3A_120, %add3A_121, %rem3A_112 : i32
        %eq3A_123 = arith.constant 1 : i32
        %eq3A_124 = arith.cmpi eq, %select_n3A_122, %eq3A_123 : i32
        %convert_element_type3A_125 = arith.extui %eq3A_124 : i1 to i32
        %cond3A_126 = arith.constant 0 : i32
        %cond3A_127 = arith.cmpi ne, %convert_element_type3A_125, %cond3A_126 : i32
        scf.if %cond3A_127 {
          %dma_wait3A = arith.constant 0 : i32
          %dma_wait3A_128 = arith.constant 0 : i32
          %dma_wait3A_129 = arith.constant 0 : i32
          %dma_wait3A_130 = tpu.memref_slice %arg2[%dma_wait3A, %dma_wait3A_128, %dma_wait3A_129] : memref<2500x1x128xi32, #tpu.memory_space<hbm>> -> memref<1x1x128xi32, #tpu.memory_space<hbm>>
          %dma_wait3A_131 = tpu.memref_squeeze %dma_wait3A_130 : memref<1x1x128xi32, #tpu.memory_space<hbm>> -> memref<128xi32, #tpu.memory_space<hbm>>
          %dma_wait3A_132 = arith.constant 0 : i32
          %dma_wait3A_133 = tpu.memref_slice %arg2[%dma_wait3A, %dma_wait3A_128, %dma_wait3A_132] : memref<2500x1x128xi32, #tpu.memory_space<hbm>> -> memref<1x1x128xi32, #tpu.memory_space<hbm>>
          %dma_wait3A_134 = tpu.memref_squeeze %dma_wait3A_133 : memref<1x1x128xi32, #tpu.memory_space<hbm>> -> memref<128xi32, #tpu.memory_space<hbm>>
          tpu.wait_dma2 semaphore(%arg21 : memref<!tpu.dma_semaphore, #tpu.memory_space<semaphore_mem>>) src(%dma_wait3A_134 : memref<128xi32, #tpu.memory_space<hbm>>) dst(%arg17 : memref<128xi32, #tpu.memory_space<vmem>>)
          %dma_wait3A_135 = arith.constant 0 : i32
          %dma_wait3A_136 = arith.constant 0 : i32
          %dma_wait3A_137 = tpu.memref_slice %arg6[%dma_wait3A_135, %dma_wait3A_136] : memref<320000x128xf32, #tpu.memory_space<hbm>> -> memref<128x128xf32, #tpu.memory_space<hbm>>
          %dma_wait3A_138 = arith.constant 0 : i32
          %dma_wait3A_139 = arith.constant 0 : i32
          %dma_wait3A_140 = tpu.memref_slice %arg6[%dma_wait3A_138, %dma_wait3A_139] : memref<320000x128xf32, #tpu.memory_space<hbm>> -> memref<128x128xf32, #tpu.memory_space<hbm>>
          tpu.wait_dma2 semaphore(%arg21 : memref<!tpu.dma_semaphore, #tpu.memory_space<semaphore_mem>>) src(%dma_wait3A_140 : memref<128x128xf32, #tpu.memory_space<hbm>>) dst(%arg19 : memref<128x128xf32, #tpu.memory_space<vmem>>)
          %gt3A = arith.constant 0 : i32
          %gt3A_141 = arith.cmpi sgt, %while3A_85, %gt3A : i32
          %convert_element_type3A_142 = arith.extui %gt3A_141 : i1 to i32
          %cond3A_143 = arith.constant 0 : i32
          %cond3A_144 = arith.cmpi ne, %convert_element_type3A_142, %cond3A_143 : i32
          scf.if %cond3A_144 {
            %dma_wait3A_154 = arith.constant 0 : i32
            %dma_wait3A_155 = arith.constant 0 : i32
            %dma_wait3A_156 = tpu.memref_slice %arg15[%dma_wait3A_154, %dma_wait3A_155] : memref<10112x128xf32, #tpu.memory_space<vmem_shared>> -> memref<10112x128xf32, #tpu.memory_space<vmem_shared>>
            tpu.wait_indirect_dma semaphore(%arg22 : memref<!tpu.dma_semaphore, #tpu.memory_space<semaphore_mem>>) src(%arg18 : memref<128x128xf32, #tpu.memory_space<vmem>>) dst(%dma_wait3A_156 : memref<10112x128xf32, #tpu.memory_space<vmem_shared>>)
          } else {
          }
          %add3A_145 = arith.constant 1 : i32
          %add3A_146 = arith.addi %while3A_85, %add3A_145 : i32
          %lt3A_147 = arith.cmpi slt, %add3A_146, %add3A_4 : i32
          %convert_element_type3A_148 = arith.extui %lt3A_147 : i1 to i32
          %cond3A_149 = arith.constant 0 : i32
          %cond3A_150 = arith.cmpi ne, %convert_element_type3A_148, %cond3A_149 : i32
          scf.if %cond3A_150 {
            %add3A_154 = arith.addi %add3A, %while3A_85 : i32
            %add3A_155 = arith.constant 1 : i32
            %add3A_156 = arith.addi %add3A_154, %add3A_155 : i32
            %mul3A_157 = arith.constant 128 : i32
            %mul3A_158 = arith.muli %add3A_156, %mul3A_157 : i32
            %multiple_of3A_159 = tpu.assume_multiple %mul3A_158, 128 : i32
            %dma_start3A_160 = arith.constant 0 : i32
            %dma_start3A_161 = arith.constant 0 : i32
            %dma_start3A_162 = tpu.memref_slice %arg2[%add3A_156, %dma_start3A_160, %dma_start3A_161] : memref<2500x1x128xi32, #tpu.memory_space<hbm>> -> memref<1x1x128xi32, #tpu.memory_space<hbm>>
            %dma_start3A_163 = tpu.memref_squeeze %dma_start3A_162 : memref<1x1x128xi32, #tpu.memory_space<hbm>> -> memref<128xi32, #tpu.memory_space<hbm>>
            %dma_start3A_164 = arith.constant 0 : i32
            %dma_start3A_165 = tpu.memref_slice %arg2[%add3A_156, %dma_start3A_160, %dma_start3A_164] : memref<2500x1x128xi32, #tpu.memory_space<hbm>> -> memref<1x1x128xi32, #tpu.memory_space<hbm>>
            %dma_start3A_166 = tpu.memref_squeeze %dma_start3A_165 : memref<1x1x128xi32, #tpu.memory_space<hbm>> -> memref<128xi32, #tpu.memory_space<hbm>>
            tpu.enqueue_dma source(%dma_start3A_166 : memref<128xi32, #tpu.memory_space<hbm>>) target(%arg16 : memref<128xi32, #tpu.memory_space<vmem>>) target_semaphore(%arg20 : memref<!tpu.dma_semaphore, #tpu.memory_space<semaphore_mem>>)
            %dma_start3A_167 = arith.constant 0 : i32
            %dma_start3A_168 = tpu.memref_slice %arg6[%multiple_of3A_159, %dma_start3A_167] : memref<320000x128xf32, #tpu.memory_space<hbm>> -> memref<128x128xf32, #tpu.memory_space<hbm>>
            %dma_start3A_169 = arith.constant 0 : i32
            %dma_start3A_170 = tpu.memref_slice %arg6[%multiple_of3A_159, %dma_start3A_169] : memref<320000x128xf32, #tpu.memory_space<hbm>> -> memref<128x128xf32, #tpu.memory_space<hbm>>
            tpu.enqueue_dma source(%dma_start3A_170 : memref<128x128xf32, #tpu.memory_space<hbm>>) target(%arg18 : memref<128x128xf32, #tpu.memory_space<vmem>>) target_semaphore(%arg20 : memref<!tpu.dma_semaphore, #tpu.memory_space<semaphore_mem>>)
          } else {
          }
          %dma_start3A_151 = arith.constant 0 : i32
          %dma_start3A_152 = arith.constant 0 : i32
          %dma_start3A_153 = tpu.memref_slice %arg15[%dma_start3A_151, %dma_start3A_152] : memref<10112x128xf32, #tpu.memory_space<vmem_shared>> -> memref<10112x128xf32, #tpu.memory_space<vmem_shared>>
          tpu.enqueue_indirect_dma source(%arg19 : memref<128x128xf32, #tpu.memory_space<vmem>>) target(%dma_start3A_153 : memref<10112x128xf32, #tpu.memory_space<vmem_shared>>) offsets(%arg17 : memref<128xi32, #tpu.memory_space<vmem>>) semaphore(%arg23 : memref<!tpu.dma_semaphore, #tpu.memory_space<semaphore_mem>>) {add = true}
        } else {
        }
      }
      %jit3A = arith.constant 2 : i32
      %eq3A_47 = arith.constant 0 : i32
      %eq3A_48 = arith.cmpi eq, %jit3A, %eq3A_47 : i32
      %jit3A_49 = arith.constant 1 : i32
      %select_n3A = arith.select %eq3A_48, %jit3A_49, %jit3A : i32
      %rem3A = arith.remsi %add3A_4, %select_n3A : i32
      %ne3A = arith.constant 0 : i32
      %ne3A_50 = arith.cmpi ne, %rem3A, %ne3A : i32
      %lt3A_51 = arith.constant 0 : i32
      %lt3A_52 = arith.cmpi slt, %rem3A, %lt3A_51 : i32
      %lt3A_53 = arith.constant 0 : i32
      %lt3A_54 = arith.cmpi slt, %select_n3A, %lt3A_53 : i32
      %ne3A_55 = arith.xori %lt3A_52, %lt3A_54 : i1
      %and3A = arith.andi %ne3A_55, %ne3A_50 : i1
      %add3A_56 = arith.addi %rem3A, %select_n3A : i32
      %select_n3A_57 = arith.select %and3A, %add3A_56, %rem3A : i32
      %eq3A_58 = arith.constant 1 : i32
      %eq3A_59 = arith.cmpi eq, %select_n3A_57, %eq3A_58 : i32
      %convert_element_type3A_60 = arith.extui %eq3A_59 : i1 to i32
      %cond3A_61 = arith.constant 0 : i32
      %cond3A_62 = arith.cmpi ne, %convert_element_type3A_60, %cond3A_61 : i32
      scf.if %cond3A_62 {
        %dma_wait3A = arith.constant 0 : i32
        %dma_wait3A_85 = arith.constant 0 : i32
        %dma_wait3A_86 = tpu.memref_slice %arg15[%dma_wait3A, %dma_wait3A_85] : memref<10112x128xf32, #tpu.memory_space<vmem_shared>> -> memref<10112x128xf32, #tpu.memory_space<vmem_shared>>
        tpu.wait_indirect_dma semaphore(%arg22 : memref<!tpu.dma_semaphore, #tpu.memory_space<semaphore_mem>>) src(%arg18 : memref<128x128xf32, #tpu.memory_space<vmem>>) dst(%dma_wait3A_86 : memref<10112x128xf32, #tpu.memory_space<vmem_shared>>)
      } else {
      }
      %jit3A_63 = arith.constant 2 : i32
      %eq3A_64 = arith.constant 0 : i32
      %eq3A_65 = arith.cmpi eq, %jit3A_63, %eq3A_64 : i32
      %jit3A_66 = arith.constant 1 : i32
      %select_n3A_67 = arith.select %eq3A_65, %jit3A_66, %jit3A_63 : i32
      %rem3A_68 = arith.remsi %add3A_4, %select_n3A_67 : i32
      %ne3A_69 = arith.constant 0 : i32
      %ne3A_70 = arith.cmpi ne, %rem3A_68, %ne3A_69 : i32
      %lt3A_71 = arith.constant 0 : i32
      %lt3A_72 = arith.cmpi slt, %rem3A_68, %lt3A_71 : i32
      %lt3A_73 = arith.constant 0 : i32
      %lt3A_74 = arith.cmpi slt, %select_n3A_67, %lt3A_73 : i32
      %ne3A_75 = arith.xori %lt3A_72, %lt3A_74 : i1
      %and3A_76 = arith.andi %ne3A_75, %ne3A_70 : i1
      %add3A_77 = arith.addi %rem3A_68, %select_n3A_67 : i32
      %select_n3A_78 = arith.select %and3A_76, %add3A_77, %rem3A_68 : i32
      %eq3A_79 = arith.constant 0 : i32
      %eq3A_80 = arith.cmpi eq, %select_n3A_78, %eq3A_79 : i32
      %convert_element_type3A_81 = arith.extui %eq3A_80 : i1 to i32
      %cond3A_82 = arith.constant 0 : i32
      %cond3A_83 = arith.cmpi ne, %convert_element_type3A_81, %cond3A_82 : i32
      scf.if %cond3A_83 {
        %dma_wait3A = arith.constant 0 : i32
        %dma_wait3A_85 = arith.constant 0 : i32
        %dma_wait3A_86 = tpu.memref_slice %arg15[%dma_wait3A, %dma_wait3A_85] : memref<10112x128xf32, #tpu.memory_space<vmem_shared>> -> memref<10112x128xf32, #tpu.memory_space<vmem_shared>>
        tpu.wait_indirect_dma semaphore(%arg23 : memref<!tpu.dma_semaphore, #tpu.memory_space<semaphore_mem>>) src(%arg19 : memref<128x128xf32, #tpu.memory_space<vmem>>) dst(%dma_wait3A_86 : memref<10112x128xf32, #tpu.memory_space<vmem_shared>>)
      } else {
      }
      %barrier3A_84 = arith.constant 0 : index
      tpu.barrier barrier_id(%barrier3A_84)
      "tpu.region"() ({
        %run_scoped3A = tpu.sem_alloc : memref<!tpu.dma_semaphore, #tpu.memory_space<semaphore_mem>>
        %dma_start3A_85 = arith.constant 0 : i32
        %dma_start3A_86 = tpu.memref_slice %arg14[%multiple_of3A, %dma_start3A_85] : memref<10112x128xf32, #tpu.memory_space<hbm>> -> memref<632x128xf32, #tpu.memory_space<hbm>>
        %dma_start3A_87 = arith.constant 0 : i32
        %dma_start3A_88 = tpu.memref_slice %arg15[%multiple_of3A, %dma_start3A_87] : memref<10112x128xf32, #tpu.memory_space<vmem_shared>> -> memref<632x128xf32, #tpu.memory_space<vmem_shared>>
        tpu.enqueue_dma source(%dma_start3A_88 : memref<632x128xf32, #tpu.memory_space<vmem_shared>>) target(%dma_start3A_86 : memref<632x128xf32, #tpu.memory_space<hbm>>) target_semaphore(%run_scoped3A : memref<!tpu.dma_semaphore, #tpu.memory_space<semaphore_mem>>)
        %dma_wait3A = arith.constant 0 : i32
        %dma_wait3A_89 = tpu.memref_slice %arg14[%multiple_of3A, %dma_wait3A] : memref<10112x128xf32, #tpu.memory_space<hbm>> -> memref<632x128xf32, #tpu.memory_space<hbm>>
        %dma_wait3A_90 = arith.constant 0 : i32
        %dma_wait3A_91 = tpu.memref_slice %arg15[%multiple_of3A, %dma_wait3A_90] : memref<10112x128xf32, #tpu.memory_space<vmem_shared>> -> memref<632x128xf32, #tpu.memory_space<vmem_shared>>
        tpu.wait_dma2 semaphore(%run_scoped3A : memref<!tpu.dma_semaphore, #tpu.memory_space<semaphore_mem>>) src(%dma_wait3A_91 : memref<632x128xf32, #tpu.memory_space<vmem_shared>>) dst(%dma_wait3A_89 : memref<632x128xf32, #tpu.memory_space<hbm>>)
        tpu.yield
      }) : () -> ()
    } else {
    }
    return
  }
}

module attributes {stable_mosaic.version = 14 : i64} {
  func.func @_edge_body(%arg0: i32, %arg1: memref<16x128xf32, #tpu.memory_space<vmem>>, %arg2: memref<16x128xf32, #tpu.memory_space<vmem>>, %arg3: memref<16x128xf32, #tpu.memory_space<vmem>>, %arg4: memref<16x128xf32, #tpu.memory_space<vmem>>, %arg5: memref<16x128xf32, #tpu.memory_space<vmem>>, %arg6: memref<128x128xf32, #tpu.memory_space<vmem>>, %arg7: memref<128x128xf32, #tpu.memory_space<vmem>>, %arg8: memref<128x128xf32, #tpu.memory_space<vmem>>, %arg9: memref<16x128xf32, #tpu.memory_space<vmem>>, %arg10: memref<128x128xf32, #tpu.memory_space<vmem>>, %arg11: memref<128x128xf32, #tpu.memory_space<vmem>>, %arg12: memref<16x128xf32, #tpu.memory_space<vmem>>, %arg13: memref<128x128xf32, #tpu.memory_space<vmem>>, %arg14: memref<128x128xf32, #tpu.memory_space<vmem>>, %arg15: memref<1x16xf32, #tpu.memory_space<vmem>>, %arg16: memref<1x16xf32, #tpu.memory_space<vmem>>, %arg17: memref<16x16xf32, #tpu.memory_space<vmem>>, %arg18: memref<1x16xf32, #tpu.memory_space<vmem>>, %arg19: memref<1x128xf32, #tpu.memory_space<vmem>>, %arg20: memref<1x128xf32, #tpu.memory_space<vmem>>, %arg21: memref<1x128xf32, #tpu.memory_space<vmem>>, %arg22: memref<1x128xf32, #tpu.memory_space<vmem>>, %arg23: memref<2048x16xf32, #tpu.memory_space<vmem>>, %arg24: memref<2048x128xf32, #tpu.memory_space<vmem>>, %arg25: memref<2048x128xf32, #tpu.memory_space<vmem>>, %arg26: memref<2048x128xf32, #tpu.memory_space<vmem>>, %arg27: memref<2048x128xf32, #tpu.memory_space<vmem>>) attributes {dimension_semantics = [#tpu.dimension_semantics<arbitrary>], iteration_bounds = array<i64: 157>, scalar_prefetch = 0 : i64, scratch_operands = 0 : i64, tpu.core_type = #tpu.core_type<tc>, window_params = [{transform_indices = @transform_0, window_bounds = array<i64: 16, 128>}, {transform_indices = @transform_1, window_bounds = array<i64: 16, 128>}, {transform_indices = @transform_2, window_bounds = array<i64: 16, 128>}, {transform_indices = @transform_3, window_bounds = array<i64: 16, 128>}, {transform_indices = @transform_4, window_bounds = array<i64: 16, 128>}, {pipeline_mode = #tpu.pipeline_mode<synchronous>, transform_indices = @transform_5, window_bounds = array<i64: 128, 128>}, {pipeline_mode = #tpu.pipeline_mode<synchronous>, transform_indices = @transform_6, window_bounds = array<i64: 128, 128>}, {pipeline_mode = #tpu.pipeline_mode<synchronous>, transform_indices = @transform_7, window_bounds = array<i64: 128, 128>}, {pipeline_mode = #tpu.pipeline_mode<synchronous>, transform_indices = @transform_8, window_bounds = array<i64: 16, 128>}, {pipeline_mode = #tpu.pipeline_mode<synchronous>, transform_indices = @transform_9, window_bounds = array<i64: 128, 128>}, {pipeline_mode = #tpu.pipeline_mode<synchronous>, transform_indices = @transform_10, window_bounds = array<i64: 128, 128>}, {pipeline_mode = #tpu.pipeline_mode<synchronous>, transform_indices = @transform_11, window_bounds = array<i64: 16, 128>}, {pipeline_mode = #tpu.pipeline_mode<synchronous>, transform_indices = @transform_12, window_bounds = array<i64: 128, 128>}, {pipeline_mode = #tpu.pipeline_mode<synchronous>, transform_indices = @transform_13, window_bounds = array<i64: 128, 128>}, {pipeline_mode = #tpu.pipeline_mode<synchronous>, transform_indices = @transform_14, window_bounds = array<i64: 1, 16>}, {pipeline_mode = #tpu.pipeline_mode<synchronous>, transform_indices = @transform_15, window_bounds = array<i64: 1, 16>}, {pipeline_mode = #tpu.pipeline_mode<synchronous>, transform_indices = @transform_16, window_bounds = array<i64: 16, 16>}, {pipeline_mode = #tpu.pipeline_mode<synchronous>, transform_indices = @transform_17, window_bounds = array<i64: 1, 16>}, {pipeline_mode = #tpu.pipeline_mode<synchronous>, transform_indices = @transform_18, window_bounds = array<i64: 1, 128>}, {pipeline_mode = #tpu.pipeline_mode<synchronous>, transform_indices = @transform_19, window_bounds = array<i64: 1, 128>}, {pipeline_mode = #tpu.pipeline_mode<synchronous>, transform_indices = @transform_20, window_bounds = array<i64: 1, 128>}, {pipeline_mode = #tpu.pipeline_mode<synchronous>, transform_indices = @transform_21, window_bounds = array<i64: 1, 128>}, {transform_indices = @transform_22, window_bounds = array<i64: 2048, 16>}, {transform_indices = @transform_23, window_bounds = array<i64: 2048, 128>}, {transform_indices = @transform_24, window_bounds = array<i64: 2048, 128>}, {transform_indices = @transform_25, window_bounds = array<i64: 2048, 128>}, {transform_indices = @transform_26, window_bounds = array<i64: 2048, 128>}]} {
    %get3A = arith.constant 0 : index
    %get3A_0 = arith.constant 0 : index
    %get3A_1 = vector.load %arg1[%get3A, %get3A_0] : memref<16x128xf32, #tpu.memory_space<vmem>>, vector<16x128xf32>
    %get3A_2 = arith.constant 0 : index
    %get3A_3 = arith.constant 0 : index
    %get3A_4 = vector.load %arg2[%get3A_2, %get3A_3] : memref<16x128xf32, #tpu.memory_space<vmem>>, vector<16x128xf32>
    %get3A_5 = arith.constant 0 : index
    %get3A_6 = arith.constant 0 : index
    %get3A_7 = vector.load %arg3[%get3A_5, %get3A_6] : memref<16x128xf32, #tpu.memory_space<vmem>>, vector<16x128xf32>
    %get3A_8 = arith.constant 0 : index
    %get3A_9 = arith.constant 0 : index
    %get3A_10 = vector.load %arg4[%get3A_8, %get3A_9] : memref<16x128xf32, #tpu.memory_space<vmem>>, vector<16x128xf32>
    %get3A_11 = arith.constant 0 : index
    %get3A_12 = arith.constant 0 : index
    %get3A_13 = vector.load %arg5[%get3A_11, %get3A_12] : memref<16x128xf32, #tpu.memory_space<vmem>>, vector<16x128xf32>
    %concatenate3A = tpu.concatenate %get3A_1, %get3A_4, %get3A_7, %get3A_10, %get3A_13 in 0 : vector<16x128xf32>, vector<16x128xf32>, vector<16x128xf32>, vector<16x128xf32>, vector<16x128xf32> -> vector<80x128xf32>
    %transpose3A = tpu.transpose %concatenate3A, [1, 0] : vector<80x128xf32> -> vector<128x80xf32>
    %slice3A = vector.extract_strided_slice %transpose3A {offsets = [0, 0], sizes = [128, 1], strides = [1, 1]} : vector<128x80xf32> to vector<128x1xf32>
    %slice3A_14 = vector.extract_strided_slice %transpose3A {offsets = [0, 1], sizes = [128, 1], strides = [1, 1]} : vector<128x80xf32> to vector<128x1xf32>
    %slice3A_15 = vector.extract_strided_slice %transpose3A {offsets = [0, 2], sizes = [128, 1], strides = [1, 1]} : vector<128x80xf32> to vector<128x1xf32>
    %slice3A_16 = vector.extract_strided_slice %transpose3A {offsets = [0, 3], sizes = [128, 1], strides = [1, 1]} : vector<128x80xf32> to vector<128x1xf32>
    %slice3A_17 = vector.extract_strided_slice %transpose3A {offsets = [0, 4], sizes = [128, 1], strides = [1, 1]} : vector<128x80xf32> to vector<128x1xf32>
    %slice3A_18 = vector.extract_strided_slice %transpose3A {offsets = [0, 5], sizes = [128, 1], strides = [1, 1]} : vector<128x80xf32> to vector<128x1xf32>
    %slice3A_19 = vector.extract_strided_slice %transpose3A {offsets = [0, 6], sizes = [128, 1], strides = [1, 1]} : vector<128x80xf32> to vector<128x1xf32>
    %slice3A_20 = vector.extract_strided_slice %transpose3A {offsets = [0, 7], sizes = [128, 1], strides = [1, 1]} : vector<128x80xf32> to vector<128x1xf32>
    %slice3A_21 = vector.extract_strided_slice %transpose3A {offsets = [0, 8], sizes = [128, 1], strides = [1, 1]} : vector<128x80xf32> to vector<128x1xf32>
    %slice3A_22 = vector.extract_strided_slice %transpose3A {offsets = [0, 9], sizes = [128, 1], strides = [1, 1]} : vector<128x80xf32> to vector<128x1xf32>
    %slice3A_23 = vector.extract_strided_slice %transpose3A {offsets = [0, 10], sizes = [128, 1], strides = [1, 1]} : vector<128x80xf32> to vector<128x1xf32>
    %slice3A_24 = vector.extract_strided_slice %transpose3A {offsets = [0, 11], sizes = [128, 1], strides = [1, 1]} : vector<128x80xf32> to vector<128x1xf32>
    %slice3A_25 = vector.extract_strided_slice %transpose3A {offsets = [0, 12], sizes = [128, 1], strides = [1, 1]} : vector<128x80xf32> to vector<128x1xf32>
    %slice3A_26 = vector.extract_strided_slice %transpose3A {offsets = [0, 13], sizes = [128, 1], strides = [1, 1]} : vector<128x80xf32> to vector<128x1xf32>
    %slice3A_27 = vector.extract_strided_slice %transpose3A {offsets = [0, 14], sizes = [128, 1], strides = [1, 1]} : vector<128x80xf32> to vector<128x1xf32>
    %slice3A_28 = vector.extract_strided_slice %transpose3A {offsets = [0, 15], sizes = [128, 1], strides = [1, 1]} : vector<128x80xf32> to vector<128x1xf32>
    %concatenate3A_29 = tpu.concatenate %slice3A, %slice3A_14, %slice3A_15, %slice3A_16, %slice3A_17, %slice3A_18, %slice3A_19, %slice3A_20, %slice3A_21, %slice3A_22, %slice3A_23, %slice3A_24, %slice3A_25, %slice3A_26, %slice3A_27, %slice3A_28 in 0 : vector<128x1xf32>, vector<128x1xf32>, vector<128x1xf32>, vector<128x1xf32>, vector<128x1xf32>, vector<128x1xf32>, vector<128x1xf32>, vector<128x1xf32>, vector<128x1xf32>, vector<128x1xf32>, vector<128x1xf32>, vector<128x1xf32>, vector<128x1xf32>, vector<128x1xf32>, vector<128x1xf32>, vector<128x1xf32> -> vector<2048x1xf32>
    %slice3A_30 = vector.extract_strided_slice %transpose3A {offsets = [0, 16], sizes = [128, 1], strides = [1, 1]} : vector<128x80xf32> to vector<128x1xf32>
    %slice3A_31 = vector.extract_strided_slice %transpose3A {offsets = [0, 17], sizes = [128, 1], strides = [1, 1]} : vector<128x80xf32> to vector<128x1xf32>
    %slice3A_32 = vector.extract_strided_slice %transpose3A {offsets = [0, 18], sizes = [128, 1], strides = [1, 1]} : vector<128x80xf32> to vector<128x1xf32>
    %slice3A_33 = vector.extract_strided_slice %transpose3A {offsets = [0, 19], sizes = [128, 1], strides = [1, 1]} : vector<128x80xf32> to vector<128x1xf32>
    %slice3A_34 = vector.extract_strided_slice %transpose3A {offsets = [0, 20], sizes = [128, 1], strides = [1, 1]} : vector<128x80xf32> to vector<128x1xf32>
    %slice3A_35 = vector.extract_strided_slice %transpose3A {offsets = [0, 21], sizes = [128, 1], strides = [1, 1]} : vector<128x80xf32> to vector<128x1xf32>
    %slice3A_36 = vector.extract_strided_slice %transpose3A {offsets = [0, 22], sizes = [128, 1], strides = [1, 1]} : vector<128x80xf32> to vector<128x1xf32>
    %slice3A_37 = vector.extract_strided_slice %transpose3A {offsets = [0, 23], sizes = [128, 1], strides = [1, 1]} : vector<128x80xf32> to vector<128x1xf32>
    %slice3A_38 = vector.extract_strided_slice %transpose3A {offsets = [0, 24], sizes = [128, 1], strides = [1, 1]} : vector<128x80xf32> to vector<128x1xf32>
    %slice3A_39 = vector.extract_strided_slice %transpose3A {offsets = [0, 25], sizes = [128, 1], strides = [1, 1]} : vector<128x80xf32> to vector<128x1xf32>
    %slice3A_40 = vector.extract_strided_slice %transpose3A {offsets = [0, 26], sizes = [128, 1], strides = [1, 1]} : vector<128x80xf32> to vector<128x1xf32>
    %slice3A_41 = vector.extract_strided_slice %transpose3A {offsets = [0, 27], sizes = [128, 1], strides = [1, 1]} : vector<128x80xf32> to vector<128x1xf32>
    %slice3A_42 = vector.extract_strided_slice %transpose3A {offsets = [0, 28], sizes = [128, 1], strides = [1, 1]} : vector<128x80xf32> to vector<128x1xf32>
    %slice3A_43 = vector.extract_strided_slice %transpose3A {offsets = [0, 29], sizes = [128, 1], strides = [1, 1]} : vector<128x80xf32> to vector<128x1xf32>
    %slice3A_44 = vector.extract_strided_slice %transpose3A {offsets = [0, 30], sizes = [128, 1], strides = [1, 1]} : vector<128x80xf32> to vector<128x1xf32>
    %slice3A_45 = vector.extract_strided_slice %transpose3A {offsets = [0, 31], sizes = [128, 1], strides = [1, 1]} : vector<128x80xf32> to vector<128x1xf32>
    %concatenate3A_46 = tpu.concatenate %slice3A_30, %slice3A_31, %slice3A_32, %slice3A_33, %slice3A_34, %slice3A_35, %slice3A_36, %slice3A_37, %slice3A_38, %slice3A_39, %slice3A_40, %slice3A_41, %slice3A_42, %slice3A_43, %slice3A_44, %slice3A_45 in 0 : vector<128x1xf32>, vector<128x1xf32>, vector<128x1xf32>, vector<128x1xf32>, vector<128x1xf32>, vector<128x1xf32>, vector<128x1xf32>, vector<128x1xf32>, vector<128x1xf32>, vector<128x1xf32>, vector<128x1xf32>, vector<128x1xf32>, vector<128x1xf32>, vector<128x1xf32>, vector<128x1xf32>, vector<128x1xf32> -> vector<2048x1xf32>
    %slice3A_47 = vector.extract_strided_slice %transpose3A {offsets = [0, 32], sizes = [128, 1], strides = [1, 1]} : vector<128x80xf32> to vector<128x1xf32>
    %slice3A_48 = vector.extract_strided_slice %transpose3A {offsets = [0, 33], sizes = [128, 1], strides = [1, 1]} : vector<128x80xf32> to vector<128x1xf32>
    %slice3A_49 = vector.extract_strided_slice %transpose3A {offsets = [0, 34], sizes = [128, 1], strides = [1, 1]} : vector<128x80xf32> to vector<128x1xf32>
    %slice3A_50 = vector.extract_strided_slice %transpose3A {offsets = [0, 35], sizes = [128, 1], strides = [1, 1]} : vector<128x80xf32> to vector<128x1xf32>
    %slice3A_51 = vector.extract_strided_slice %transpose3A {offsets = [0, 36], sizes = [128, 1], strides = [1, 1]} : vector<128x80xf32> to vector<128x1xf32>
    %slice3A_52 = vector.extract_strided_slice %transpose3A {offsets = [0, 37], sizes = [128, 1], strides = [1, 1]} : vector<128x80xf32> to vector<128x1xf32>
    %slice3A_53 = vector.extract_strided_slice %transpose3A {offsets = [0, 38], sizes = [128, 1], strides = [1, 1]} : vector<128x80xf32> to vector<128x1xf32>
    %slice3A_54 = vector.extract_strided_slice %transpose3A {offsets = [0, 39], sizes = [128, 1], strides = [1, 1]} : vector<128x80xf32> to vector<128x1xf32>
    %slice3A_55 = vector.extract_strided_slice %transpose3A {offsets = [0, 40], sizes = [128, 1], strides = [1, 1]} : vector<128x80xf32> to vector<128x1xf32>
    %slice3A_56 = vector.extract_strided_slice %transpose3A {offsets = [0, 41], sizes = [128, 1], strides = [1, 1]} : vector<128x80xf32> to vector<128x1xf32>
    %slice3A_57 = vector.extract_strided_slice %transpose3A {offsets = [0, 42], sizes = [128, 1], strides = [1, 1]} : vector<128x80xf32> to vector<128x1xf32>
    %slice3A_58 = vector.extract_strided_slice %transpose3A {offsets = [0, 43], sizes = [128, 1], strides = [1, 1]} : vector<128x80xf32> to vector<128x1xf32>
    %slice3A_59 = vector.extract_strided_slice %transpose3A {offsets = [0, 44], sizes = [128, 1], strides = [1, 1]} : vector<128x80xf32> to vector<128x1xf32>
    %slice3A_60 = vector.extract_strided_slice %transpose3A {offsets = [0, 45], sizes = [128, 1], strides = [1, 1]} : vector<128x80xf32> to vector<128x1xf32>
    %slice3A_61 = vector.extract_strided_slice %transpose3A {offsets = [0, 46], sizes = [128, 1], strides = [1, 1]} : vector<128x80xf32> to vector<128x1xf32>
    %slice3A_62 = vector.extract_strided_slice %transpose3A {offsets = [0, 47], sizes = [128, 1], strides = [1, 1]} : vector<128x80xf32> to vector<128x1xf32>
    %concatenate3A_63 = tpu.concatenate %slice3A_47, %slice3A_48, %slice3A_49, %slice3A_50, %slice3A_51, %slice3A_52, %slice3A_53, %slice3A_54, %slice3A_55, %slice3A_56, %slice3A_57, %slice3A_58, %slice3A_59, %slice3A_60, %slice3A_61, %slice3A_62 in 0 : vector<128x1xf32>, vector<128x1xf32>, vector<128x1xf32>, vector<128x1xf32>, vector<128x1xf32>, vector<128x1xf32>, vector<128x1xf32>, vector<128x1xf32>, vector<128x1xf32>, vector<128x1xf32>, vector<128x1xf32>, vector<128x1xf32>, vector<128x1xf32>, vector<128x1xf32>, vector<128x1xf32>, vector<128x1xf32> -> vector<2048x1xf32>
    %slice3A_64 = vector.extract_strided_slice %transpose3A {offsets = [0, 48], sizes = [128, 1], strides = [1, 1]} : vector<128x80xf32> to vector<128x1xf32>
    %slice3A_65 = vector.extract_strided_slice %transpose3A {offsets = [0, 49], sizes = [128, 1], strides = [1, 1]} : vector<128x80xf32> to vector<128x1xf32>
    %slice3A_66 = vector.extract_strided_slice %transpose3A {offsets = [0, 50], sizes = [128, 1], strides = [1, 1]} : vector<128x80xf32> to vector<128x1xf32>
    %slice3A_67 = vector.extract_strided_slice %transpose3A {offsets = [0, 51], sizes = [128, 1], strides = [1, 1]} : vector<128x80xf32> to vector<128x1xf32>
    %slice3A_68 = vector.extract_strided_slice %transpose3A {offsets = [0, 52], sizes = [128, 1], strides = [1, 1]} : vector<128x80xf32> to vector<128x1xf32>
    %slice3A_69 = vector.extract_strided_slice %transpose3A {offsets = [0, 53], sizes = [128, 1], strides = [1, 1]} : vector<128x80xf32> to vector<128x1xf32>
    %slice3A_70 = vector.extract_strided_slice %transpose3A {offsets = [0, 54], sizes = [128, 1], strides = [1, 1]} : vector<128x80xf32> to vector<128x1xf32>
    %slice3A_71 = vector.extract_strided_slice %transpose3A {offsets = [0, 55], sizes = [128, 1], strides = [1, 1]} : vector<128x80xf32> to vector<128x1xf32>
    %slice3A_72 = vector.extract_strided_slice %transpose3A {offsets = [0, 56], sizes = [128, 1], strides = [1, 1]} : vector<128x80xf32> to vector<128x1xf32>
    %slice3A_73 = vector.extract_strided_slice %transpose3A {offsets = [0, 57], sizes = [128, 1], strides = [1, 1]} : vector<128x80xf32> to vector<128x1xf32>
    %slice3A_74 = vector.extract_strided_slice %transpose3A {offsets = [0, 58], sizes = [128, 1], strides = [1, 1]} : vector<128x80xf32> to vector<128x1xf32>
    %slice3A_75 = vector.extract_strided_slice %transpose3A {offsets = [0, 59], sizes = [128, 1], strides = [1, 1]} : vector<128x80xf32> to vector<128x1xf32>
    %slice3A_76 = vector.extract_strided_slice %transpose3A {offsets = [0, 60], sizes = [128, 1], strides = [1, 1]} : vector<128x80xf32> to vector<128x1xf32>
    %slice3A_77 = vector.extract_strided_slice %transpose3A {offsets = [0, 61], sizes = [128, 1], strides = [1, 1]} : vector<128x80xf32> to vector<128x1xf32>
    %slice3A_78 = vector.extract_strided_slice %transpose3A {offsets = [0, 62], sizes = [128, 1], strides = [1, 1]} : vector<128x80xf32> to vector<128x1xf32>
    %slice3A_79 = vector.extract_strided_slice %transpose3A {offsets = [0, 63], sizes = [128, 1], strides = [1, 1]} : vector<128x80xf32> to vector<128x1xf32>
    %concatenate3A_80 = tpu.concatenate %slice3A_64, %slice3A_65, %slice3A_66, %slice3A_67, %slice3A_68, %slice3A_69, %slice3A_70, %slice3A_71, %slice3A_72, %slice3A_73, %slice3A_74, %slice3A_75, %slice3A_76, %slice3A_77, %slice3A_78, %slice3A_79 in 0 : vector<128x1xf32>, vector<128x1xf32>, vector<128x1xf32>, vector<128x1xf32>, vector<128x1xf32>, vector<128x1xf32>, vector<128x1xf32>, vector<128x1xf32>, vector<128x1xf32>, vector<128x1xf32>, vector<128x1xf32>, vector<128x1xf32>, vector<128x1xf32>, vector<128x1xf32>, vector<128x1xf32>, vector<128x1xf32> -> vector<2048x1xf32>
    %slice3A_81 = vector.extract_strided_slice %transpose3A {offsets = [0, 64], sizes = [128, 1], strides = [1, 1]} : vector<128x80xf32> to vector<128x1xf32>
    %slice3A_82 = vector.extract_strided_slice %transpose3A {offsets = [0, 65], sizes = [128, 1], strides = [1, 1]} : vector<128x80xf32> to vector<128x1xf32>
    %slice3A_83 = vector.extract_strided_slice %transpose3A {offsets = [0, 66], sizes = [128, 1], strides = [1, 1]} : vector<128x80xf32> to vector<128x1xf32>
    %slice3A_84 = vector.extract_strided_slice %transpose3A {offsets = [0, 67], sizes = [128, 1], strides = [1, 1]} : vector<128x80xf32> to vector<128x1xf32>
    %slice3A_85 = vector.extract_strided_slice %transpose3A {offsets = [0, 68], sizes = [128, 1], strides = [1, 1]} : vector<128x80xf32> to vector<128x1xf32>
    %slice3A_86 = vector.extract_strided_slice %transpose3A {offsets = [0, 69], sizes = [128, 1], strides = [1, 1]} : vector<128x80xf32> to vector<128x1xf32>
    %slice3A_87 = vector.extract_strided_slice %transpose3A {offsets = [0, 70], sizes = [128, 1], strides = [1, 1]} : vector<128x80xf32> to vector<128x1xf32>
    %slice3A_88 = vector.extract_strided_slice %transpose3A {offsets = [0, 71], sizes = [128, 1], strides = [1, 1]} : vector<128x80xf32> to vector<128x1xf32>
    %slice3A_89 = vector.extract_strided_slice %transpose3A {offsets = [0, 72], sizes = [128, 1], strides = [1, 1]} : vector<128x80xf32> to vector<128x1xf32>
    %slice3A_90 = vector.extract_strided_slice %transpose3A {offsets = [0, 73], sizes = [128, 1], strides = [1, 1]} : vector<128x80xf32> to vector<128x1xf32>
    %slice3A_91 = vector.extract_strided_slice %transpose3A {offsets = [0, 74], sizes = [128, 1], strides = [1, 1]} : vector<128x80xf32> to vector<128x1xf32>
    %slice3A_92 = vector.extract_strided_slice %transpose3A {offsets = [0, 75], sizes = [128, 1], strides = [1, 1]} : vector<128x80xf32> to vector<128x1xf32>
    %slice3A_93 = vector.extract_strided_slice %transpose3A {offsets = [0, 76], sizes = [128, 1], strides = [1, 1]} : vector<128x80xf32> to vector<128x1xf32>
    %slice3A_94 = vector.extract_strided_slice %transpose3A {offsets = [0, 77], sizes = [128, 1], strides = [1, 1]} : vector<128x80xf32> to vector<128x1xf32>
    %slice3A_95 = vector.extract_strided_slice %transpose3A {offsets = [0, 78], sizes = [128, 1], strides = [1, 1]} : vector<128x80xf32> to vector<128x1xf32>
    %slice3A_96 = vector.extract_strided_slice %transpose3A {offsets = [0, 79], sizes = [128, 1], strides = [1, 1]} : vector<128x80xf32> to vector<128x1xf32>
    %concatenate3A_97 = tpu.concatenate %slice3A_81, %slice3A_82, %slice3A_83, %slice3A_84, %slice3A_85, %slice3A_86, %slice3A_87, %slice3A_88, %slice3A_89, %slice3A_90, %slice3A_91, %slice3A_92, %slice3A_93, %slice3A_94, %slice3A_95, %slice3A_96 in 0 : vector<128x1xf32>, vector<128x1xf32>, vector<128x1xf32>, vector<128x1xf32>, vector<128x1xf32>, vector<128x1xf32>, vector<128x1xf32>, vector<128x1xf32>, vector<128x1xf32>, vector<128x1xf32>, vector<128x1xf32>, vector<128x1xf32>, vector<128x1xf32>, vector<128x1xf32>, vector<128x1xf32>, vector<128x1xf32> -> vector<2048x1xf32>
    %iota3A = tpu.iota {dimensions = array<i32: 1>} : vector<2048x128xi32>
    %convert_element_type3A = arith.sitofp %iota3A : vector<2048x128xi32> to vector<2048x128xf32>
    %eq3A = vector.broadcast %concatenate3A_29 : vector<2048x1xf32> to vector<2048x128xf32>
    %eq3A_98 = arith.cmpf oeq, %eq3A, %convert_element_type3A : vector<2048x128xf32>
    %convert_element_type3A_99 = arith.extui %eq3A_98 : vector<2048x128xi1> to vector<2048x128xi32>
    %convert_element_type3A_100 = arith.sitofp %convert_element_type3A_99 : vector<2048x128xi32> to vector<2048x128xf32>
    %eq3A_101 = vector.broadcast %concatenate3A_46 : vector<2048x1xf32> to vector<2048x128xf32>
    %eq3A_102 = arith.cmpf oeq, %eq3A_101, %convert_element_type3A : vector<2048x128xf32>
    %convert_element_type3A_103 = arith.extui %eq3A_102 : vector<2048x128xi1> to vector<2048x128xi32>
    %convert_element_type3A_104 = arith.sitofp %convert_element_type3A_103 : vector<2048x128xi32> to vector<2048x128xf32>
    %get3A_105 = arith.constant 0 : index
    %get3A_106 = arith.constant 0 : index
    %get3A_107 = vector.load %arg6[%get3A_105, %get3A_106] : memref<128x128xf32, #tpu.memory_space<vmem>>, vector<128x128xf32>
    %get3A_108 = arith.constant 0 : index
    %get3A_109 = arith.constant 0 : index
    %get3A_110 = vector.load %arg7[%get3A_108, %get3A_109] : memref<128x128xf32, #tpu.memory_space<vmem>>, vector<128x128xf32>
    %dot_general3A = arith.constant dense<0.000000e+00> : vector<128x128xf32>
    %dot_general3A_111 = tpu.matmul %get3A_107, %get3A_110, %dot_general3A {dimension_numbers = #tpu.dot_dimension_numbers<[1], [0], [0], [1], [0, 0, 1, 1], [], []>, transpose_lhs_hint = false} : vector<128x128xf32>, vector<128x128xf32>, vector<128x128xf32> -> vector<128x128xf32>
    %get3A_112 = arith.constant 0 : index
    %get3A_113 = arith.constant 0 : index
    %get3A_114 = vector.load %arg10[%get3A_112, %get3A_113] : memref<128x128xf32, #tpu.memory_space<vmem>>, vector<128x128xf32>
    %dot_general3A_115 = arith.constant dense<0.000000e+00> : vector<128x128xf32>
    %dot_general3A_116 = tpu.matmul %get3A_107, %get3A_114, %dot_general3A_115 {dimension_numbers = #tpu.dot_dimension_numbers<[1], [0], [0], [1], [0, 0, 1, 1], [], []>, transpose_lhs_hint = false} : vector<128x128xf32>, vector<128x128xf32>, vector<128x128xf32> -> vector<128x128xf32>
    %concatenate3A_117 = tpu.concatenate %dot_general3A_111, %dot_general3A_116, %get3A_107 in 1 : vector<128x128xf32>, vector<128x128xf32>, vector<128x128xf32> -> vector<128x384xf32>
    %get3A_118 = arith.constant 0 : index
    %get3A_119 = arith.constant 0 : index
    %get3A_120 = vector.load %arg8[%get3A_118, %get3A_119] : memref<128x128xf32, #tpu.memory_space<vmem>>, vector<128x128xf32>
    %dot_general3A_121 = arith.constant dense<0.000000e+00> : vector<128x128xf32>
    %dot_general3A_122 = tpu.matmul %get3A_107, %get3A_120, %dot_general3A_121 {dimension_numbers = #tpu.dot_dimension_numbers<[1], [0], [0], [1], [0, 0, 1, 1], [], []>, transpose_lhs_hint = false} : vector<128x128xf32>, vector<128x128xf32>, vector<128x128xf32> -> vector<128x128xf32>
    %get3A_123 = arith.constant 0 : index
    %get3A_124 = arith.constant 0 : index
    %get3A_125 = vector.load %arg11[%get3A_123, %get3A_124] : memref<128x128xf32, #tpu.memory_space<vmem>>, vector<128x128xf32>
    %dot_general3A_126 = arith.constant dense<0.000000e+00> : vector<128x128xf32>
    %dot_general3A_127 = tpu.matmul %get3A_107, %get3A_125, %dot_general3A_126 {dimension_numbers = #tpu.dot_dimension_numbers<[1], [0], [0], [1], [0, 0, 1, 1], [], []>, transpose_lhs_hint = false} : vector<128x128xf32>, vector<128x128xf32>, vector<128x128xf32> -> vector<128x128xf32>
    %concatenate3A_128 = tpu.concatenate %dot_general3A_122, %dot_general3A_127 in 1 : vector<128x128xf32>, vector<128x128xf32> -> vector<128x256xf32>
    %dot_general3A_129 = arith.constant dense<0.000000e+00> : vector<2048x384xf32>
    %dot_general3A_130 = tpu.matmul %convert_element_type3A_100, %concatenate3A_117, %dot_general3A_129 {dimension_numbers = #tpu.dot_dimension_numbers<[1], [0], [0], [1], [0, 0, 1, 1], [], []>, transpose_lhs_hint = false} : vector<2048x128xf32>, vector<128x384xf32>, vector<2048x384xf32> -> vector<2048x384xf32>
    %dot_general3A_131 = arith.constant dense<0.000000e+00> : vector<2048x256xf32>
    %dot_general3A_132 = tpu.matmul %convert_element_type3A_104, %concatenate3A_128, %dot_general3A_131 {dimension_numbers = #tpu.dot_dimension_numbers<[1], [0], [0], [1], [0, 0, 1, 1], [], []>, transpose_lhs_hint = false} : vector<2048x128xf32>, vector<128x256xf32>, vector<2048x256xf32> -> vector<2048x256xf32>
    %mul3A = arith.mulf %concatenate3A_63, %concatenate3A_63 : vector<2048x1xf32>
    %mul3A_133 = arith.mulf %concatenate3A_80, %concatenate3A_80 : vector<2048x1xf32>
    %add3A = arith.addf %mul3A, %mul3A_133 : vector<2048x1xf32>
    %mul3A_134 = arith.mulf %concatenate3A_97, %concatenate3A_97 : vector<2048x1xf32>
    %add3A_135 = arith.addf %add3A, %mul3A_134 : vector<2048x1xf32>
    %sqrt3A = math.sqrt %add3A_135 : vector<2048x1xf32>
    %get3A_136 = arith.constant 0 : index
    %get3A_137 = arith.constant 0 : index
    %get3A_138 = vector.load %arg15[%get3A_136, %get3A_137] : memref<1x16xf32, #tpu.memory_space<vmem>>, vector<1x16xf32>
    %mul3A_139 = vector.broadcast %sqrt3A : vector<2048x1xf32> to vector<2048x16xf32>
    %mul3A_140 = vector.broadcast %get3A_138 : vector<1x16xf32> to vector<2048x16xf32>
    %mul3A_141 = arith.mulf %mul3A_139, %mul3A_140 : vector<2048x16xf32>
    %get3A_142 = arith.constant 0 : index
    %get3A_143 = arith.constant 0 : index
    %get3A_144 = vector.load %arg16[%get3A_142, %get3A_143] : memref<1x16xf32, #tpu.memory_space<vmem>>, vector<1x16xf32>
    %add3A_145 = vector.broadcast %get3A_144 : vector<1x16xf32> to vector<2048x16xf32>
    %add3A_146 = arith.addf %mul3A_141, %add3A_145 : vector<2048x16xf32>
    %logistic3A = arith.negf %add3A_146 : vector<2048x16xf32>
    %logistic3A_147 = math.exp %logistic3A : vector<2048x16xf32>
    %logistic3A_148 = arith.constant 1.000000e+00 : f32
    %logistic3A_149 = vector.broadcast %logistic3A_148 : f32 to vector<2048x16xf32>
    %logistic3A_150 = arith.addf %logistic3A_149, %logistic3A_147 : vector<2048x16xf32>
    %logistic3A_151 = arith.divf %logistic3A_149, %logistic3A_150 : vector<2048x16xf32>
    %mul3A_152 = arith.mulf %add3A_146, %logistic3A_151 : vector<2048x16xf32>
    %get3A_153 = arith.constant 0 : index
    %get3A_154 = arith.constant 0 : index
    %get3A_155 = vector.load %arg17[%get3A_153, %get3A_154] : memref<16x16xf32, #tpu.memory_space<vmem>>, vector<16x16xf32>
    %dot_general3A_156 = arith.constant dense<0.000000e+00> : vector<2048x16xf32>
    %dot_general3A_157 = tpu.matmul %mul3A_152, %get3A_155, %dot_general3A_156 {dimension_numbers = #tpu.dot_dimension_numbers<[1], [0], [0], [1], [0, 0, 1, 1], [], []>, transpose_lhs_hint = false} : vector<2048x16xf32>, vector<16x16xf32>, vector<2048x16xf32> -> vector<2048x16xf32>
    %get3A_158 = arith.constant 0 : index
    %get3A_159 = arith.constant 0 : index
    %get3A_160 = vector.load %arg18[%get3A_158, %get3A_159] : memref<1x16xf32, #tpu.memory_space<vmem>>, vector<1x16xf32>
    %add3A_161 = vector.broadcast %get3A_160 : vector<1x16xf32> to vector<2048x16xf32>
    %add3A_162 = arith.addf %dot_general3A_157, %add3A_161 : vector<2048x16xf32>
    %get3A_163 = arith.constant 0 : index
    %get3A_164 = arith.constant 0 : index
    %get3A_165 = vector.load %arg9[%get3A_163, %get3A_164] : memref<16x128xf32, #tpu.memory_space<vmem>>, vector<16x128xf32>
    %get3A_166 = arith.constant 0 : index
    %get3A_167 = arith.constant 0 : index
    %get3A_168 = vector.load %arg12[%get3A_166, %get3A_167] : memref<16x128xf32, #tpu.memory_space<vmem>>, vector<16x128xf32>
    %concatenate3A_169 = tpu.concatenate %get3A_165, %get3A_168 in 1 : vector<16x128xf32>, vector<16x128xf32> -> vector<16x256xf32>
    %dot_general3A_170 = arith.constant dense<0.000000e+00> : vector<2048x256xf32>
    %dot_general3A_171 = tpu.matmul %add3A_162, %concatenate3A_169, %dot_general3A_170 {dimension_numbers = #tpu.dot_dimension_numbers<[1], [0], [0], [1], [0, 0, 1, 1], [], []>, transpose_lhs_hint = false} : vector<2048x16xf32>, vector<16x256xf32>, vector<2048x256xf32> -> vector<2048x256xf32>
    %get3A_172 = arith.constant 0 : index
    %get3A_173 = arith.constant 0 : index
    %get3A_174 = vector.load %arg19[%get3A_172, %get3A_173] : memref<1x128xf32, #tpu.memory_space<vmem>>, vector<1x128xf32>
    %get3A_175 = arith.constant 0 : index
    %get3A_176 = arith.constant 0 : index
    %get3A_177 = vector.load %arg21[%get3A_175, %get3A_176] : memref<1x128xf32, #tpu.memory_space<vmem>>, vector<1x128xf32>
    %concatenate3A_178 = tpu.concatenate %get3A_174, %get3A_177 in 1 : vector<1x128xf32>, vector<1x128xf32> -> vector<1x256xf32>
    %slice3A_179 = vector.extract_strided_slice %dot_general3A_130 {offsets = [0, 0], sizes = [2048, 256], strides = [1, 1]} : vector<2048x384xf32> to vector<2048x256xf32>
    %add3A_180 = arith.addf %slice3A_179, %dot_general3A_132 : vector<2048x256xf32>
    %add3A_181 = arith.addf %add3A_180, %dot_general3A_171 : vector<2048x256xf32>
    %add3A_182 = vector.broadcast %concatenate3A_178 : vector<1x256xf32> to vector<2048x256xf32>
    %add3A_183 = arith.addf %add3A_181, %add3A_182 : vector<2048x256xf32>
    %logistic3A_184 = arith.negf %add3A_183 : vector<2048x256xf32>
    %logistic3A_185 = math.exp %logistic3A_184 : vector<2048x256xf32>
    %logistic3A_186 = arith.constant 1.000000e+00 : f32
    %logistic3A_187 = vector.broadcast %logistic3A_186 : f32 to vector<2048x256xf32>
    %logistic3A_188 = arith.addf %logistic3A_187, %logistic3A_185 : vector<2048x256xf32>
    %logistic3A_189 = arith.divf %logistic3A_187, %logistic3A_188 : vector<2048x256xf32>
    %mul3A_190 = arith.mulf %add3A_183, %logistic3A_189 : vector<2048x256xf32>
    %slice3A_191 = vector.extract_strided_slice %dot_general3A_130 {offsets = [0, 256], sizes = [2048, 128], strides = [1, 1]} : vector<2048x384xf32> to vector<2048x128xf32>
    %slice3A_192 = vector.extract_strided_slice %mul3A_190 {offsets = [0, 0], sizes = [2048, 128], strides = [1, 1]} : vector<2048x256xf32> to vector<2048x128xf32>
    %get3A_193 = arith.constant 0 : index
    %get3A_194 = arith.constant 0 : index
    %get3A_195 = vector.load %arg13[%get3A_193, %get3A_194] : memref<128x128xf32, #tpu.memory_space<vmem>>, vector<128x128xf32>
    %dot_general3A_196 = arith.constant dense<0.000000e+00> : vector<2048x128xf32>
    %dot_general3A_197 = tpu.matmul %slice3A_192, %get3A_195, %dot_general3A_196 {dimension_numbers = #tpu.dot_dimension_numbers<[1], [0], [0], [1], [0, 0, 1, 1], [], []>, transpose_lhs_hint = false} : vector<2048x128xf32>, vector<128x128xf32>, vector<2048x128xf32> -> vector<2048x128xf32>
    %get3A_198 = arith.constant 0 : index
    %get3A_199 = arith.constant 0 : index
    %get3A_200 = vector.load %arg20[%get3A_198, %get3A_199] : memref<1x128xf32, #tpu.memory_space<vmem>>, vector<1x128xf32>
    %add3A_201 = vector.broadcast %get3A_200 : vector<1x128xf32> to vector<2048x128xf32>
    %add3A_202 = arith.addf %dot_general3A_197, %add3A_201 : vector<2048x128xf32>
    %mul3A_203 = arith.mulf %add3A_202, %slice3A_191 : vector<2048x128xf32>
    %slice3A_204 = vector.extract_strided_slice %mul3A_190 {offsets = [0, 128], sizes = [2048, 128], strides = [1, 1]} : vector<2048x256xf32> to vector<2048x128xf32>
    %get3A_205 = arith.constant 0 : index
    %get3A_206 = arith.constant 0 : index
    %get3A_207 = vector.load %arg14[%get3A_205, %get3A_206] : memref<128x128xf32, #tpu.memory_space<vmem>>, vector<128x128xf32>
    %dot_general3A_208 = arith.constant dense<0.000000e+00> : vector<2048x128xf32>
    %dot_general3A_209 = tpu.matmul %slice3A_204, %get3A_207, %dot_general3A_208 {dimension_numbers = #tpu.dot_dimension_numbers<[1], [0], [0], [1], [0, 0, 1, 1], [], []>, transpose_lhs_hint = false} : vector<2048x128xf32>, vector<128x128xf32>, vector<2048x128xf32> -> vector<2048x128xf32>
    %get3A_210 = arith.constant 0 : index
    %get3A_211 = arith.constant 0 : index
    %get3A_212 = vector.load %arg22[%get3A_210, %get3A_211] : memref<1x128xf32, #tpu.memory_space<vmem>>, vector<1x128xf32>
    %add3A_213 = vector.broadcast %get3A_212 : vector<1x128xf32> to vector<2048x128xf32>
    %add3A_214 = arith.addf %dot_general3A_209, %add3A_213 : vector<2048x128xf32>
    %swap3A = arith.constant 0 : index
    %swap3A_215 = arith.constant 0 : index
    %swap3A_216 = vector.load %arg23[%swap3A, %swap3A_215] : memref<2048x16xf32, #tpu.memory_space<vmem>>, vector<2048x16xf32>
    tpu.vector_store %arg23[%swap3A, %swap3A_215], %add3A_162 {strides = array<i32>} : memref<2048x16xf32, #tpu.memory_space<vmem>>, vector<2048x16xf32>,
    %swap3A_217 = arith.constant 0 : index
    %swap3A_218 = arith.constant 0 : index
    %swap3A_219 = vector.load %arg24[%swap3A_217, %swap3A_218] : memref<2048x128xf32, #tpu.memory_space<vmem>>, vector<2048x128xf32>
    tpu.vector_store %arg24[%swap3A_217, %swap3A_218], %mul3A_203 {strides = array<i32>} : memref<2048x128xf32, #tpu.memory_space<vmem>>, vector<2048x128xf32>,
    %mul3A_220 = vector.broadcast %concatenate3A_63 : vector<2048x1xf32> to vector<2048x128xf32>
    %mul3A_221 = arith.mulf %add3A_214, %mul3A_220 : vector<2048x128xf32>
    %swap3A_222 = arith.constant 0 : index
    %swap3A_223 = arith.constant 0 : index
    %swap3A_224 = vector.load %arg25[%swap3A_222, %swap3A_223] : memref<2048x128xf32, #tpu.memory_space<vmem>>, vector<2048x128xf32>
    tpu.vector_store %arg25[%swap3A_222, %swap3A_223], %mul3A_221 {strides = array<i32>} : memref<2048x128xf32, #tpu.memory_space<vmem>>, vector<2048x128xf32>,
    %mul3A_225 = vector.broadcast %concatenate3A_80 : vector<2048x1xf32> to vector<2048x128xf32>
    %mul3A_226 = arith.mulf %add3A_214, %mul3A_225 : vector<2048x128xf32>
    %swap3A_227 = arith.constant 0 : index
    %swap3A_228 = arith.constant 0 : index
    %swap3A_229 = vector.load %arg26[%swap3A_227, %swap3A_228] : memref<2048x128xf32, #tpu.memory_space<vmem>>, vector<2048x128xf32>
    tpu.vector_store %arg26[%swap3A_227, %swap3A_228], %mul3A_226 {strides = array<i32>} : memref<2048x128xf32, #tpu.memory_space<vmem>>, vector<2048x128xf32>,
    %mul3A_230 = vector.broadcast %concatenate3A_97 : vector<2048x1xf32> to vector<2048x128xf32>
    %mul3A_231 = arith.mulf %add3A_214, %mul3A_230 : vector<2048x128xf32>
    %swap3A_232 = arith.constant 0 : index
    %swap3A_233 = arith.constant 0 : index
    %swap3A_234 = vector.load %arg27[%swap3A_232, %swap3A_233] : memref<2048x128xf32, #tpu.memory_space<vmem>>, vector<2048x128xf32>
    tpu.vector_store %arg27[%swap3A_232, %swap3A_233], %mul3A_231 {strides = array<i32>} : memref<2048x128xf32, #tpu.memory_space<vmem>>, vector<2048x128xf32>,
    return
  }
  func.func @transform_0(%arg0: i32) -> (i32, i32) {
    %c0_i32 = arith.constant 0 : i32
    %c0_i32_0 = arith.constant 0 : i32
    return %arg0, %c0_i32 : i32, i32
  }
  func.func @transform_1(%arg0: i32) -> (i32, i32) {
    %c0_i32 = arith.constant 0 : i32
    %c0_i32_0 = arith.constant 0 : i32
    return %arg0, %c0_i32 : i32, i32
  }
  func.func @transform_2(%arg0: i32) -> (i32, i32) {
    %c0_i32 = arith.constant 0 : i32
    %c0_i32_0 = arith.constant 0 : i32
    return %arg0, %c0_i32 : i32, i32
  }
  func.func @transform_3(%arg0: i32) -> (i32, i32) {
    %c0_i32 = arith.constant 0 : i32
    %c0_i32_0 = arith.constant 0 : i32
    return %arg0, %c0_i32 : i32, i32
  }
  func.func @transform_4(%arg0: i32) -> (i32, i32) {
    %c0_i32 = arith.constant 0 : i32
    %c0_i32_0 = arith.constant 0 : i32
    return %arg0, %c0_i32 : i32, i32
  }
  func.func @transform_5(%arg0: i32) -> (i32, i32) {
    %c0_i32 = arith.constant 0 : i32
    %c0_i32_0 = arith.constant 0 : i32
    %c0_i32_1 = arith.constant 0 : i32
    return %c0_i32, %c0_i32_0 : i32, i32
  }
  func.func @transform_6(%arg0: i32) -> (i32, i32) {
    %c0_i32 = arith.constant 0 : i32
    %c0_i32_0 = arith.constant 0 : i32
    %c0_i32_1 = arith.constant 0 : i32
    return %c0_i32, %c0_i32_0 : i32, i32
  }
  func.func @transform_7(%arg0: i32) -> (i32, i32) {
    %c0_i32 = arith.constant 0 : i32
    %c0_i32_0 = arith.constant 0 : i32
    %c0_i32_1 = arith.constant 0 : i32
    return %c0_i32, %c0_i32_0 : i32, i32
  }
  func.func @transform_8(%arg0: i32) -> (i32, i32) {
    %c0_i32 = arith.constant 0 : i32
    %c0_i32_0 = arith.constant 0 : i32
    %c0_i32_1 = arith.constant 0 : i32
    return %c0_i32, %c0_i32_0 : i32, i32
  }
  func.func @transform_9(%arg0: i32) -> (i32, i32) {
    %c0_i32 = arith.constant 0 : i32
    %c0_i32_0 = arith.constant 0 : i32
    %c0_i32_1 = arith.constant 0 : i32
    return %c0_i32, %c0_i32_0 : i32, i32
  }
  func.func @transform_10(%arg0: i32) -> (i32, i32) {
    %c0_i32 = arith.constant 0 : i32
    %c0_i32_0 = arith.constant 0 : i32
    %c0_i32_1 = arith.constant 0 : i32
    return %c0_i32, %c0_i32_0 : i32, i32
  }
  func.func @transform_11(%arg0: i32) -> (i32, i32) {
    %c0_i32 = arith.constant 0 : i32
    %c0_i32_0 = arith.constant 0 : i32
    %c0_i32_1 = arith.constant 0 : i32
    return %c0_i32, %c0_i32_0 : i32, i32
  }
  func.func @transform_12(%arg0: i32) -> (i32, i32) {
    %c0_i32 = arith.constant 0 : i32
    %c0_i32_0 = arith.constant 0 : i32
    %c0_i32_1 = arith.constant 0 : i32
    return %c0_i32, %c0_i32_0 : i32, i32
  }
  func.func @transform_13(%arg0: i32) -> (i32, i32) {
    %c0_i32 = arith.constant 0 : i32
    %c0_i32_0 = arith.constant 0 : i32
    %c0_i32_1 = arith.constant 0 : i32
    return %c0_i32, %c0_i32_0 : i32, i32
  }
  func.func @transform_14(%arg0: i32) -> (i32, i32) {
    %c0_i32 = arith.constant 0 : i32
    %c0_i32_0 = arith.constant 0 : i32
    %c0_i32_1 = arith.constant 0 : i32
    return %c0_i32, %c0_i32_0 : i32, i32
  }
  func.func @transform_15(%arg0: i32) -> (i32, i32) {
    %c0_i32 = arith.constant 0 : i32
    %c0_i32_0 = arith.constant 0 : i32
    %c0_i32_1 = arith.constant 0 : i32
    return %c0_i32, %c0_i32_0 : i32, i32
  }
  func.func @transform_16(%arg0: i32) -> (i32, i32) {
    %c0_i32 = arith.constant 0 : i32
    %c0_i32_0 = arith.constant 0 : i32
    %c0_i32_1 = arith.constant 0 : i32
    return %c0_i32, %c0_i32_0 : i32, i32
  }
  func.func @transform_17(%arg0: i32) -> (i32, i32) {
    %c0_i32 = arith.constant 0 : i32
    %c0_i32_0 = arith.constant 0 : i32
    %c0_i32_1 = arith.constant 0 : i32
    return %c0_i32, %c0_i32_0 : i32, i32
  }
  func.func @transform_18(%arg0: i32) -> (i32, i32) {
    %c0_i32 = arith.constant 0 : i32
    %c0_i32_0 = arith.constant 0 : i32
    %c0_i32_1 = arith.constant 0 : i32
    return %c0_i32, %c0_i32_0 : i32, i32
  }
  func.func @transform_19(%arg0: i32) -> (i32, i32) {
    %c0_i32 = arith.constant 0 : i32
    %c0_i32_0 = arith.constant 0 : i32
    %c0_i32_1 = arith.constant 0 : i32
    return %c0_i32, %c0_i32_0 : i32, i32
  }
  func.func @transform_20(%arg0: i32) -> (i32, i32) {
    %c0_i32 = arith.constant 0 : i32
    %c0_i32_0 = arith.constant 0 : i32
    %c0_i32_1 = arith.constant 0 : i32
    return %c0_i32, %c0_i32_0 : i32, i32
  }
  func.func @transform_21(%arg0: i32) -> (i32, i32) {
    %c0_i32 = arith.constant 0 : i32
    %c0_i32_0 = arith.constant 0 : i32
    %c0_i32_1 = arith.constant 0 : i32
    return %c0_i32, %c0_i32_0 : i32, i32
  }
  func.func @transform_22(%arg0: i32) -> (i32, i32) {
    %c0_i32 = arith.constant 0 : i32
    %c0_i32_0 = arith.constant 0 : i32
    return %arg0, %c0_i32 : i32, i32
  }
  func.func @transform_23(%arg0: i32) -> (i32, i32) {
    %c0_i32 = arith.constant 0 : i32
    %c0_i32_0 = arith.constant 0 : i32
    return %arg0, %c0_i32 : i32, i32
  }
  func.func @transform_24(%arg0: i32) -> (i32, i32) {
    %c0_i32 = arith.constant 0 : i32
    %c0_i32_0 = arith.constant 0 : i32
    return %arg0, %c0_i32 : i32, i32
  }
  func.func @transform_25(%arg0: i32) -> (i32, i32) {
    %c0_i32 = arith.constant 0 : i32
    %c0_i32_0 = arith.constant 0 : i32
    return %arg0, %c0_i32 : i32, i32
  }
  func.func @transform_26(%arg0: i32) -> (i32, i32) {
    %c0_i32 = arith.constant 0 : i32
    %c0_i32_0 = arith.constant 0 : i32
    return %arg0, %c0_i32 : i32, i32
  }
}

module attributes {stable_mosaic.version = 14 : i64} {
  func.func @_node_body(%arg0: i32, %arg1: memref<16x128xf32, #tpu.memory_space<vmem>>, %arg2: memref<2048x128xf32, #tpu.memory_space<vmem>>, %arg3: memref<128x128xf32, #tpu.memory_space<vmem>>, %arg4: memref<128x128xf32, #tpu.memory_space<vmem>>, %arg5: memref<128x128xf32, #tpu.memory_space<vmem>>, %arg6: memref<128x128xf32, #tpu.memory_space<vmem>>, %arg7: memref<1x128xf32, #tpu.memory_space<vmem>>, %arg8: memref<1x128xf32, #tpu.memory_space<vmem>>, %arg9: memref<2048x128xf32, #tpu.memory_space<vmem>>) attributes {dimension_semantics = [#tpu.dimension_semantics<arbitrary>], iteration_bounds = array<i64: 5>, scalar_prefetch = 0 : i64, scratch_operands = 0 : i64, tpu.core_type = #tpu.core_type<tc>, window_params = [{transform_indices = @transform_0, window_bounds = array<i64: 16, 128>}, {transform_indices = @transform_1, window_bounds = array<i64: 2048, 128>}, {pipeline_mode = #tpu.pipeline_mode<synchronous>, transform_indices = @transform_2, window_bounds = array<i64: 128, 128>}, {pipeline_mode = #tpu.pipeline_mode<synchronous>, transform_indices = @transform_3, window_bounds = array<i64: 128, 128>}, {pipeline_mode = #tpu.pipeline_mode<synchronous>, transform_indices = @transform_4, window_bounds = array<i64: 128, 128>}, {pipeline_mode = #tpu.pipeline_mode<synchronous>, transform_indices = @transform_5, window_bounds = array<i64: 128, 128>}, {pipeline_mode = #tpu.pipeline_mode<synchronous>, transform_indices = @transform_6, window_bounds = array<i64: 1, 128>}, {pipeline_mode = #tpu.pipeline_mode<synchronous>, transform_indices = @transform_7, window_bounds = array<i64: 1, 128>}, {transform_indices = @transform_8, window_bounds = array<i64: 2048, 128>}]} {
    %get3A = arith.constant 0 : index
    %get3A_0 = arith.constant 0 : index
    %get3A_1 = vector.load %arg1[%get3A, %get3A_0] : memref<16x128xf32, #tpu.memory_space<vmem>>, vector<16x128xf32>
    %transpose3A = tpu.transpose %get3A_1, [1, 0] : vector<16x128xf32> -> vector<128x16xf32>
    %slice3A = vector.extract_strided_slice %transpose3A {offsets = [0, 0], sizes = [128, 1], strides = [1, 1]} : vector<128x16xf32> to vector<128x1xf32>
    %slice3A_2 = vector.extract_strided_slice %transpose3A {offsets = [0, 1], sizes = [128, 1], strides = [1, 1]} : vector<128x16xf32> to vector<128x1xf32>
    %slice3A_3 = vector.extract_strided_slice %transpose3A {offsets = [0, 2], sizes = [128, 1], strides = [1, 1]} : vector<128x16xf32> to vector<128x1xf32>
    %slice3A_4 = vector.extract_strided_slice %transpose3A {offsets = [0, 3], sizes = [128, 1], strides = [1, 1]} : vector<128x16xf32> to vector<128x1xf32>
    %slice3A_5 = vector.extract_strided_slice %transpose3A {offsets = [0, 4], sizes = [128, 1], strides = [1, 1]} : vector<128x16xf32> to vector<128x1xf32>
    %slice3A_6 = vector.extract_strided_slice %transpose3A {offsets = [0, 5], sizes = [128, 1], strides = [1, 1]} : vector<128x16xf32> to vector<128x1xf32>
    %slice3A_7 = vector.extract_strided_slice %transpose3A {offsets = [0, 6], sizes = [128, 1], strides = [1, 1]} : vector<128x16xf32> to vector<128x1xf32>
    %slice3A_8 = vector.extract_strided_slice %transpose3A {offsets = [0, 7], sizes = [128, 1], strides = [1, 1]} : vector<128x16xf32> to vector<128x1xf32>
    %slice3A_9 = vector.extract_strided_slice %transpose3A {offsets = [0, 8], sizes = [128, 1], strides = [1, 1]} : vector<128x16xf32> to vector<128x1xf32>
    %slice3A_10 = vector.extract_strided_slice %transpose3A {offsets = [0, 9], sizes = [128, 1], strides = [1, 1]} : vector<128x16xf32> to vector<128x1xf32>
    %slice3A_11 = vector.extract_strided_slice %transpose3A {offsets = [0, 10], sizes = [128, 1], strides = [1, 1]} : vector<128x16xf32> to vector<128x1xf32>
    %slice3A_12 = vector.extract_strided_slice %transpose3A {offsets = [0, 11], sizes = [128, 1], strides = [1, 1]} : vector<128x16xf32> to vector<128x1xf32>
    %slice3A_13 = vector.extract_strided_slice %transpose3A {offsets = [0, 12], sizes = [128, 1], strides = [1, 1]} : vector<128x16xf32> to vector<128x1xf32>
    %slice3A_14 = vector.extract_strided_slice %transpose3A {offsets = [0, 13], sizes = [128, 1], strides = [1, 1]} : vector<128x16xf32> to vector<128x1xf32>
    %slice3A_15 = vector.extract_strided_slice %transpose3A {offsets = [0, 14], sizes = [128, 1], strides = [1, 1]} : vector<128x16xf32> to vector<128x1xf32>
    %slice3A_16 = vector.extract_strided_slice %transpose3A {offsets = [0, 15], sizes = [128, 1], strides = [1, 1]} : vector<128x16xf32> to vector<128x1xf32>
    %concatenate3A = tpu.concatenate %slice3A, %slice3A_2, %slice3A_3, %slice3A_4, %slice3A_5, %slice3A_6, %slice3A_7, %slice3A_8, %slice3A_9, %slice3A_10, %slice3A_11, %slice3A_12, %slice3A_13, %slice3A_14, %slice3A_15, %slice3A_16 in 0 : vector<128x1xf32>, vector<128x1xf32>, vector<128x1xf32>, vector<128x1xf32>, vector<128x1xf32>, vector<128x1xf32>, vector<128x1xf32>, vector<128x1xf32>, vector<128x1xf32>, vector<128x1xf32>, vector<128x1xf32>, vector<128x1xf32>, vector<128x1xf32>, vector<128x1xf32>, vector<128x1xf32>, vector<128x1xf32> -> vector<2048x1xf32>
    %iota3A = tpu.iota {dimensions = array<i32: 1>} : vector<2048x128xi32>
    %convert_element_type3A = arith.sitofp %iota3A : vector<2048x128xi32> to vector<2048x128xf32>
    %eq3A = vector.broadcast %concatenate3A : vector<2048x1xf32> to vector<2048x128xf32>
    %eq3A_17 = arith.cmpf oeq, %eq3A, %convert_element_type3A : vector<2048x128xf32>
    %convert_element_type3A_18 = arith.extui %eq3A_17 : vector<2048x128xi1> to vector<2048x128xi32>
    %convert_element_type3A_19 = arith.sitofp %convert_element_type3A_18 : vector<2048x128xi32> to vector<2048x128xf32>
    %get3A_20 = arith.constant 0 : index
    %get3A_21 = arith.constant 0 : index
    %get3A_22 = vector.load %arg3[%get3A_20, %get3A_21] : memref<128x128xf32, #tpu.memory_space<vmem>>, vector<128x128xf32>
    %dot_general3A = arith.constant dense<0.000000e+00> : vector<2048x128xf32>
    %dot_general3A_23 = tpu.matmul %convert_element_type3A_19, %get3A_22, %dot_general3A {dimension_numbers = #tpu.dot_dimension_numbers<[1], [0], [0], [1], [0, 0, 1, 1], [], []>, transpose_lhs_hint = false} : vector<2048x128xf32>, vector<128x128xf32>, vector<2048x128xf32> -> vector<2048x128xf32>
    %get3A_24 = arith.constant 0 : index
    %get3A_25 = arith.constant 0 : index
    %get3A_26 = vector.load %arg4[%get3A_24, %get3A_25] : memref<128x128xf32, #tpu.memory_space<vmem>>, vector<128x128xf32>
    %dot_general3A_27 = arith.constant dense<0.000000e+00> : vector<2048x128xf32>
    %dot_general3A_28 = tpu.matmul %dot_general3A_23, %get3A_26, %dot_general3A_27 {dimension_numbers = #tpu.dot_dimension_numbers<[1], [0], [0], [1], [0, 0, 1, 1], [], []>, transpose_lhs_hint = false} : vector<2048x128xf32>, vector<128x128xf32>, vector<2048x128xf32> -> vector<2048x128xf32>
    %get3A_29 = arith.constant 0 : index
    %get3A_30 = arith.constant 0 : index
    %get3A_31 = vector.load %arg2[%get3A_29, %get3A_30] : memref<2048x128xf32, #tpu.memory_space<vmem>>, vector<2048x128xf32>
    %get3A_32 = arith.constant 0 : index
    %get3A_33 = arith.constant 0 : index
    %get3A_34 = vector.load %arg5[%get3A_32, %get3A_33] : memref<128x128xf32, #tpu.memory_space<vmem>>, vector<128x128xf32>
    %dot_general3A_35 = arith.constant dense<0.000000e+00> : vector<2048x128xf32>
    %dot_general3A_36 = tpu.matmul %get3A_31, %get3A_34, %dot_general3A_35 {dimension_numbers = #tpu.dot_dimension_numbers<[1], [0], [0], [1], [0, 0, 1, 1], [], []>, transpose_lhs_hint = false} : vector<2048x128xf32>, vector<128x128xf32>, vector<2048x128xf32> -> vector<2048x128xf32>
    %add3A = arith.addf %dot_general3A_28, %dot_general3A_36 : vector<2048x128xf32>
    %get3A_37 = arith.constant 0 : index
    %get3A_38 = arith.constant 0 : index
    %get3A_39 = vector.load %arg7[%get3A_37, %get3A_38] : memref<1x128xf32, #tpu.memory_space<vmem>>, vector<1x128xf32>
    %add3A_40 = vector.broadcast %get3A_39 : vector<1x128xf32> to vector<2048x128xf32>
    %add3A_41 = arith.addf %add3A, %add3A_40 : vector<2048x128xf32>
    %logistic3A = arith.negf %add3A_41 : vector<2048x128xf32>
    %logistic3A_42 = math.exp %logistic3A : vector<2048x128xf32>
    %logistic3A_43 = arith.constant 1.000000e+00 : f32
    %logistic3A_44 = vector.broadcast %logistic3A_43 : f32 to vector<2048x128xf32>
    %logistic3A_45 = arith.addf %logistic3A_44, %logistic3A_42 : vector<2048x128xf32>
    %logistic3A_46 = arith.divf %logistic3A_44, %logistic3A_45 : vector<2048x128xf32>
    %mul3A = arith.mulf %add3A_41, %logistic3A_46 : vector<2048x128xf32>
    %get3A_47 = arith.constant 0 : index
    %get3A_48 = arith.constant 0 : index
    %get3A_49 = vector.load %arg6[%get3A_47, %get3A_48] : memref<128x128xf32, #tpu.memory_space<vmem>>, vector<128x128xf32>
    %dot_general3A_50 = arith.constant dense<0.000000e+00> : vector<2048x128xf32>
    %dot_general3A_51 = tpu.matmul %mul3A, %get3A_49, %dot_general3A_50 {dimension_numbers = #tpu.dot_dimension_numbers<[1], [0], [0], [1], [0, 0, 1, 1], [], []>, transpose_lhs_hint = false} : vector<2048x128xf32>, vector<128x128xf32>, vector<2048x128xf32> -> vector<2048x128xf32>
    %get3A_52 = arith.constant 0 : index
    %get3A_53 = arith.constant 0 : index
    %get3A_54 = vector.load %arg8[%get3A_52, %get3A_53] : memref<1x128xf32, #tpu.memory_space<vmem>>, vector<1x128xf32>
    %add3A_55 = vector.broadcast %get3A_54 : vector<1x128xf32> to vector<2048x128xf32>
    %add3A_56 = arith.addf %dot_general3A_51, %add3A_55 : vector<2048x128xf32>
    %swap3A = arith.constant 0 : index
    %swap3A_57 = arith.constant 0 : index
    %swap3A_58 = vector.load %arg9[%swap3A, %swap3A_57] : memref<2048x128xf32, #tpu.memory_space<vmem>>, vector<2048x128xf32>
    tpu.vector_store %arg9[%swap3A, %swap3A_57], %add3A_56 {strides = array<i32>} : memref<2048x128xf32, #tpu.memory_space<vmem>>, vector<2048x128xf32>,
    return
  }
  func.func @transform_0(%arg0: i32) -> (i32, i32) {
    %c0_i32 = arith.constant 0 : i32
    %c0_i32_0 = arith.constant 0 : i32
    return %arg0, %c0_i32 : i32, i32
  }
  func.func @transform_1(%arg0: i32) -> (i32, i32) {
    %c0_i32 = arith.constant 0 : i32
    %c0_i32_0 = arith.constant 0 : i32
    return %arg0, %c0_i32 : i32, i32
  }
  func.func @transform_2(%arg0: i32) -> (i32, i32) {
    %c0_i32 = arith.constant 0 : i32
    %c0_i32_0 = arith.constant 0 : i32
    %c0_i32_1 = arith.constant 0 : i32
    return %c0_i32, %c0_i32_0 : i32, i32
  }
  func.func @transform_3(%arg0: i32) -> (i32, i32) {
    %c0_i32 = arith.constant 0 : i32
    %c0_i32_0 = arith.constant 0 : i32
    %c0_i32_1 = arith.constant 0 : i32
    return %c0_i32, %c0_i32_0 : i32, i32
  }
  func.func @transform_4(%arg0: i32) -> (i32, i32) {
    %c0_i32 = arith.constant 0 : i32
    %c0_i32_0 = arith.constant 0 : i32
    %c0_i32_1 = arith.constant 0 : i32
    return %c0_i32, %c0_i32_0 : i32, i32
  }
  func.func @transform_5(%arg0: i32) -> (i32, i32) {
    %c0_i32 = arith.constant 0 : i32
    %c0_i32_0 = arith.constant 0 : i32
    %c0_i32_1 = arith.constant 0 : i32
    return %c0_i32, %c0_i32_0 : i32, i32
  }
  func.func @transform_6(%arg0: i32) -> (i32, i32) {
    %c0_i32 = arith.constant 0 : i32
    %c0_i32_0 = arith.constant 0 : i32
    %c0_i32_1 = arith.constant 0 : i32
    return %c0_i32, %c0_i32_0 : i32, i32
  }
  func.func @transform_7(%arg0: i32) -> (i32, i32) {
    %c0_i32 = arith.constant 0 : i32
    %c0_i32_0 = arith.constant 0 : i32
    %c0_i32_1 = arith.constant 0 : i32
    return %c0_i32, %c0_i32_0 : i32, i32
  }
  func.func @transform_8(%arg0: i32) -> (i32, i32) {
    %c0_i32 = arith.constant 0 : i32
    %c0_i32_0 = arith.constant 0 : i32
    return %arg0, %c0_i32 : i32, i32
  }
}

</mosaic_0001>

<sc_bundles>
// kernel: kernel.6.cloned.1.call-start
scs
__scs_entry_jumppad:
0x0: {  	(pc) =	sbr.rel $0x88, $3  }
0x1: {  	(tag) =	ssettag $0x0;
	lr =	simm.s32 $0x1  }
0x2: {  	[smem:$0x3F8D] =	sst lr;
	_ =	strace $0xD0000000  }
0x3: {  	_ = 	snop  }
0x4: {  	_ = 	snop  }
0x5: {  	_ = 	snop  }
0x6: {  	_ = 	snop  }
0x7: {  	_ = 	snop  }
__scs_overlays_trampoline_lowered:
0x8: {  	[smem:$0x3F9C] =	sst s0  }
0x9: {  	[smem:$0x3F9D] =	sst s1  }
0xa: {  	[smem:$0x3F9E] =	sst s2  }
0xb: {  	[smem:$0x3F9F] =	sst s3  }
0xc: {  	[smem:$0x3FA0] =	sst s4  }
0xd: {  	[smem:$0x3FA1] =	sst s5  }
0xe: {  	[smem:$0x3FA2] =	sst s6  }
0xf: {  	[smem:$0x3FA3] =	sst s7  }
0x10: {  	[smem:$0x3FA4] =	sst s8  }
0x11: {  	[smem:$0x3FA5] =	sst s9;
	s0 =	simm.s32 @!p0 $0x0  }
0x12: {  	s1 =	sld [smem:$0x3F8B];
	s0 =	simm.s32 @p0 $0x1  }
0x13: {  	[smem:$0x3FA6] =	sst s0;
	s0 =	simm.s32 @!p1 $0x0  }
0x14: {  	s2 =	sld [smem:$0x3F8A];
	s0 =	simm.s32 @p1 $0x1  }
0x15: {  	[smem:$0x3FA7] =	sst s0;
	s0 =	simm.s32 @!p2 $0x0  }
0x16: {  	s3 =	sld [smem:$0x3FDB];
	s0 =	simm.s32 @p2 $0x1  }
0x17: {  	s4 =	simm.s32 $0x1BF5;
	[smem:$0x3FA9] =	sst s0  }
0x18: {  	s0 =	sld [smem:$0x3F8C];
	_ =	swait.ge [sflag:s4], $0x0  }
0x19: {  	s7 =	sld [smem:$0x3F8D]  }
0x1a: {  	s8 =	sadd.s32 $0xFFFFE003, lr  }
0x1b: {  	s9 =	sadd.s32 $0xFFFFFEF7, lr;
	s5 =	simm.s32 $0xFFFFFFFF;
	p2 =	slt.u32 s8, $0xFFFFF086  }
0x1c: {  	p1 =	slt.u32 s9, $0xF7A;
	s5 =	simm.s32 @!p2 $0x0  }
0x1d: {  	s5 =	simm.s32 @p1 $0x1;
	p0 =	seq.s32 s7, s2  }
0x1e: {  	s7 =	smul.u32 @!p0 $0xF7A, s2;
	p2 =	seq.s32 @!p0 s5, $0x0  }
0x1f: {  	s9 =	smul.u32 $0xF7A, s1;
	s8 =	simm.s32 @!p0 $0x1BF5;
	p2 =	por !p2, p0  }
0x20: {  	[sflag:s8] =	ssyncset.s32 @!p0 $0xFFFFF086;
	s6 =	sadd.s32 @!p0 s3, s7;
	s7 =	simm.s32 @!p0 $0x108  }
0x21: {  	s3 =	sadd.s32 s3, s9;
	s6 =	sadd.s32 @!p0 $0x88, s6;
	s7 =	simm.s32 @p2 $0x1082  }
0x22: {  	[simem:s7], [sflag:s8] =	dma.local @!p0 [hbm:s6], $0xF7A  }
0x23: {  	s9 =	sor.u32 $0xD0000000, s2;
	s6 =	simm.s32 $0x108;
	_ =	swait.ge @!p0 [sflag:s8], $0x0  }
0x24: {  	s3 =	sadd.s32 $0x88, s3;
	s6 =	simm.s32 @!p1 $0x1082;
	[sflag:s4] =	ssyncset.s32 $0xFFFFF086  }
0x25: {  	[simem:s6], [sflag:s4] =	dma.local [hbm:s3], $0xF7A  }
0x26: {  	[smem:$0x3F8D] =	sst s1;
	(tag) =	ssettag s2;
	_ =	strace s9  }
0x27: {  	s1 =	sld [smem:$0x3F9D]  }
0x28: {  	s2 =	sld [smem:$0x3F9E]  }
0x29: {  	s4 =	sld [smem:$0x3FA0]  }
0x2a: {  	p0 =	seq.s32 s5, $0x0;
	s5 =	sld [smem:$0x3FA1]  }
0x2b: {  	s6 =	sld [smem:$0x3FA2]  }
0x2c: {  	s7 =	sld [smem:$0x3FA3]  }
0x2d: {  	s3 =	simm.s32 $0x108;
	s8 =	sld [smem:$0x3FA4]  }
0x2e: {  	s3 =	simm.s32 @!p0 $0x1082;
	s9 =	sld [smem:$0x3FA5]  }
0x2f: {  	lr =	sadd.s32 s0, s3;
	s0 =	sld [smem:$0x3F9C]  }
0x30: {  	s3 =	sld [smem:$0x3F9F]  }
0x31: {  	[smem:$0x3FA8] =	sst s10  }
0x32: {  	s10 =	sld [smem:$0x3FA6];
	_ =	sdelay $0x3  }
0x33: {  	p0 =	seq.s32 s10, $0x1;
	s10 =	sld [smem:$0x3FA8];
	_ =	sdelay $0x3  }
0x34: {  	[smem:$0x3FA8] =	sst s10  }
0x35: {  	s10 =	sld [smem:$0x3FA7];
	_ =	sdelay $0x3  }
0x36: {  	p1 =	seq.s32 s10, $0x1;
	s10 =	sld [smem:$0x3FA8];
	_ =	sdelay $0x3  }
0x37: {  	[smem:$0x3FA8] =	sst s10  }
0x38: {  	s10 =	sld [smem:$0x3FA9]  }
0x39: {  	_ = 	snop;
	(pc) =	sbr.ind lr, $3  }
0x3a: {  	_ = 	snop  }
0x3b: {  	_ = 	snop  }
0x3c: {  	p2 =	seq.s32 s10, $0x1;
	s10 =	sld [smem:$0x3FA8]  }
0x3d: {  	_ =	shalt  }
0x3e: {  	_ =	shalt  }
0x3f: {  	_ =	shalt  }
0x40: {  	_ =	shalt  }
0x41: {  	_ =	shalt  }
0x42: {  	_ =	shalt  }
0x43: {  	_ =	shalt  }
0x44: {  	_ =	shalt  }
0x45: {  	_ =	shalt  }
0x46: {  	_ =	shalt  }
0x47: {  	_ =	shalt  }
0x48: {  	_ =	shalt  }
0x49: {  	_ =	shalt  }
0x4a: {  	_ =	shalt  }
0x4b: {  	_ =	shalt  }
0x4c: {  	_ =	shalt  }
0x4d: {  	_ =	shalt  }
0x4e: {  	_ =	shalt  }
0x4f: {  	_ =	shalt  }
0x50: {  	_ =	shalt  }
0x51: {  	_ =	shalt  }
0x52: {  	_ =	shalt  }
0x53: {  	_ =	shalt  }
0x54: {  	_ =	shalt  }
0x55: {  	_ =	shalt  }
0x56: {  	_ =	shalt  }
0x57: {  	_ =	shalt  }
0x58: {  	_ =	shalt  }
0x59: {  	_ =	shalt  }
0x5a: {  	_ =	shalt  }
0x5b: {  	_ =	shalt  }
0x5c: {  	_ =	shalt  }
0x5d: {  	_ =	shalt  }
0x5e: {  	_ =	shalt  }
0x5f: {  	_ =	shalt  }
0x60: {  	_ =	shalt  }
0x61: {  	_ =	shalt  }
0x62: {  	_ =	shalt  }
0x63: {  	_ =	shalt  }
0x64: {  	_ =	shalt  }
0x65: {  	_ =	shalt  }
0x66: {  	_ =	shalt  }
0x67: {  	_ =	shalt  }
0x68: {  	_ =	shalt  }
0x69: {  	_ =	shalt  }
0x6a: {  	_ =	shalt  }
0x6b: {  	_ =	shalt  }
0x6c: {  	_ =	shalt  }
0x6d: {  	_ =	shalt  }
0x6e: {  	_ =	shalt  }
0x6f: {  	_ =	shalt  }
0x70: {  	_ =	shalt  }
0x71: {  	_ =	shalt  }
0x72: {  	_ =	shalt  }
0x73: {  	_ =	shalt  }
0x74: {  	_ =	shalt  }
0x75: {  	_ =	shalt  }
0x76: {  	_ =	shalt  }
0x77: {  	_ =	shalt  }
0x78: {  	_ =	shalt  }
0x79: {  	_ =	shalt  }
0x7a: {  	_ =	shalt  }
0x7b: {  	_ =	shalt  }
0x7c: {  	_ =	shalt  }
0x7d: {  	_ =	shalt  }
0x7e: {  	_ =	shalt  }
0x7f: {  	_ =	shalt  }
0x80: {  	_ =	shalt  }
0x81: {  	_ =	shalt  }
0x82: {  	_ =	shalt  }
0x83: {  	_ =	shalt  }
0x84: {  	_ =	shalt  }
0x85: {  	_ =	shalt  }
0x86: {  	_ =	shalt  }
0x87: {  	_ =	shalt  }
.Lfunc_end0:
.L_simem_size_0:
called_computation_lowered:
.L_overlay_start_0:
0x88: {  	s2 =	sld [smem:$0x3FD9]  }
0x89: {  	s3 =	sld [smem:$0x3FFE];
	_ =	sdelay $0x1  }
0x8a: {  	s1 =	srdreg.scid  }
0x8b: {  	s0 =	sand.u32 $0x1, s1  }
0x8c: {  	s14 =	sshll.u32 s0, $0xA;
	s2 =	sadd.s32 s3, s2  }
0x8d: {  	s2 =	sadd.s32 s2, s14  }
0x8e: {  	[smem:$0x3FB4] =	sst s2  }
0x8f: {  	_ = 	snop  }
0x90: {  	s2 =	sld [smem:$0x3FD0];
	_ =	sdelay $0x2  }
0x91: {  	s15 =	simm.s32 $0xA;
	s4 =	simm.s32 $0x10  }
0x92: {  	[smem:s4], [sflag:s15] =	dma.local [hbm:s2], $0x1  }
0x93: {  	_ =	swait.eq [sflag:s15], $0x1  }
0x94: {  	s16 =	sld [smem:$0x10];
	[sflag:s15] =	ssyncset.done $0x0  }
0x95: {  	s17 =	sld [smem:$0x11];
	[sflag:s15] =	ssyncadd.s32 $0xFFFFFFFF  }
0x96: {  	s18 =	sld [smem:$0x12];
	(tm) =	ssettm $0x1  }
0x97: {  	s5 =	sld [smem:$0x3FFB];
	_ =	sdelay $0x3  }
0x98: {  	_ =	strace s5  }
0x99: {  	s5 =	sld [smem:$0x3FFC];
	_ =	sdelay $0x3  }
0x9a: {  	_ =	strace s5  }
0x9b: {  	s5 =	sld [smem:$0x3FFD];
	_ =	sdelay $0x3  }
0x9c: {  	_ =	strace s5  }
0x9d: {  	_ =	strace $0x8FFFFFFF  }
0x9e: {  	s19 =	sld [smem:$0x3FDB];
	_ =	sdelay $0x1  }
0x9f: {  	s6 =	simm.s32 $_scs_section_size  }
0xa0: {  	s7 =	simm.s32 $_size__tile_overlayer_lowered;
	s8 =	simm.s32 $_tile_overlayer_lowered  }
0xa1: {  	s22 =	simm.s32 $0x1BFF;
	s21 =	sshll.u32 s8, $0x1;
	s5 =	sadd.s32 s6, s19  }
0xa2: {  	s9 =	simm.s32 $0x0;
	s20 =	sshll.u32 s7, $0x1;
	s7 =	sadd.s32 s21, s5  }
0xa3: {  	[timem:s9], [sflag:s22] =	dma.local [hbm:s7], s20  }
0xa4: {  	_ =	swait.ge [sflag:s22], s20  }
0xa5: {  	s6 =	ssub.s32 $0x0, s20;
	[sflag:s22] =	ssyncset.done $0x0  }
0xa6: {  	[sflag:s22] =	ssyncadd.s32 s6;
	_ =	sdelay $0x1  }
0xa7: {  	s23 =	simm.s32 $0x1B8B  }
0xa8: {  	_ =	swait.ge [sflag:s23], $0x1  }
0xa9: {  	[sflag:s23] =	ssyncset.done $0x0  }
0xaa: {  	s25 =	simm.s32 $0x1B8E;
	s24 =	sld [smem:$0x3FFE];
	[sflag:s23] =	ssyncadd.s32 $0xFFFFFFFF  }
0xab: {  	s26 =	simm.s32 $execute0_lowered;
	[smem:$0x3FD2] =	sst s25  }
0xac: {  	s7 =	sshll.u32 s26, $0x1;
	_ =	strace $0x80000046;
	[dreg:$0x1] =	wrdreg $0xFFFFFFFF  }
0xad: {  	s28 =	simm.s32 $_size_execute0_lowered;
	s5 =	sadd.s32 s5, s7;
	[dreg:$0x0] =	wrdreg $0x0  }
0xae: {  	s7 =	sshll.u32 s28, $0x1;
	[dreg:$0x2] =	wrdreg s5  }
0xaf: {  	[dreg:$0x3] =	wrdreg s7  }
0xb0: {  	[dreg:$0x4] =	wrdreg $0xC0  }
0xb1: {  	_ =	task [dreg:s9], $0x5FFFF  }
0xb2: {  	[dreg:$0x1] =	wrdreg $0xFFFFFFFF  }
0xb3: {  	[dreg:$0x0] =	wrdreg $0x60  }
0xb4: {  	[dreg:$0x2] =	wrdreg s24  }
0xb5: {  	[dreg:$0x3] =	wrdreg s17  }
0xb6: {  	[dreg:$0x4] =	wrdreg s16  }
0xb7: {  	[dreg:$0x5] =	wrdreg s18  }
0xb8: {  	[dreg:$0x6] =	wrdreg $0x9  }
0xb9: {  	_ =	task.clear_ibuf [dreg:s9], $0x7FFFF;
	_ =	strace $0x90000046  }
0xba: {  	s29 =	simm.s32 $0x9;
	_ =	strace $0x80000048  }
0xbb: {  	_ =	swait.ge [sflag:s29], $0x1  }
0xbc: {  	[sflag:s29] =	ssyncadd.s32 $0xFFFFFFFF  }
0xbd: {  	_ =	strace $0x90000048  }
0xbe: {  	_ =	sfence  }
0xbf: {  	s30 =	sld [smem:$0x0];
	_ =	sdelay $0x2  }
0xc0: {  	s31 =	sshll.u32 s1, $0xD;
	s1 =	sshrl.u32 s1, $0x2  }
0xc1: {  	s3 =	sand.u32 $0x4000, s31;
	s1 =	sadd.s32 s1, s30  }
0xc2: {  	s0 =	sor.u32 s3, s0;
	s1 =	sshll.u32 s1, $0x11  }
0xc3: {  	s0 =	sor.u32 s1, s0  }
0xc4: {  	s0 =	sadd.s32 $0x8F2B, s0  }
0xc5: {  	[sflag:s0] =	ssyncadd.remote.s32 $0x1  }
0xc6: {  	_ =	sfence.sel $0xFFFF  }
0xc7: {  	[dreg:$0x0] =	wrdreg $0xFFFFFFFF;
	(pc) =	sbr.abs _section_cstart, $3  }
0xc8: {  	[dreg:$0x1] =	wrdreg $0xFFFFFFFF  }
0xc9: {  	_ =	task.clear_ibuf [dreg:s9], $0x2FFFF;
	_ =	strace $0x9FFFFFFF  }
0xca: {  	(tm) =	ssettm $0x7FFFFFFF  }
0xcb: {  	_ =	shalt  }
tec
execute0_lowered:
.L_overlay_start_1:
0x0: {  	(tag) =	ssettag $0x1  }
0x1: {  	s7 =	rddreg [dreg:$0x0]  }
0x2: {  	s8 =	rddreg [dreg:$0x1]  }
0x3: {  	s9 =	rddreg [dreg:$0x2]  }
0x4: {  	s10 =	rddreg [dreg:$0x3]  }
0x5: {  	s0 =	rddreg [dreg:$0x4];
	s3 =	srdreg.scid  }
0x6: {  	s1 =	stileid.u32;
	s2 =	simm.s32 $0x0;
	s15 =	simm.s32 $0x1  }
0x7: {  	s16 =	simm.s32 $0x2780;
	s17 =	simm.s32 $0x4F00;
	s18 =	simm.s32 $0x7680  }
0x8: {  	s19 =	simm.s32 $0x9E00;
	s20 =	simm.s32 $0xC580;
	s21 =	simm.s32 $0xED00  }
0x9: {  	s22 =	simm.s32 $0x11480;
	s23 =	simm.s32 $0x13C00;
	s24 =	simm.s32 $0x16380  }
0xa: {  	s25 =	simm.s32 $0x18B00;
	s26 =	simm.s32 $0x0;
	s6 =	sand.u32 $0x1, s3  }
0xb: {  	s30 =	sshll.u32 s1, $0x1;
	[smem:$0x7FF] =	sst s2;
	s3 =	sadd.s32 $0x3C00, s7  }
0xc: {  	s5 =	sadd.s32 $0x4800, s7;
	s4 =	sor.u32 s6, s30;
	s12 =	ssub.s32 $0x2, s6  }
0xd: {  	_ =	strace $0x80000047;
	s11 =	smul.u32 $0x4E2, s4;
	s31 =	sshrl.u32 s12, $0x1  }
0xe: {  	s6 =	sadd.s32 $0x4200, s7;
	s4 =	sadd.s32 $0x4E00, s7;
	s14 =	ssub.s32 s12, s31  }
0xf: {  	s13 =	sadd.s32 s11, s7;
	s7 =	sadd.s32 s8, s11;
	s8 =	sadd.s32 s9, s11  }
0x10: {  	s9 =	sadd.s32 s10, s11;
	s14 =	smax.u32 s14, $0x1;
	s10 =	sadd.s32 $0xF200, s13  }
0x11: {  	s11 =	sadd.s32 $0x19000, s13;
	s12 =	sadd.s32 $0x22E00, s13;
	s13 =	sadd.s32 $0x2CC00, s13  }
.LBB2_1:
0x12: {  	[tilespmem:s2], [sflag:$0x1] =	stream.linear.gather [hbm4b:s3+s2], $0x2780, $0x38;
	[tilespmem:$0x1B280] =	vst v63  }
0x13: {  	_ =	swait.ge [sflag:s15], $0x2780  }
0x14: {  	[sflag:s15] =	ssyncset.done $0x0  }
0x15: {  	[sflag:s15] =	ssyncadd.s32 $0xFFFFD880  }
0x16: {  	[tilespmem:s16], [sflag:$0x1] =	stream.linear.gather [hbm4b:s4+s2], $0x2780, $0x38;
	[tilespmem:$0x1B280] =	vst v63  }
0x17: {  	_ =	swait.ge [sflag:s15], $0x2780  }
0x18: {  	[sflag:s15] =	ssyncset.done $0x0  }
0x19: {  	[sflag:s15] =	ssyncadd.s32 $0xFFFFD880  }
0x1a: {  	[tilespmem:s17], [sflag:$0x1] =	stream.linear.gather [hbm4b:s5+s2], $0x2780, $0x38;
	[tilespmem:$0x1B280] =	vst v63  }
0x1b: {  	_ =	swait.ge [sflag:s15], $0x2780  }
0x1c: {  	[sflag:s15] =	ssyncset.done $0x0  }
0x1d: {  	[sflag:s15] =	ssyncadd.s32 $0xFFFFD880  }
0x1e: {  	[tilespmem:s18], [sflag:$0x1] =	stream.linear.gather [hbm4b:s6+s2], $0x2780, $0x38;
	[tilespmem:$0x1B280] =	vst v63  }
0x1f: {  	_ =	swait.ge [sflag:s15], $0x2780  }
0x20: {  	[sflag:s15] =	ssyncset.done $0x0  }
0x21: {  	[sflag:s15] =	ssyncadd.s32 $0xFFFFD880  }
0x22: {  	[tilespmem:s19], [sflag:$0x1] =	stream.linear.gather [hbm4b:s7+s2], $0x2710, $0x38;
	[tilespmem:$0x1B280] =	vst v63  }
0x23: {  	_ =	swait.ge [sflag:s15], $0x2710  }
0x24: {  	[sflag:s15] =	ssyncset.done $0x0  }
0x25: {  	[sflag:s15] =	ssyncadd.s32 $0xFFFFD8F0  }
0x26: {  	[tilespmem:s20], [sflag:$0x1] =	stream.linear.gather [hbm4b:s8+s2], $0x2710, $0x38;
	[tilespmem:$0x1B280] =	vst v63  }
0x27: {  	_ =	swait.ge [sflag:s15], $0x2710  }
0x28: {  	[sflag:s15] =	ssyncset.done $0x0  }
0x29: {  	s28 =	simm.s32 $0x0;
	[sflag:s15] =	ssyncadd.s32 $0xFFFFD8F0  }
0x2a: {  	v0 =	vld [tilespmem:s28+$0x9E00];
	_ =	sdelay $0x5  }
0x2b: {  	v1 =	vld [tilespmem:s28+$0xC580];
	_ =	sdelay $0x1  }
0x2c: {  	v2 =	vld.idx.msk [tilespmem:v0+s2+$0x0], $0xffff;
	_ =	sdelay $0x4  }
0x2d: {  	[tilespmem:s28+$0xED00] =	vst v2  }
0x2e: {  	v2 =	vld.idx.msk [tilespmem:v1+s2+$0x0], $0xffff;
	_ =	sdelay $0x4  }
0x2f: {  	[tilespmem:s28+$0x11480] =	vst v2  }
0x30: {  	v2 =	vld.idx.msk [tilespmem:v1+s16+$0x0], $0xffff  }
0x31: {  	v3 =	vld.idx.msk [tilespmem:v0+s16+$0x0], $0xffff;
	_ =	sdelay $0x4  }
0x32: {  	v2 =	vsub.f32 v2, v3;
	_ =	sdelay $0x1  }
0x33: {  	[tilespmem:s28+$0x13C00] =	vst v2  }
0x34: {  	v2 =	vld.idx.msk [tilespmem:v1+s17+$0x0], $0xffff  }
0x35: {  	v3 =	vld.idx.msk [tilespmem:v0+s17+$0x0], $0xffff;
	_ =	sdelay $0x4  }
0x36: {  	v2 =	vsub.f32 v2, v3;
	_ =	sdelay $0x1  }
0x37: {  	[tilespmem:s28+$0x16380] =	vst v2  }
0x38: {  	v1 =	vld.idx.msk [tilespmem:v1+s18+$0x0], $0xffff  }
0x39: {  	s30 =	simm.s32 $0x10;
	v2 =	vld.idx.msk [tilespmem:v0+s18+$0x0], $0xffff  }
0x3a: {  	s29 =	simm.s32 $0x80;
	v0 =	vld [tilespmem:s30+$0x9E00]  }
.LBB2_2:
0x3b: {  	_ =	sdelay $0x2  }
0x3c: {  	p0 =	sne.s32 s29, $0x9C00;
	s31 =	smov.u32 s29;
	s29 =	sadd.s32 $0x40, s29  }
0x3d: {  	v1 =	vsub.f32 v1, v2;
	_ =	sdelay $0x1  }
0x3e: {  	v2 =	vld [tilespmem:s30+$0xC580];
	[tilespmem:s28+$0x18B00] =	vst v1;
	s28 =	smov.u32 s30  }
0x3f: {  	v1 =	vld.idx.msk [tilespmem:v0+s2+$0x0], $0xffff;
	_ =	sdelay $0x5  }
0x40: {  	[tilespmem:s28+$0xED00] =	vst v1  }
0x41: {  	v1 =	vld.idx.msk [tilespmem:v2+s2+$0x0], $0xffff;
	_ =	sdelay $0x5  }
0x42: {  	[tilespmem:s28+$0x11480] =	vst v1  }
0x43: {  	v1 =	vld.idx.msk [tilespmem:v2+s16+$0x0], $0xffff  }
0x44: {  	v3 =	vld.idx.msk [tilespmem:v0+s16+$0x0], $0xffff;
	_ =	sdelay $0x5  }
0x45: {  	v1 =	vsub.f32 v1, v3;
	_ =	sdelay $0x1  }
0x46: {  	[tilespmem:s28+$0x13C00] =	vst v1  }
0x47: {  	v1 =	vld.idx.msk [tilespmem:v2+s17+$0x0], $0xffff  }
0x48: {  	v3 =	vld.idx.msk [tilespmem:v0+s17+$0x0], $0xffff;
	_ =	sdelay $0x5  }
0x49: {  	v1 =	vsub.f32 v1, v3  }
.Ltmp0:
0x4a: {  	(pc) =	sbr.rel @p0 .LBB2_2-.Ltmp0, $4  }
0x4b: {  	[tilespmem:s28+$0x16380] =	vst v1  }
0x4c: {  	v1 =	vld.idx.msk [tilespmem:v2+s18+$0x0], $0xffff  }
0x4d: {  	s30 =	sshra.s32 s31, $0x2;
	v2 =	vld.idx.msk [tilespmem:v0+s18+$0x0], $0xffff  }
0x4e: {  	v0 =	vld [tilespmem:s30+$0x9E00]  }
0x4f: {  	_ =	sdelay $0x4  }
0x50: {  	v1 =	vsub.f32 v1, v2  }
0x51: {  	v61 =	vld [tilespmem:s30+$0xC580]  }
0x52: {  	[tilespmem:s28+$0x18B00] =	vst v1  }
0x53: {  	v1 =	vld.idx.msk [tilespmem:v0+s2+$0x0], $0xffff;
	_ =	sdelay $0x4  }
0x54: {  	[tilespmem:s30+$0xED00] =	vst v1  }
0x55: {  	v1 =	vld.idx.msk [tilespmem:v61+s2+$0x0], $0xffff;
	_ =	sdelay $0x4  }
0x56: {  	[tilespmem:s30+$0x11480] =	vst v1  }
0x57: {  	v1 =	vld.idx.msk [tilespmem:v61+s16+$0x0], $0xffff  }
0x58: {  	v3 =	vld.idx.msk [tilespmem:v0+s16+$0x0], $0xffff;
	_ =	sdelay $0x4  }
0x59: {  	v1 =	vsub.f32 v1, v3;
	_ =	sdelay $0x1  }
0x5a: {  	[tilespmem:s30+$0x13C00] =	vst v1  }
0x5b: {  	v1 =	vld.idx.msk [tilespmem:v61+s17+$0x0], $0xffff  }
0x5c: {  	v62 =	vld.idx.msk [tilespmem:v0+s17+$0x0], $0xffff;
	_ =	sdelay $0x4  }
0x5d: {  	v1 =	vsub.f32 v1, v62;
	_ =	sdelay $0x1  }
0x5e: {  	[tilespmem:s30+$0x16380] =	vst v1  }
0x5f: {  	v1 =	vld.idx.msk [tilespmem:v61+s18+$0x0], $0xffff  }
0x60: {  	v63 =	vld.idx.msk [tilespmem:v0+s18+$0x0], $0xffff;
	_ =	sdelay $0x4  }
0x61: {  	v0 =	vsub.f32 v1, v63;
	_ =	sdelay $0x1  }
0x62: {  	[tilespmem:s30+$0x18B00] =	vst v0  }
0x63: {  	[hbm4b:s9+s2] =	stream.linear.scatter [tilespmem:s21], [sflag:$0x1], $0x2710, $0x38;
	[tilespmem:$0x1B280] =	vst v63  }
0x64: {  	_ =	swait.ge [sflag:s15], $0x2710  }
0x65: {  	[sflag:s15] =	ssyncset.done $0x0  }
0x66: {  	[sflag:s15] =	ssyncadd.s32 $0xFFFFD8F0  }
0x67: {  	[hbm4b:s10+s2] =	stream.linear.scatter [tilespmem:s22], [sflag:$0x1], $0x2710, $0x38;
	[tilespmem:$0x1B280] =	vst v63  }
0x68: {  	_ =	swait.ge [sflag:s15], $0x2710  }
0x69: {  	[sflag:s15] =	ssyncset.done $0x0  }
0x6a: {  	[sflag:s15] =	ssyncadd.s32 $0xFFFFD8F0  }
0x6b: {  	[hbm4b:s11+s2] =	stream.linear.scatter [tilespmem:s23], [sflag:$0x1], $0x2710, $0x38;
	[tilespmem:$0x1B280] =	vst v63  }
0x6c: {  	_ =	swait.ge [sflag:s15], $0x2710  }
0x6d: {  	[sflag:s15] =	ssyncset.done $0x0  }
0x6e: {  	[sflag:s15] =	ssyncadd.s32 $0xFFFFD8F0  }
0x6f: {  	[hbm4b:s12+s2] =	stream.linear.scatter [tilespmem:s24], [sflag:$0x1], $0x2710, $0x38;
	[tilespmem:$0x1B280] =	vst v63  }
0x70: {  	s26 =	sadd.s32 $0x1, s26;
	_ =	swait.ge [sflag:s15], $0x2710  }
0x71: {  	p0 =	sne.s32 s26, s14;
	[sflag:s15] =	ssyncset.done $0x0  }
.Ltmp1:
0x72: {  	[sflag:s15] =	ssyncadd.s32 $0xFFFFD8F0;
	(pc) =	sbr.rel @p0 .LBB2_1-.Ltmp1, $4  }
0x73: {  	[hbm4b:s13+s2] =	stream.linear.scatter [tilespmem:s25], [sflag:$0x1], $0x2710, $0x38;
	[tilespmem:$0x1B280] =	vst v63  }
0x74: {  	_ =	swait.ge [sflag:s15], $0x2710  }
0x75: {  	[sflag:s15] =	ssyncset.done $0x0  }
0x76: {  	[sflag:s15] =	ssyncadd.s32 $0xFFFFD8F0  }
0x77: {  	_ =	sfence.sel $0x180000  }
0x78: {  	[bflag:$0x0] =	sbarrier.arrive $0xFFFF  }
0x79: {  	p0 =	sne.s32 s1, $0x0;
	_ =	strace $0x90000047  }
0x7a: {  	s0 =	sadd.s32 @!p0 $0x100000, s0;
	[bflag:$0x2] =	sbarrier.arrive $0xFFFF  }
0x7b: {  	[sflag:s0] =	ssyncadd.tile.s32 @!p0 $0x1;
	_ =	shalt  }
.Lfunc_end2:
_tile_overlayer_lowered:
.L_overlay_start_2:
0x7c: {  	(tag) =	ssettag $0x2  }
0x7d: {  	s0 =	rddreg [dreg:$0x0];
	s2 =	stileid.u32  }
0x7e: {  	s1 =	rddreg [dreg:$0x1];
	p0 =	sne.s32 s2, $0x0  }
0x7f: {  	s3 =	rddreg [dreg:$0x2];
	[bflag:$0x3] =	sbarrier.arrive $0xFFFF;
	s2 =	simm.s32 @!p0 $0x1C01  }
0x80: {  	[timem:s3], [sflag:s2] =	dma.local @!p0 [hbm:s0], s1  }
0x81: {  	s0 =	simm.s32 @!p0 $0x1  }
0x82: {  	_ =	swait.ge @!p0 [sflag:s0], s1  }
0x83: {  	s1 =	ssub.s32 @!p0 $0x0, s1;
	[sflag:s0] =	ssyncset.done @!p0 $0x0  }
0x84: {  	[sflag:s0] =	ssyncadd.s32 @!p0 s1  }
0x85: {  	[bflag:$0x3] =	sbarrier.arrive $0xFFFF  }
0x86: {  	_ =	shalt  }

// kernel: kernel.9.cloned.1.call-start
scs
__scs_entry_jumppad:
0x0: {  	(pc) =	sbr.rel $0x88, $3  }
0x1: {  	(tag) =	ssettag $0x0;
	lr =	simm.s32 $0x1  }
0x2: {  	[smem:$0x3F8D] =	sst lr;
	_ =	strace $0xD0000000  }
0x3: {  	_ = 	snop  }
0x4: {  	_ = 	snop  }
0x5: {  	_ = 	snop  }
0x6: {  	_ = 	snop  }
0x7: {  	_ = 	snop  }
__scs_overlays_trampoline_lowered:
0x8: {  	[smem:$0x3F9C] =	sst s0  }
0x9: {  	[smem:$0x3F9D] =	sst s1  }
0xa: {  	[smem:$0x3F9E] =	sst s2  }
0xb: {  	[smem:$0x3F9F] =	sst s3  }
0xc: {  	[smem:$0x3FA0] =	sst s4  }
0xd: {  	[smem:$0x3FA1] =	sst s5  }
0xe: {  	[smem:$0x3FA2] =	sst s6  }
0xf: {  	[smem:$0x3FA3] =	sst s7  }
0x10: {  	[smem:$0x3FA4] =	sst s8  }
0x11: {  	[smem:$0x3FA5] =	sst s9;
	s0 =	simm.s32 @!p0 $0x0  }
0x12: {  	s1 =	sld [smem:$0x3F8B];
	s0 =	simm.s32 @p0 $0x1  }
0x13: {  	[smem:$0x3FA6] =	sst s0;
	s0 =	simm.s32 @!p1 $0x0  }
0x14: {  	s2 =	sld [smem:$0x3F8A];
	s0 =	simm.s32 @p1 $0x1  }
0x15: {  	[smem:$0x3FA7] =	sst s0;
	s0 =	simm.s32 @!p2 $0x0  }
0x16: {  	s3 =	sld [smem:$0x3FDB];
	s0 =	simm.s32 @p2 $0x1  }
0x17: {  	s4 =	simm.s32 $0x1BF5;
	[smem:$0x3FA9] =	sst s0  }
0x18: {  	s0 =	sld [smem:$0x3F8C];
	_ =	swait.ge [sflag:s4], $0x0  }
0x19: {  	s7 =	sld [smem:$0x3F8D]  }
0x1a: {  	s8 =	sadd.s32 $0xFFFFE003, lr  }
0x1b: {  	s9 =	sadd.s32 $0xFFFFFEF7, lr;
	s5 =	simm.s32 $0xFFFFFFFF;
	p2 =	slt.u32 s8, $0xFFFFF086  }
0x1c: {  	p1 =	slt.u32 s9, $0xF7A;
	s5 =	simm.s32 @!p2 $0x0  }
0x1d: {  	s5 =	simm.s32 @p1 $0x1;
	p0 =	seq.s32 s7, s2  }
0x1e: {  	s7 =	smul.u32 @!p0 $0xF7A, s2;
	p2 =	seq.s32 @!p0 s5, $0x0  }
0x1f: {  	s9 =	smul.u32 $0xF7A, s1;
	s8 =	simm.s32 @!p0 $0x1BF5;
	p2 =	por !p2, p0  }
0x20: {  	[sflag:s8] =	ssyncset.s32 @!p0 $0xFFFFF086;
	s6 =	sadd.s32 @!p0 s3, s7;
	s7 =	simm.s32 @!p0 $0x108  }
0x21: {  	s3 =	sadd.s32 s3, s9;
	s6 =	sadd.s32 @!p0 $0x88, s6;
	s7 =	simm.s32 @p2 $0x1082  }
0x22: {  	[simem:s7], [sflag:s8] =	dma.local @!p0 [hbm:s6], $0xF7A  }
0x23: {  	s9 =	sor.u32 $0xD0000000, s2;
	s6 =	simm.s32 $0x108;
	_ =	swait.ge @!p0 [sflag:s8], $0x0  }
0x24: {  	s3 =	sadd.s32 $0x88, s3;
	s6 =	simm.s32 @!p1 $0x1082;
	[sflag:s4] =	ssyncset.s32 $0xFFFFF086  }
0x25: {  	[simem:s6], [sflag:s4] =	dma.local [hbm:s3], $0xF7A  }
0x26: {  	[smem:$0x3F8D] =	sst s1;
	(tag) =	ssettag s2;
	_ =	strace s9  }
0x27: {  	s1 =	sld [smem:$0x3F9D]  }
0x28: {  	s2 =	sld [smem:$0x3F9E]  }
0x29: {  	s4 =	sld [smem:$0x3FA0]  }
0x2a: {  	p0 =	seq.s32 s5, $0x0;
	s5 =	sld [smem:$0x3FA1]  }
0x2b: {  	s6 =	sld [smem:$0x3FA2]  }
0x2c: {  	s7 =	sld [smem:$0x3FA3]  }
0x2d: {  	s3 =	simm.s32 $0x108;
	s8 =	sld [smem:$0x3FA4]  }
0x2e: {  	s3 =	simm.s32 @!p0 $0x1082;
	s9 =	sld [smem:$0x3FA5]  }
0x2f: {  	lr =	sadd.s32 s0, s3;
	s0 =	sld [smem:$0x3F9C]  }
0x30: {  	s3 =	sld [smem:$0x3F9F]  }
0x31: {  	[smem:$0x3FA8] =	sst s10  }
0x32: {  	s10 =	sld [smem:$0x3FA6];
	_ =	sdelay $0x3  }
0x33: {  	p0 =	seq.s32 s10, $0x1;
	s10 =	sld [smem:$0x3FA8];
	_ =	sdelay $0x3  }
0x34: {  	[smem:$0x3FA8] =	sst s10  }
0x35: {  	s10 =	sld [smem:$0x3FA7];
	_ =	sdelay $0x3  }
0x36: {  	p1 =	seq.s32 s10, $0x1;
	s10 =	sld [smem:$0x3FA8];
	_ =	sdelay $0x3  }
0x37: {  	[smem:$0x3FA8] =	sst s10  }
0x38: {  	s10 =	sld [smem:$0x3FA9]  }
0x39: {  	_ = 	snop;
	(pc) =	sbr.ind lr, $3  }
0x3a: {  	_ = 	snop  }
0x3b: {  	_ = 	snop  }
0x3c: {  	p2 =	seq.s32 s10, $0x1;
	s10 =	sld [smem:$0x3FA8]  }
0x3d: {  	_ =	shalt  }
0x3e: {  	_ =	shalt  }
0x3f: {  	_ =	shalt  }
0x40: {  	_ =	shalt  }
0x41: {  	_ =	shalt  }
0x42: {  	_ =	shalt  }
0x43: {  	_ =	shalt  }
0x44: {  	_ =	shalt  }
0x45: {  	_ =	shalt  }
0x46: {  	_ =	shalt  }
0x47: {  	_ =	shalt  }
0x48: {  	_ =	shalt  }
0x49: {  	_ =	shalt  }
0x4a: {  	_ =	shalt  }
0x4b: {  	_ =	shalt  }
0x4c: {  	_ =	shalt  }
0x4d: {  	_ =	shalt  }
0x4e: {  	_ =	shalt  }
0x4f: {  	_ =	shalt  }
0x50: {  	_ =	shalt  }
0x51: {  	_ =	shalt  }
0x52: {  	_ =	shalt  }
0x53: {  	_ =	shalt  }
0x54: {  	_ =	shalt  }
0x55: {  	_ =	shalt  }
0x56: {  	_ =	shalt  }
0x57: {  	_ =	shalt  }
0x58: {  	_ =	shalt  }
0x59: {  	_ =	shalt  }
0x5a: {  	_ =	shalt  }
0x5b: {  	_ =	shalt  }
0x5c: {  	_ =	shalt  }
0x5d: {  	_ =	shalt  }
0x5e: {  	_ =	shalt  }
0x5f: {  	_ =	shalt  }
0x60: {  	_ =	shalt  }
0x61: {  	_ =	shalt  }
0x62: {  	_ =	shalt  }
0x63: {  	_ =	shalt  }
0x64: {  	_ =	shalt  }
0x65: {  	_ =	shalt  }
0x66: {  	_ =	shalt  }
0x67: {  	_ =	shalt  }
0x68: {  	_ =	shalt  }
0x69: {  	_ =	shalt  }
0x6a: {  	_ =	shalt  }
0x6b: {  	_ =	shalt  }
0x6c: {  	_ =	shalt  }
0x6d: {  	_ =	shalt  }
0x6e: {  	_ =	shalt  }
0x6f: {  	_ =	shalt  }
0x70: {  	_ =	shalt  }
0x71: {  	_ =	shalt  }
0x72: {  	_ =	shalt  }
0x73: {  	_ =	shalt  }
0x74: {  	_ =	shalt  }
0x75: {  	_ =	shalt  }
0x76: {  	_ =	shalt  }
0x77: {  	_ =	shalt  }
0x78: {  	_ =	shalt  }
0x79: {  	_ =	shalt  }
0x7a: {  	_ =	shalt  }
0x7b: {  	_ =	shalt  }
0x7c: {  	_ =	shalt  }
0x7d: {  	_ =	shalt  }
0x7e: {  	_ =	shalt  }
0x7f: {  	_ =	shalt  }
0x80: {  	_ =	shalt  }
0x81: {  	_ =	shalt  }
0x82: {  	_ =	shalt  }
0x83: {  	_ =	shalt  }
0x84: {  	_ =	shalt  }
0x85: {  	_ =	shalt  }
0x86: {  	_ =	shalt  }
0x87: {  	_ =	shalt  }
.Lfunc_end0:
.L_simem_size_0:
called_computation.1_lowered:
.L_overlay_start_0:
0x88: {  	s2 =	sld [smem:$0x3FD9]  }
0x89: {  	s3 =	sld [smem:$0x3FFE];
	_ =	sdelay $0x1  }
0x8a: {  	s1 =	srdreg.scid  }
0x8b: {  	s0 =	sand.u32 $0x1, s1  }
0x8c: {  	s14 =	sshll.u32 s0, $0xA;
	s2 =	sadd.s32 s3, s2  }
0x8d: {  	s2 =	sadd.s32 s2, s14  }
0x8e: {  	[smem:$0x3FB4] =	sst s2  }
0x8f: {  	_ = 	snop  }
0x90: {  	s2 =	sld [smem:$0x3FD0];
	_ =	sdelay $0x2  }
0x91: {  	s15 =	simm.s32 $0xA;
	s4 =	simm.s32 $0x10  }
0x92: {  	[smem:s4], [sflag:s15] =	dma.local [hbm:s2], $0x1  }
0x93: {  	_ =	swait.eq [sflag:s15], $0x1  }
0x94: {  	[sflag:s15] =	ssyncset.done $0x0  }
0x95: {  	[sflag:s15] =	ssyncadd.s32 $0xFFFFFFFF  }
0x96: {  	s16 =	sld [smem:$0x11];
	(tm) =	ssettm $0x1  }
0x97: {  	s17 =	sld [smem:$0x3FFB];
	_ =	sdelay $0x3  }
0x98: {  	_ =	strace s17  }
0x99: {  	s3 =	sld [smem:$0x3FFC];
	_ =	sdelay $0x3  }
0x9a: {  	_ =	strace s3  }
0x9b: {  	s3 =	sld [smem:$0x3FFD];
	_ =	sdelay $0x3  }
0x9c: {  	_ =	strace s3  }
0x9d: {  	_ =	strace $0x8FFFFFFF  }
0x9e: {  	s18 =	sld [smem:$0x3FDB];
	_ =	sdelay $0x1  }
0x9f: {  	s19 =	simm.s32 $_scs_section_size  }
0xa0: {  	s5 =	simm.s32 $_size__tile_overlayer_lowered;
	s6 =	simm.s32 $_tile_overlayer_lowered  }
0xa1: {  	s22 =	simm.s32 $0x1BFF;
	s21 =	sshll.u32 s6, $0x1;
	s3 =	sadd.s32 s19, s18  }
0xa2: {  	s7 =	simm.s32 $0x0;
	s20 =	sshll.u32 s5, $0x1;
	s5 =	sadd.s32 s21, s3  }
0xa3: {  	[timem:s7], [sflag:s22] =	dma.local [hbm:s5], s20  }
0xa4: {  	_ =	swait.ge [sflag:s22], s20  }
0xa5: {  	s4 =	ssub.s32 $0x0, s20;
	[sflag:s22] =	ssyncset.done $0x0  }
0xa6: {  	[sflag:s22] =	ssyncadd.s32 s4;
	_ =	sdelay $0x1  }
0xa7: {  	s23 =	simm.s32 $0x1B8B  }
0xa8: {  	_ =	swait.ge [sflag:s23], $0x1  }
0xa9: {  	[sflag:s23] =	ssyncset.done $0x0  }
0xaa: {  	s25 =	simm.s32 $0x1B8E;
	s24 =	sld [smem:$0x3FFE];
	[sflag:s23] =	ssyncadd.s32 $0xFFFFFFFF  }
0xab: {  	s26 =	simm.s32 $execute0_lowered;
	[smem:$0x3FD2] =	sst s25  }
0xac: {  	s5 =	sshll.u32 s26, $0x1;
	_ =	strace $0x80000049;
	[dreg:$0x1] =	wrdreg $0xFFFFFFFF  }
0xad: {  	s28 =	simm.s32 $_size_execute0_lowered;
	s3 =	sadd.s32 s3, s5;
	[dreg:$0x0] =	wrdreg $0x0  }
0xae: {  	s5 =	sshll.u32 s28, $0x1;
	[dreg:$0x2] =	wrdreg s3  }
0xaf: {  	[dreg:$0x3] =	wrdreg s5  }
0xb0: {  	[dreg:$0x4] =	wrdreg $0xC0  }
0xb1: {  	_ =	task [dreg:s7], $0x5FFFF  }
0xb2: {  	[dreg:$0x1] =	wrdreg $0xFFFFFFFF  }
0xb3: {  	[dreg:$0x0] =	wrdreg $0x60  }
0xb4: {  	[dreg:$0x2] =	wrdreg s24  }
0xb5: {  	[dreg:$0x3] =	wrdreg s16  }
0xb6: {  	[dreg:$0x4] =	wrdreg $0x0  }
0xb7: {  	[dreg:$0x5] =	wrdreg $0x9  }
0xb8: {  	_ =	task.clear_ibuf [dreg:s7], $0x6FFFF;
	_ =	strace $0x90000049  }
0xb9: {  	s29 =	simm.s32 $0x9;
	_ =	strace $0x8000004B  }
0xba: {  	_ =	swait.ge [sflag:s29], $0x1  }
0xbb: {  	[sflag:s29] =	ssyncadd.s32 $0xFFFFFFFF  }
0xbc: {  	_ =	strace $0x9000004B  }
0xbd: {  	_ =	sfence  }
0xbe: {  	s30 =	sld [smem:$0x0];
	_ =	sdelay $0x2  }
0xbf: {  	s31 =	sshll.u32 s1, $0xD;
	s1 =	sshrl.u32 s1, $0x2  }
0xc0: {  	s3 =	sand.u32 $0x4000, s31;
	s1 =	sadd.s32 s1, s30  }
0xc1: {  	s0 =	sor.u32 s3, s0;
	s1 =	sshll.u32 s1, $0x11  }
0xc2: {  	s0 =	sor.u32 s1, s0  }
0xc3: {  	s0 =	sadd.s32 $0x8F2B, s0  }
0xc4: {  	[sflag:s0] =	ssyncadd.remote.s32 $0x1  }
0xc5: {  	_ =	sfence.sel $0xFFFF  }
0xc6: {  	[dreg:$0x0] =	wrdreg $0xFFFFFFFF;
	(pc) =	sbr.abs _section_cstart, $3  }
0xc7: {  	[dreg:$0x1] =	wrdreg $0xFFFFFFFF  }
0xc8: {  	_ =	task.clear_ibuf [dreg:s7], $0x2FFFF;
	_ =	strace $0x9FFFFFFF  }
0xc9: {  	(tm) =	ssettm $0x7FFFFFFF  }
tec
execute0_lowered:
.L_overlay_start_1:
0x0: {  	(tag) =	ssettag $0x1  }
0x1: {  	s3 =	rddreg [dreg:$0x0]  }
0x2: {  	s0 =	rddreg [dreg:$0x1]  }
0x3: {  	s1 =	rddreg [dreg:$0x2];
	s2 =	simm.s32 $0x0  }
0x4: {  	s4 =	srdreg.scid;
	[smem:$0x7FF] =	sst s2;
	s5 =	sadd.s32 $0x5400, s3  }
0x5: {  	s20 =	stileid.u32;
	s6 =	sadd.s32 $0x519200, s3;
	s7 =	sadd.s32 $0x9FB200, s3  }
0x6: {  	s4 =	sand.u32 $0x1, s4;
	s10 =	sadd.s32 $0xEDD200, s3;
	s11 =	smul.u32 $0x9C, s20  }
0x7: {  	s12 =	sadd.s32 $0x13BF200, s3;
	s13 =	smin.u32 s20, $0x4;
	s8 =	ssub.s32 $0x2, s4  }
0x8: {  	p0 =	slt.u32 s20, $0x4;
	s18 =	sshll.u32 s13, $0x7;
	s9 =	sshrl.u32 s8, $0x1  }
0x9: {  	s26 =	sadd.s32 s13, s11;
	s11 =	simm.s32 $0x9D;
	s13 =	sshll.u32 s13, $0xB  }
0xa: {  	s8 =	ssub.s32 s8, s9;
	s11 =	simm.s32 @!p0 $0x9C;
	p0 =	seq.s32 s4, $0x1  }
0xb: {  	s29 =	sshll.u32 s26, $0x4;
	s14 =	sshll.u32 s26, $0xB;
	s9 =	sshll.u32 s26, $0x7  }
0xc: {  	s26 =	smul.u32 $0x4F000, s20;
	s4 =	sadd.s32 s5, s29;
	s16 =	sadd.s32 s6, s14  }
0xd: {  	s15 =	sand.u32 $0x1, s11;
	s30 =	sadd.s32 s7, s14;
	[dreg:$0x4] =	wrdreg s16  }
0xe: {  	s31 =	sadd.s32 s10, s14;
	s14 =	sadd.s32 s12, s14;
	[dreg:$0x5] =	wrdreg s30  }
0xf: {  	s9 =	sadd.s32 $0x80, s9;
	p1 =	seq.s32 s15, $0x1;
	[dreg:$0x6] =	wrdreg s31  }
0x10: {  	s16 =	smul.u32 $0x4E00, s20;
	[dreg:$0x7] =	wrdreg s14;
	s17 =	sshll.u32 s9, $0x4  }
0x11: {  	s19 =	sshrl.u32 s9, $0x3;
	s29 =	sshrl.u32 s26, $0x2;
	s21 =	sadd.s32 s6, s17  }
0x12: {  	s30 =	sadd.s32 $0x18C8A00, s3;
	s23 =	sadd.s32 s7, s17;
	[dreg:$0x8] =	wrdreg s21  }
0x13: {  	s26 =	sadd.s32 $0xFFFFFFFE, s11;
	s24 =	sadd.s32 s10, s17;
	[dreg:$0x9] =	wrdreg s23  }
0x14: {  	s9 =	sadd.s32 s5, s19;
	s25 =	sadd.s32 s12, s17;
	[dreg:$0xa] =	wrdreg s24  }
0x15: {  	s14 =	sadd.s32 s18, s16;
	s18 =	smul.u32 $0x4E000, s20;
	[dreg:$0xb] =	wrdreg s25  }
0x16: {  	s21 =	smax.u32 s8, $0x1;
	s24 =	simm.s32 $0x3;
	s25 =	sadd.s32 $0xFFFFFFFF, s11  }
0x17: {  	s8 =	simm.s32 $0x1;
	s11 =	simm.s32 $0x17D00;
	s22 =	sadd.s32 $0x100, s14  }
0x18: {  	s14 =	sadd.s32 $0x180, s14;
	_ =	strace $0x8000004A;
	[dreg:$0xc] =	wrdreg s30  }
0x19: {  	[dreg:$0x11] =	wrdreg s21;
	s24 =	simm.s32 @!p1 $0x4;
	s15 =	sshrl.u32 s22, $0x3  }
0x1a: {  	s14 =	sshrl.u32 s14, $0x3;
	s6 =	sadd.s32 s18, s6;
	s7 =	sadd.s32 s18, s7  }
0x1b: {  	s10 =	sadd.s32 s18, s10;
	s12 =	sadd.s32 s18, s12;
	s16 =	sadd.s32 s15, s5  }
0x1c: {  	s5 =	sadd.s32 s14, s5;
	s15 =	smul.u32 $0x2780, s20;
	s6 =	sadd.s32 s13, s6  }
0x1d: {  	s7 =	sadd.s32 s13, s7;
	s10 =	sadd.s32 s13, s10;
	s12 =	sadd.s32 s13, s12  }
0x1e: {  	s13 =	sadd.s32 s29, s1;
	s20 =	sshll.u32 s20, $0x6;
	s14 =	simm.s32 $0x2  }
0x1f: {  	[dreg:$0xe] =	wrdreg s13;
	s23 =	sor.u32 $0x1C05, s20;
	s22 =	sadd.s32 $0x1000, s6  }
0x20: {  	s28 =	sadd.s32 $0xFFFFFFF0, s5;
	s29 =	sadd.s32 $0x1000, s7;
	s30 =	sadd.s32 $0x1000, s10  }
0x21: {  	s5 =	simm.s32 $0x5;
	s6 =	simm.s32 $0x13C00;
	[dreg:$0x12] =	wrdreg s22  }
0x22: {  	s7 =	simm.s32 $0x13D00;
	s31 =	sadd.s32 s15, s3;
	[dreg:$0x13] =	wrdreg s29  }
.Ltmp0:
0x23: {  	s3 =	sadd.s32 $0x1917A00, s3;
	[dreg:$0x14] =	wrdreg s30;
	(pc) =	sbr.rel .LBB2_1-.Ltmp0, $4  }
0x24: {  	s10 =	simm.s32 $0x13C80;
	[dreg:$0xd] =	wrdreg s3;
	s17 =	sadd.s32 $0x18A1200, s31  }
0x25: {  	s13 =	simm.s32 $0x80;
	s18 =	sadd.s32 $0x18F0200, s31;
	[dreg:$0xf] =	wrdreg s17  }
0x26: {  	s20 =	simm.s32 $0x0;
	s31 =	sadd.s32 $0x1000, s12;
	[dreg:$0x10] =	wrdreg s18  }
0x27: {  	s19 =	sadd.s32 s0, s15;
	s3 =	simm.s32 $0x3;
	[dreg:$0x15] =	wrdreg s31  }
.LBB2_18:
0x28: {  	_ =	swait.ge [sflag:s24], $0x4000  }
0x29: {  	[sflag:s24] =	ssyncset.done $0x0  }
0x2a: {  	[sflag:s24] =	ssyncadd.s32 $0xFFFFC000  }
0x2b: {  	s0 =	sadd.s32 s12, s15;
	[bflag:$0x0] =	sbarrier.arrive $0xFFFF  }
0x2c: {  	[hbm:s0], [sflag:s23] =	dma.local [spmem:s21], $0x2780  }
0x2d: {  	_ =	swait.ge [sflag:s5], $0x2780  }
0x2e: {  	s20 =	sadd.s32 $0x1, s20;
	s31 =	rddreg [dreg:$0x11]  }
0x2f: {  	p1 =	sne.s32 s20, s31  }
.Ltmp1:
0x30: {  	_ = 	snop;
	(pc) =	sbr.rel @!p1 .LBB2_19-.Ltmp1, $3  }
0x31: {  	_ =	sdelay $0x1  }
0x32: {  	[sflag:s5] =	ssyncset.done $0x0  }
0x33: {  	[sflag:s5] =	ssyncadd.s32 $0xFFFFD880  }
.LBB2_1:
0x34: {  	s0 =	rddreg [dreg:$0xe]  }
0x35: {  	s21 =	sshrl.u32 s0, $0x3  }
0x36: {  	[spmem:s21], [sflag:s23] =	dma.local [hbm:s19], $0x2780  }
.Ltmp2:
0x37: {  	_ =	swait.ge [sflag:s5], $0x2780;
	(pc) =	sbr.rel @!p0 .LBB2_2-.Ltmp2, $4  }
0x38: {  	[sflag:s5] =	ssyncset.done $0x0  }
0x39: {  	[sflag:s5] =	ssyncadd.s32 $0xFFFFD880  }
0x3a: {  	s0 =	simm.s32 $0x0;
	[bflag:$0x0] =	sbarrier.arrive $0xFFFF  }
0x3b: {  	[tilespmem:s6], [sflag:$0x1] =	stream.linear.gather [hbm4b:s4+s2], $0x80, $0x38;
	[tilespmem:$0x1BD00] =	vst v63  }
0x3c: {  	s12 =	rddreg [dreg:$0x6]  }
0x3d: {  	[tilespmem:s7], [sflag:$0x1] =	stream.linear.gather [hbm4b:s12+s0], $0x4000, $0x38;
	[tilespmem:$0x1BD00] =	vst v63  }
0x3e: {  	_ =	swait.ge [sflag:s8], $0x80  }
0x3f: {  	[sflag:s8] =	ssyncset.done $0x0  }
0x40: {  	[sflag:s8] =	ssyncadd.s32 $0xFFFFFF80  }
0x41: {  	_ =	swait.ge [sflag:s8], $0x4000  }
0x42: {  	[sflag:s8] =	ssyncset.done $0x0  }
0x43: {  	[sflag:s8] =	ssyncadd.s32 $0xFFFFC000  }
0x44: {  	[tilespmem:s10], [sflag:$0x2] =	stream.linear.gather [hbm4b:s9+s0], $0x80, $0x38;
	[tilespmem:$0x1BD00] =	vst v63  }
0x45: {  	s31 =	rddreg [dreg:$0xa]  }
0x46: {  	[tilespmem:s11], [sflag:$0x2] =	stream.linear.gather [hbm4b:s31+s0], $0x4000, $0x38;
	[tilespmem:$0x1BD00] =	vst v63  }
0x47: {  	s29 =	smov.u32 s28;
	s12 =	smov.u32 s16;
	s30 =	rddreg [dreg:$0x14]  }
0x48: {  	[spmem:s1] =	stream.indirect.scatter.add.f32 [tilespmem:s7], [sflag:$0x3], $0x80, s6, s13, $0xb8;
	[tilespmem:$0x1BD00] =	vst v63  }
.LBB2_11:
0x49: {  	s0 =	sadd.s32 $0x1, s0  }
0x4a: {  	s31 =	sand.u32 $0x1, s0  }
0x4b: {  	p1 =	seq.s32 s31, $0x1  }
0x4c: {  	s17 =	simm.s32 @!p1 $0x1  }
0x4d: {  	_ =	swait.ge @!p1 [sflag:s17], $0x80  }
0x4e: {  	[sflag:s17] =	ssyncset.done @!p1 $0x0  }
0x4f: {  	[sflag:s17] =	ssyncadd.s32 @!p1 $0xFFFFFF80  }
0x50: {  	_ =	swait.ge @!p1 [sflag:s17], $0x4000  }
0x51: {  	[sflag:s17] =	ssyncset.done @!p1 $0x0  }
0x52: {  	[sflag:s17] =	ssyncadd.s32 @!p1 $0xFFFFC000;
	s17 =	simm.s32 @!p1 $0x4  }
0x53: {  	_ =	swait.ge @!p1 [sflag:s17], $0x4000  }
0x54: {  	[sflag:s17] =	ssyncset.done @!p1 $0x0  }
0x55: {  	s18 =	simm.s32 @!p1 $0x13C80;
	[sflag:s17] =	ssyncadd.s32 @!p1 $0xFFFFC000;
	s17 =	simm.s32 @!p1 $0x0  }
0x56: {  	[tilespmem:s18], [sflag:$0x2] =	stream.linear.gather @!p1 [hbm4b:s12+s17], $0x80, $0x38;
	[tilespmem:$0x1BD00] =	vst v63  }
0x57: {  	s22 =	simm.s32 @!p1 $0x13D00;
	s18 =	simm.s32 @!p1 $0x17D00  }
0x58: {  	[tilespmem:s18], [sflag:$0x2] =	stream.linear.gather @!p1 [hbm4b:s30+s17], $0x4000, $0x38;
	[tilespmem:$0x1BD00] =	vst v63  }
0x59: {  	p2 =	seq.s32 @!p1 s31, $0x0;
	s17 =	simm.s32 @!p1 $0x80;
	s18 =	simm.s32 @!p1 $0x13C00  }
0x5a: {  	[spmem:s1] =	stream.indirect.scatter.add.f32 @!p1 [tilespmem:s22], [sflag:$0x3], $0x80, s18, s17, $0xb8;
	[tilespmem:$0x1BD00] =	vst v63  }
0x5b: {  	p1 =	por p1, !p2  }
0x5c: {  	_ =	swait.ge @p1 [sflag:s14], $0x80  }
0x5d: {  	[sflag:s14] =	ssyncset.done @p1 $0x0  }
0x5e: {  	[sflag:s14] =	ssyncadd.s32 @p1 $0xFFFFFF80  }
0x5f: {  	_ =	swait.ge @p1 [sflag:s14], $0x4000  }
0x60: {  	[sflag:s14] =	ssyncset.done @p1 $0x0  }
0x61: {  	[sflag:s14] =	ssyncadd.s32 @p1 $0xFFFFC000  }
0x62: {  	_ =	swait.ge @p1 [sflag:s3], $0x4000  }
0x63: {  	[sflag:s3] =	ssyncset.done @p1 $0x0  }
0x64: {  	[sflag:s3] =	ssyncadd.s32 @p1 $0xFFFFC000  }
0x65: {  	[tilespmem:s6], [sflag:$0x1] =	stream.linear.gather @p1 [hbm4b:s12+s2], $0x80, $0x38;
	[tilespmem:$0x1BD00] =	vst v63  }
0x66: {  	_ = 	snop  }
0x67: {  	[tilespmem:s7], [sflag:$0x1] =	stream.linear.gather @p1 [hbm4b:s30+s2], $0x4000, $0x38;
	[tilespmem:$0x1BD00] =	vst v63  }
0x68: {  	_ = 	snop  }
0x69: {  	[spmem:s1] =	stream.indirect.scatter.add.f32 @p1 [tilespmem:s11], [sflag:$0x4], $0x80, s10, s13, $0xb8;
	[tilespmem:$0x1BD00] =	vst v63  }
0x6a: {  	p1 =	sne.s32 s26, s0  }
.Ltmp3:
0x6b: {  	_ = 	snop;
	(pc) =	sbr.rel @p1 .LBB2_11-.Ltmp3, $2  }
0x6c: {  	_ =	sdelay $0x2  }
0x6d: {  	s29 =	sadd.s32 $0x10, s29;
	s12 =	sadd.s32 $0x10, s12;
	s30 =	sadd.s32 $0x800, s30  }
0x6e: {  	s0 =	sadd.s32 $0x1, s0  }
0x6f: {  	s12 =	sand.u32 $0x1, s0  }
0x70: {  	p1 =	seq.s32 s12, $0x1  }
0x71: {  	s12 =	simm.s32 @!p1 $0x1  }
0x72: {  	_ =	swait.ge @!p1 [sflag:s12], $0x80  }
0x73: {  	[sflag:s12] =	ssyncset.done @!p1 $0x0  }
0x74: {  	[sflag:s12] =	ssyncadd.s32 @!p1 $0xFFFFFF80  }
0x75: {  	_ =	swait.ge @!p1 [sflag:s12], $0x4000  }
0x76: {  	[sflag:s12] =	ssyncset.done @!p1 $0x0  }
0x77: {  	[sflag:s12] =	ssyncadd.s32 @!p1 $0xFFFFC000;
	s12 =	simm.s32 @!p1 $0x4  }
0x78: {  	p2 =	sge.u32 @!p1 s0, s25;
	_ =	swait.ge @!p1 [sflag:s12], $0x4000  }
0x79: {  	p2 =	por p2, p1;
	[sflag:s12] =	ssyncset.done @!p1 $0x0  }
0x7a: {  	s17 =	simm.s32 @!p2 $0x13C80;
	[sflag:s12] =	ssyncadd.s32 @!p1 $0xFFFFC000;
	s12 =	simm.s32 @!p2 $0x0  }
0x7b: {  	[tilespmem:s17], [sflag:$0x2] =	stream.linear.gather @!p2 [hbm4b:s29+s12], $0x80, $0x38;
	[tilespmem:$0x1BD00] =	vst v63  }
0x7c: {  	s18 =	simm.s32 @!p1 $0x13D00;
	s17 =	simm.s32 @!p2 $0x17D00  }
0x7d: {  	[tilespmem:s17], [sflag:$0x2] =	stream.linear.gather @!p2 [hbm4b:s30+s12], $0x4000, $0x38;
	[tilespmem:$0x1BD00] =	vst v63  }
0x7e: {  	s12 =	simm.s32 @!p1 $0x80;
	s17 =	simm.s32 @!p1 $0x13C00;
	p2 =	sne.s32 @!p1 s31, $0x0  }
0x7f: {  	[spmem:s1] =	stream.indirect.scatter.add.f32 @!p1 [tilespmem:s18], [sflag:$0x3], $0x80, s17, s12, $0xb8;
	[tilespmem:$0x1BD00] =	vst v63  }
0x80: {  	p1 =	por p1, !p2  }
.Ltmp4:
0x81: {  	_ = 	snop;
	(pc) =	sbr.rel @!p1 .LBB2_14-.Ltmp4, $1  }
0x82: {  	_ =	sdelay $0x3  }
0x83: {  	_ =	swait.ge [sflag:s14], $0x80  }
0x84: {  	[sflag:s14] =	ssyncset.done $0x0  }
0x85: {  	[sflag:s14] =	ssyncadd.s32 $0xFFFFFF80  }
0x86: {  	_ =	swait.ge [sflag:s14], $0x4000  }
0x87: {  	[sflag:s14] =	ssyncset.done $0x0  }
0x88: {  	[sflag:s14] =	ssyncadd.s32 $0xFFFFC000  }
0x89: {  	_ =	swait.ge [sflag:s3], $0x4000  }
0x8a: {  	p1 =	sge.u32 s0, s25;
	[sflag:s3] =	ssyncset.done $0x0  }
0x8b: {  	s0 =	simm.s32 @!p1 $0x0;
	s12 =	simm.s32 @!p1 $0x13C00;
	[sflag:s3] =	ssyncadd.s32 $0xFFFFC000  }
0x8c: {  	[tilespmem:s12], [sflag:$0x1] =	stream.linear.gather @!p1 [hbm4b:s29+s0], $0x80, $0x38;
	[tilespmem:$0x1BD00] =	vst v63  }
0x8d: {  	s12 =	simm.s32 @!p1 $0x13D00  }
0x8e: {  	[tilespmem:s12], [sflag:$0x1] =	stream.linear.gather @!p1 [hbm4b:s30+s0], $0x4000, $0x38;
	[tilespmem:$0x1BD00] =	vst v63  }
0x8f: {  	_ = 	snop  }
0x90: {  	[spmem:s1] =	stream.indirect.scatter.add.f32 [tilespmem:s11], [sflag:$0x4], $0x80, s10, s13, $0xb8;
	[tilespmem:$0x1BD00] =	vst v63  }
.LBB2_14:
0x91: {  	_ =	swait.ge [sflag:s24], $0x4000  }
0x92: {  	[sflag:s24] =	ssyncset.done $0x0  }
0x93: {  	[sflag:s24] =	ssyncadd.s32 $0xFFFFC000  }
0x94: {  	[bflag:$0x0] =	sbarrier.arrive $0xFFFF  }
0x95: {  	s0 =	rddreg [dreg:$0x10]  }
0x96: {  	[hbm:s0], [sflag:s23] =	dma.local [spmem:s21], $0x2780  }
0x97: {  	_ =	swait.ge [sflag:s5], $0x2780  }
0x98: {  	[sflag:s5] =	ssyncset.done $0x0  }
0x99: {  	[sflag:s5] =	ssyncadd.s32 $0xFFFFD880  }
0x9a: {  	[spmem:s21], [sflag:s23] =	dma.local [hbm:s19], $0x2780  }
0x9b: {  	_ =	swait.ge [sflag:s5], $0x2780  }
0x9c: {  	[sflag:s5] =	ssyncset.done $0x0  }
0x9d: {  	[sflag:s5] =	ssyncadd.s32 $0xFFFFD880  }
0x9e: {  	s0 =	simm.s32 $0x0;
	[bflag:$0x0] =	sbarrier.arrive $0xFFFF  }
0x9f: {  	[tilespmem:s6], [sflag:$0x1] =	stream.linear.gather [hbm4b:s4+s0], $0x80, $0x38;
	[tilespmem:$0x1BD00] =	vst v63  }
0xa0: {  	s12 =	rddreg [dreg:$0x7]  }
0xa1: {  	[tilespmem:s7], [sflag:$0x1] =	stream.linear.gather [hbm4b:s12+s0], $0x4000, $0x38;
	[tilespmem:$0x1BD00] =	vst v63  }
0xa2: {  	_ =	swait.ge [sflag:s8], $0x80  }
0xa3: {  	[sflag:s8] =	ssyncset.done $0x0  }
0xa4: {  	[sflag:s8] =	ssyncadd.s32 $0xFFFFFF80  }
0xa5: {  	_ =	swait.ge [sflag:s8], $0x4000  }
0xa6: {  	[sflag:s8] =	ssyncset.done $0x0  }
0xa7: {  	[sflag:s8] =	ssyncadd.s32 $0xFFFFC000  }
0xa8: {  	[tilespmem:s10], [sflag:$0x2] =	stream.linear.gather [hbm4b:s9+s0], $0x80, $0x38;
	[tilespmem:$0x1BD00] =	vst v63  }
0xa9: {  	s31 =	rddreg [dreg:$0xb]  }
0xaa: {  	[tilespmem:s11], [sflag:$0x2] =	stream.linear.gather [hbm4b:s31+s0], $0x4000, $0x38;
	[tilespmem:$0x1BD00] =	vst v63  }
0xab: {  	s29 =	smov.u32 s28;
	s12 =	smov.u32 s16;
	s30 =	rddreg [dreg:$0x15]  }
0xac: {  	[spmem:s1] =	stream.indirect.scatter.add.f32 [tilespmem:s7], [sflag:$0x3], $0x80, s6, s13, $0xb8;
	[tilespmem:$0x1BD00] =	vst v63  }
.LBB2_15:
0xad: {  	s0 =	sadd.s32 $0x1, s0  }
0xae: {  	s31 =	sand.u32 $0x1, s0  }
0xaf: {  	p1 =	seq.s32 s31, $0x1  }
0xb0: {  	s17 =	simm.s32 @!p1 $0x1  }
0xb1: {  	_ =	swait.ge @!p1 [sflag:s17], $0x80  }
0xb2: {  	[sflag:s17] =	ssyncset.done @!p1 $0x0  }
0xb3: {  	[sflag:s17] =	ssyncadd.s32 @!p1 $0xFFFFFF80  }
0xb4: {  	_ =	swait.ge @!p1 [sflag:s17], $0x4000  }
0xb5: {  	[sflag:s17] =	ssyncset.done @!p1 $0x0  }
0xb6: {  	[sflag:s17] =	ssyncadd.s32 @!p1 $0xFFFFC000;
	s17 =	simm.s32 @!p1 $0x4  }
0xb7: {  	_ =	swait.ge @!p1 [sflag:s17], $0x4000  }
0xb8: {  	[sflag:s17] =	ssyncset.done @!p1 $0x0  }
0xb9: {  	s18 =	simm.s32 @!p1 $0x13C80;
	[sflag:s17] =	ssyncadd.s32 @!p1 $0xFFFFC000;
	s17 =	simm.s32 @!p1 $0x0  }
0xba: {  	[tilespmem:s18], [sflag:$0x2] =	stream.linear.gather @!p1 [hbm4b:s12+s17], $0x80, $0x38;
	[tilespmem:$0x1BD00] =	vst v63  }
0xbb: {  	s22 =	simm.s32 @!p1 $0x13D00;
	s18 =	simm.s32 @!p1 $0x17D00  }
0xbc: {  	[tilespmem:s18], [sflag:$0x2] =	stream.linear.gather @!p1 [hbm4b:s30+s17], $0x4000, $0x38;
	[tilespmem:$0x1BD00] =	vst v63  }
0xbd: {  	p2 =	seq.s32 @!p1 s31, $0x0;
	s17 =	simm.s32 @!p1 $0x80;
	s18 =	simm.s32 @!p1 $0x13C00  }
0xbe: {  	[spmem:s1] =	stream.indirect.scatter.add.f32 @!p1 [tilespmem:s22], [sflag:$0x3], $0x80, s18, s17, $0xb8;
	[tilespmem:$0x1BD00] =	vst v63  }
0xbf: {  	p1 =	por p1, !p2  }
0xc0: {  	_ =	swait.ge @p1 [sflag:s14], $0x80  }
0xc1: {  	[sflag:s14] =	ssyncset.done @p1 $0x0  }
0xc2: {  	[sflag:s14] =	ssyncadd.s32 @p1 $0xFFFFFF80  }
0xc3: {  	_ =	swait.ge @p1 [sflag:s14], $0x4000  }
0xc4: {  	[sflag:s14] =	ssyncset.done @p1 $0x0  }
0xc5: {  	[sflag:s14] =	ssyncadd.s32 @p1 $0xFFFFC000  }
0xc6: {  	_ =	swait.ge @p1 [sflag:s3], $0x4000  }
0xc7: {  	[sflag:s3] =	ssyncset.done @p1 $0x0  }
0xc8: {  	[sflag:s3] =	ssyncadd.s32 @p1 $0xFFFFC000  }
0xc9: {  	[tilespmem:s6], [sflag:$0x1] =	stream.linear.gather @p1 [hbm4b:s12+s2], $0x80, $0x38;
	[tilespmem:$0x1BD00] =	vst v63  }
0xca: {  	_ = 	snop  }
0xcb: {  	[tilespmem:s7], [sflag:$0x1] =	stream.linear.gather @p1 [hbm4b:s30+s2], $0x4000, $0x38;
	[tilespmem:$0x1BD00] =	vst v63  }
0xcc: {  	_ = 	snop  }
0xcd: {  	[spmem:s1] =	stream.indirect.scatter.add.f32 @p1 [tilespmem:s11], [sflag:$0x4], $0x80, s10, s13, $0xb8;
	[tilespmem:$0x1BD00] =	vst v63  }
0xce: {  	p1 =	sne.s32 s26, s0  }
.Ltmp5:
0xcf: {  	_ = 	snop;
	(pc) =	sbr.rel @p1 .LBB2_15-.Ltmp5, $2  }
0xd0: {  	_ =	sdelay $0x2  }
0xd1: {  	s29 =	sadd.s32 $0x10, s29;
	s12 =	sadd.s32 $0x10, s12;
	s30 =	sadd.s32 $0x800, s30  }
0xd2: {  	s0 =	sadd.s32 $0x1, s0  }
0xd3: {  	s12 =	sand.u32 $0x1, s0  }
0xd4: {  	p1 =	seq.s32 s12, $0x1  }
0xd5: {  	s12 =	simm.s32 @!p1 $0x1  }
0xd6: {  	_ =	swait.ge @!p1 [sflag:s12], $0x80  }
0xd7: {  	[sflag:s12] =	ssyncset.done @!p1 $0x0  }
0xd8: {  	[sflag:s12] =	ssyncadd.s32 @!p1 $0xFFFFFF80  }
0xd9: {  	_ =	swait.ge @!p1 [sflag:s12], $0x4000  }
0xda: {  	[sflag:s12] =	ssyncset.done @!p1 $0x0  }
0xdb: {  	[sflag:s12] =	ssyncadd.s32 @!p1 $0xFFFFC000;
	s12 =	simm.s32 @!p1 $0x4  }
0xdc: {  	p2 =	sge.u32 @!p1 s0, s25;
	_ =	swait.ge @!p1 [sflag:s12], $0x4000  }
0xdd: {  	p2 =	por p2, p1;
	[sflag:s12] =	ssyncset.done @!p1 $0x0  }
0xde: {  	s17 =	simm.s32 @!p2 $0x13C80;
	[sflag:s12] =	ssyncadd.s32 @!p1 $0xFFFFC000;
	s12 =	simm.s32 @!p2 $0x0  }
0xdf: {  	[tilespmem:s17], [sflag:$0x2] =	stream.linear.gather @!p2 [hbm4b:s29+s12], $0x80, $0x38;
	[tilespmem:$0x1BD00] =	vst v63  }
0xe0: {  	s18 =	simm.s32 @!p1 $0x13D00;
	s17 =	simm.s32 @!p2 $0x17D00  }
0xe1: {  	[tilespmem:s17], [sflag:$0x2] =	stream.linear.gather @!p2 [hbm4b:s30+s12], $0x4000, $0x38;
	[tilespmem:$0x1BD00] =	vst v63  }
0xe2: {  	s12 =	simm.s32 @!p1 $0x80;
	s17 =	simm.s32 @!p1 $0x13C00;
	p2 =	sne.s32 @!p1 s31, $0x0  }
0xe3: {  	[spmem:s1] =	stream.indirect.scatter.add.f32 @!p1 [tilespmem:s18], [sflag:$0x3], $0x80, s17, s12, $0xb8;
	[tilespmem:$0x1BD00] =	vst v63  }
0xe4: {  	p1 =	por p1, !p2  }
.Ltmp6:
0xe5: {  	_ = 	snop;
	(pc) =	sbr.rel @!p1 .LBB2_18-.Ltmp6, $2  }
0xe6: {  	_ =	sdelay $0x2  }
0xe7: {  	s12 =	rddreg [dreg:$0xd]  }
0xe8: {  	_ =	swait.ge [sflag:s14], $0x80  }
0xe9: {  	[sflag:s14] =	ssyncset.done $0x0  }
0xea: {  	[sflag:s14] =	ssyncadd.s32 $0xFFFFFF80  }
0xeb: {  	_ =	swait.ge [sflag:s14], $0x4000  }
0xec: {  	[sflag:s14] =	ssyncset.done $0x0  }
0xed: {  	[sflag:s14] =	ssyncadd.s32 $0xFFFFC000  }
0xee: {  	_ =	swait.ge [sflag:s3], $0x4000  }
0xef: {  	p1 =	sge.u32 s0, s25;
	[sflag:s3] =	ssyncset.done $0x0  }
0xf0: {  	s0 =	simm.s32 @!p1 $0x0;
	s12 =	simm.s32 @!p1 $0x13C00;
	[sflag:s3] =	ssyncadd.s32 $0xFFFFC000  }
0xf1: {  	[tilespmem:s12], [sflag:$0x1] =	stream.linear.gather @!p1 [hbm4b:s29+s0], $0x80, $0x38;
	[tilespmem:$0x1BD00] =	vst v63  }
.Ltmp7:
0xf2: {  	_ = 	snop;
	(pc) =	sbr.rel .LBB2_18-.Ltmp7, $4  }
0xf3: {  	s12 =	simm.s32 @!p1 $0x13D00  }
0xf4: {  	[tilespmem:s12], [sflag:$0x1] =	stream.linear.gather @!p1 [hbm4b:s30+s0], $0x4000, $0x38;
	[tilespmem:$0x1BD00] =	vst v63  }
0xf5: {  	s12 =	rddreg [dreg:$0xd]  }
0xf6: {  	[spmem:s1] =	stream.indirect.scatter.add.f32 [tilespmem:s11], [sflag:$0x4], $0x80, s10, s13, $0xb8;
	[tilespmem:$0x1BD00] =	vst v63  }
.LBB2_2:
0xf7: {  	s12 =	rddreg [dreg:$0x4]  }
0xf8: {  	[tilespmem:s7], [sflag:$0x1] =	stream.linear.gather [hbm4b:s12+s0], $0x4000, $0x38;
	[tilespmem:$0x1BD00] =	vst v63  }
0xf9: {  	_ =	swait.ge [sflag:s8], $0x80  }
0xfa: {  	[sflag:s8] =	ssyncset.done $0x0  }
0xfb: {  	[sflag:s8] =	ssyncadd.s32 $0xFFFFFF80  }
0xfc: {  	_ =	swait.ge [sflag:s8], $0x4000  }
0xfd: {  	[sflag:s8] =	ssyncset.done $0x0  }
0xfe: {  	[sflag:s8] =	ssyncadd.s32 $0xFFFFC000  }
0xff: {  	[tilespmem:s10], [sflag:$0x2] =	stream.linear.gather [hbm4b:s9+s0], $0x80, $0x38;
	[tilespmem:$0x1BD00] =	vst v63  }
0x100: {  	s31 =	rddreg [dreg:$0x8]  }
0x101: {  	[tilespmem:s11], [sflag:$0x2] =	stream.linear.gather [hbm4b:s31+s0], $0x4000, $0x38;
	[tilespmem:$0x1BD00] =	vst v63  }
0x102: {  	s29 =	smov.u32 s28;
	s12 =	smov.u32 s16;
	s30 =	rddreg [dreg:$0x12]  }
0x103: {  	[spmem:s1] =	stream.indirect.scatter.add.f32 [tilespmem:s7], [sflag:$0x3], $0x80, s6, s13, $0xb8;
	[tilespmem:$0x1BD00] =	vst v63  }
.LBB2_3:
0x104: {  	s0 =	sadd.s32 $0x1, s0  }
0x105: {  	s31 =	sand.u32 $0x1, s0  }
0x106: {  	p1 =	seq.s32 s31, $0x1  }
0x107: {  	s17 =	simm.s32 @!p1 $0x1  }
0x108: {  	_ =	swait.ge @!p1 [sflag:s17], $0x80  }
0x109: {  	[sflag:s17] =	ssyncset.done @!p1 $0x0  }
0x10a: {  	[sflag:s17] =	ssyncadd.s32 @!p1 $0xFFFFFF80  }
0x10b: {  	_ =	swait.ge @!p1 [sflag:s17], $0x4000  }
0x10c: {  	[sflag:s17] =	ssyncset.done @!p1 $0x0  }
0x10d: {  	[sflag:s17] =	ssyncadd.s32 @!p1 $0xFFFFC000;
	s17 =	simm.s32 @!p1 $0x4  }
0x10e: {  	_ =	swait.ge @!p1 [sflag:s17], $0x4000  }
0x10f: {  	[sflag:s17] =	ssyncset.done @!p1 $0x0  }
0x110: {  	s18 =	simm.s32 @!p1 $0x13C80;
	[sflag:s17] =	ssyncadd.s32 @!p1 $0xFFFFC000;
	s17 =	simm.s32 @!p1 $0x0  }
0x111: {  	[tilespmem:s18], [sflag:$0x2] =	stream.linear.gather @!p1 [hbm4b:s12+s17], $0x80, $0x38;
	[tilespmem:$0x1BD00] =	vst v63  }
0x112: {  	s22 =	simm.s32 @!p1 $0x13D00;
	s18 =	simm.s32 @!p1 $0x17D00  }
0x113: {  	[tilespmem:s18], [sflag:$0x2] =	stream.linear.gather @!p1 [hbm4b:s30+s17], $0x4000, $0x38;
	[tilespmem:$0x1BD00] =	vst v63  }
0x114: {  	p2 =	seq.s32 @!p1 s31, $0x0;
	s17 =	simm.s32 @!p1 $0x80;
	s18 =	simm.s32 @!p1 $0x13C00  }
0x115: {  	[spmem:s1] =	stream.indirect.scatter.add.f32 @!p1 [tilespmem:s22], [sflag:$0x3], $0x80, s18, s17, $0xb8;
	[tilespmem:$0x1BD00] =	vst v63  }
0x116: {  	p1 =	por p1, !p2  }
0x117: {  	_ =	swait.ge @p1 [sflag:s14], $0x80  }
0x118: {  	[sflag:s14] =	ssyncset.done @p1 $0x0  }
0x119: {  	[sflag:s14] =	ssyncadd.s32 @p1 $0xFFFFFF80  }
0x11a: {  	_ =	swait.ge @p1 [sflag:s14], $0x4000  }
0x11b: {  	[sflag:s14] =	ssyncset.done @p1 $0x0  }
0x11c: {  	[sflag:s14] =	ssyncadd.s32 @p1 $0xFFFFC000  }
0x11d: {  	_ =	swait.ge @p1 [sflag:s3], $0x4000  }
0x11e: {  	[sflag:s3] =	ssyncset.done @p1 $0x0  }
0x11f: {  	[sflag:s3] =	ssyncadd.s32 @p1 $0xFFFFC000  }
0x120: {  	[tilespmem:s6], [sflag:$0x1] =	stream.linear.gather @p1 [hbm4b:s12+s2], $0x80, $0x38;
	[tilespmem:$0x1BD00] =	vst v63  }
0x121: {  	_ = 	snop  }
0x122: {  	[tilespmem:s7], [sflag:$0x1] =	stream.linear.gather @p1 [hbm4b:s30+s2], $0x4000, $0x38;
	[tilespmem:$0x1BD00] =	vst v63  }
0x123: {  	_ = 	snop  }
0x124: {  	[spmem:s1] =	stream.indirect.scatter.add.f32 @p1 [tilespmem:s11], [sflag:$0x4], $0x80, s10, s13, $0xb8;
	[tilespmem:$0x1BD00] =	vst v63  }
0x125: {  	p1 =	sne.s32 s26, s0  }
.Ltmp8:
0x126: {  	_ = 	snop;
	(pc) =	sbr.rel @p1 .LBB2_3-.Ltmp8, $2  }
0x127: {  	_ =	sdelay $0x2  }
0x128: {  	s29 =	sadd.s32 $0x10, s29;
	s12 =	sadd.s32 $0x10, s12;
	s30 =	sadd.s32 $0x800, s30  }
0x129: {  	s0 =	sadd.s32 $0x1, s0  }
0x12a: {  	s12 =	sand.u32 $0x1, s0  }
0x12b: {  	p1 =	seq.s32 s12, $0x1  }
0x12c: {  	s12 =	simm.s32 @!p1 $0x1  }
0x12d: {  	_ =	swait.ge @!p1 [sflag:s12], $0x80  }
0x12e: {  	[sflag:s12] =	ssyncset.done @!p1 $0x0  }
0x12f: {  	[sflag:s12] =	ssyncadd.s32 @!p1 $0xFFFFFF80  }
0x130: {  	_ =	swait.ge @!p1 [sflag:s12], $0x4000  }
0x131: {  	[sflag:s12] =	ssyncset.done @!p1 $0x0  }
0x132: {  	[sflag:s12] =	ssyncadd.s32 @!p1 $0xFFFFC000;
	s12 =	simm.s32 @!p1 $0x4  }
0x133: {  	p2 =	sge.u32 @!p1 s0, s25;
	_ =	swait.ge @!p1 [sflag:s12], $0x4000  }
0x134: {  	p2 =	por p2, p1;
	[sflag:s12] =	ssyncset.done @!p1 $0x0  }
0x135: {  	s17 =	simm.s32 @!p2 $0x13C80;
	[sflag:s12] =	ssyncadd.s32 @!p1 $0xFFFFC000;
	s12 =	simm.s32 @!p2 $0x0  }
0x136: {  	[tilespmem:s17], [sflag:$0x2] =	stream.linear.gather @!p2 [hbm4b:s29+s12], $0x80, $0x38;
	[tilespmem:$0x1BD00] =	vst v63  }
0x137: {  	s18 =	simm.s32 @!p1 $0x13D00;
	s17 =	simm.s32 @!p2 $0x17D00  }
0x138: {  	[tilespmem:s17], [sflag:$0x2] =	stream.linear.gather @!p2 [hbm4b:s30+s12], $0x4000, $0x38;
	[tilespmem:$0x1BD00] =	vst v63  }
0x139: {  	s12 =	simm.s32 @!p1 $0x80;
	s17 =	simm.s32 @!p1 $0x13C00;
	p2 =	sne.s32 @!p1 s31, $0x0  }
0x13a: {  	[spmem:s1] =	stream.indirect.scatter.add.f32 @!p1 [tilespmem:s18], [sflag:$0x3], $0x80, s17, s12, $0xb8;
	[tilespmem:$0x1BD00] =	vst v63  }
0x13b: {  	p1 =	por p1, !p2  }
.Ltmp9:
0x13c: {  	_ = 	snop;
	(pc) =	sbr.rel @!p1 .LBB2_6-.Ltmp9, $1  }
0x13d: {  	_ =	sdelay $0x3  }
0x13e: {  	_ =	swait.ge [sflag:s14], $0x80  }
0x13f: {  	[sflag:s14] =	ssyncset.done $0x0  }
0x140: {  	[sflag:s14] =	ssyncadd.s32 $0xFFFFFF80  }
0x141: {  	_ =	swait.ge [sflag:s14], $0x4000  }
0x142: {  	[sflag:s14] =	ssyncset.done $0x0  }
0x143: {  	[sflag:s14] =	ssyncadd.s32 $0xFFFFC000  }
0x144: {  	_ =	swait.ge [sflag:s3], $0x4000  }
0x145: {  	p1 =	sge.u32 s0, s25;
	[sflag:s3] =	ssyncset.done $0x0  }
0x146: {  	s0 =	simm.s32 @!p1 $0x0;
	s12 =	simm.s32 @!p1 $0x13C00;
	[sflag:s3] =	ssyncadd.s32 $0xFFFFC000  }
0x147: {  	[tilespmem:s12], [sflag:$0x1] =	stream.linear.gather @!p1 [hbm4b:s29+s0], $0x80, $0x38;
	[tilespmem:$0x1BD00] =	vst v63  }
0x148: {  	s12 =	simm.s32 @!p1 $0x13D00  }
0x149: {  	[tilespmem:s12], [sflag:$0x1] =	stream.linear.gather @!p1 [hbm4b:s30+s0], $0x4000, $0x38;
	[tilespmem:$0x1BD00] =	vst v63  }
0x14a: {  	_ = 	snop  }
0x14b: {  	[spmem:s1] =	stream.indirect.scatter.add.f32 [tilespmem:s11], [sflag:$0x4], $0x80, s10, s13, $0xb8;
	[tilespmem:$0x1BD00] =	vst v63  }
.LBB2_6:
0x14c: {  	_ =	swait.ge [sflag:s24], $0x4000  }
0x14d: {  	[sflag:s24] =	ssyncset.done $0x0  }
0x14e: {  	[sflag:s24] =	ssyncadd.s32 $0xFFFFC000  }
0x14f: {  	[bflag:$0x0] =	sbarrier.arrive $0xFFFF  }
0x150: {  	s0 =	rddreg [dreg:$0xf]  }
0x151: {  	[hbm:s0], [sflag:s23] =	dma.local [spmem:s21], $0x2780  }
0x152: {  	_ =	swait.ge [sflag:s5], $0x2780  }
0x153: {  	[sflag:s5] =	ssyncset.done $0x0  }
0x154: {  	[sflag:s5] =	ssyncadd.s32 $0xFFFFD880  }
0x155: {  	[spmem:s21], [sflag:s23] =	dma.local [hbm:s19], $0x2780  }
0x156: {  	_ =	swait.ge [sflag:s5], $0x2780  }
0x157: {  	[sflag:s5] =	ssyncset.done $0x0  }
0x158: {  	[sflag:s5] =	ssyncadd.s32 $0xFFFFD880  }
0x159: {  	s0 =	simm.s32 $0x0;
	[bflag:$0x0] =	sbarrier.arrive $0xFFFF  }
0x15a: {  	[tilespmem:s6], [sflag:$0x1] =	stream.linear.gather [hbm4b:s4+s0], $0x80, $0x38;
	[tilespmem:$0x1BD00] =	vst v63  }
0x15b: {  	s12 =	rddreg [dreg:$0x5]  }
0x15c: {  	[tilespmem:s7], [sflag:$0x1] =	stream.linear.gather [hbm4b:s12+s0], $0x4000, $0x38;
	[tilespmem:$0x1BD00] =	vst v63  }
0x15d: {  	_ =	swait.ge [sflag:s8], $0x80  }
0x15e: {  	[sflag:s8] =	ssyncset.done $0x0  }
0x15f: {  	[sflag:s8] =	ssyncadd.s32 $0xFFFFFF80  }
0x160: {  	_ =	swait.ge [sflag:s8], $0x4000  }
0x161: {  	[sflag:s8] =	ssyncset.done $0x0  }
0x162: {  	[sflag:s8] =	ssyncadd.s32 $0xFFFFC000  }
0x163: {  	[tilespmem:s10], [sflag:$0x2] =	stream.linear.gather [hbm4b:s9+s0], $0x80, $0x38;
	[tilespmem:$0x1BD00] =	vst v63  }
0x164: {  	s31 =	rddreg [dreg:$0x9]  }
0x165: {  	[tilespmem:s11], [sflag:$0x2] =	stream.linear.gather [hbm4b:s31+s0], $0x4000, $0x38;
	[tilespmem:$0x1BD00] =	vst v63  }
0x166: {  	s29 =	smov.u32 s28;
	s12 =	smov.u32 s16;
	s30 =	rddreg [dreg:$0x13]  }
0x167: {  	[spmem:s1] =	stream.indirect.scatter.add.f32 [tilespmem:s7], [sflag:$0x3], $0x80, s6, s13, $0xb8;
	[tilespmem:$0x1BD00] =	vst v63  }
.LBB2_7:
0x168: {  	s0 =	sadd.s32 $0x1, s0  }
0x169: {  	s31 =	sand.u32 $0x1, s0  }
0x16a: {  	p1 =	seq.s32 s31, $0x1  }
0x16b: {  	s17 =	simm.s32 @!p1 $0x1  }
0x16c: {  	_ =	swait.ge @!p1 [sflag:s17], $0x80  }
0x16d: {  	[sflag:s17] =	ssyncset.done @!p1 $0x0  }
0x16e: {  	[sflag:s17] =	ssyncadd.s32 @!p1 $0xFFFFFF80  }
0x16f: {  	_ =	swait.ge @!p1 [sflag:s17], $0x4000  }
0x170: {  	[sflag:s17] =	ssyncset.done @!p1 $0x0  }
0x171: {  	[sflag:s17] =	ssyncadd.s32 @!p1 $0xFFFFC000;
	s17 =	simm.s32 @!p1 $0x4  }
0x172: {  	_ =	swait.ge @!p1 [sflag:s17], $0x4000  }
0x173: {  	[sflag:s17] =	ssyncset.done @!p1 $0x0  }
0x174: {  	s18 =	simm.s32 @!p1 $0x13C80;
	[sflag:s17] =	ssyncadd.s32 @!p1 $0xFFFFC000;
	s17 =	simm.s32 @!p1 $0x0  }
0x175: {  	[tilespmem:s18], [sflag:$0x2] =	stream.linear.gather @!p1 [hbm4b:s12+s17], $0x80, $0x38;
	[tilespmem:$0x1BD00] =	vst v63  }
0x176: {  	s22 =	simm.s32 @!p1 $0x13D00;
	s18 =	simm.s32 @!p1 $0x17D00  }
0x177: {  	[tilespmem:s18], [sflag:$0x2] =	stream.linear.gather @!p1 [hbm4b:s30+s17], $0x4000, $0x38;
	[tilespmem:$0x1BD00] =	vst v63  }
0x178: {  	p2 =	seq.s32 @!p1 s31, $0x0;
	s17 =	simm.s32 @!p1 $0x80;
	s18 =	simm.s32 @!p1 $0x13C00  }
0x179: {  	[spmem:s1] =	stream.indirect.scatter.add.f32 @!p1 [tilespmem:s22], [sflag:$0x3], $0x80, s18, s17, $0xb8;
	[tilespmem:$0x1BD00] =	vst v63  }
0x17a: {  	p1 =	por p1, !p2  }
0x17b: {  	_ =	swait.ge @p1 [sflag:s14], $0x80  }
0x17c: {  	[sflag:s14] =	ssyncset.done @p1 $0x0  }
0x17d: {  	[sflag:s14] =	ssyncadd.s32 @p1 $0xFFFFFF80  }
0x17e: {  	_ =	swait.ge @p1 [sflag:s14], $0x4000  }
0x17f: {  	[sflag:s14] =	ssyncset.done @p1 $0x0  }
0x180: {  	[sflag:s14] =	ssyncadd.s32 @p1 $0xFFFFC000  }
0x181: {  	_ =	swait.ge @p1 [sflag:s3], $0x4000  }
0x182: {  	[sflag:s3] =	ssyncset.done @p1 $0x0  }
0x183: {  	[sflag:s3] =	ssyncadd.s32 @p1 $0xFFFFC000  }
0x184: {  	[tilespmem:s6], [sflag:$0x1] =	stream.linear.gather @p1 [hbm4b:s12+s2], $0x80, $0x38;
	[tilespmem:$0x1BD00] =	vst v63  }
0x185: {  	_ = 	snop  }
0x186: {  	[tilespmem:s7], [sflag:$0x1] =	stream.linear.gather @p1 [hbm4b:s30+s2], $0x4000, $0x38;
	[tilespmem:$0x1BD00] =	vst v63  }
0x187: {  	_ = 	snop  }
0x188: {  	[spmem:s1] =	stream.indirect.scatter.add.f32 @p1 [tilespmem:s11], [sflag:$0x4], $0x80, s10, s13, $0xb8;
	[tilespmem:$0x1BD00] =	vst v63  }
0x189: {  	p1 =	seq.s32 s26, s0  }
.Ltmp10:
0x18a: {  	_ = 	snop;
	(pc) =	sbr.rel @!p1 .LBB2_7-.Ltmp10, $2  }
0x18b: {  	_ =	sdelay $0x2  }
0x18c: {  	s29 =	sadd.s32 $0x10, s29;
	s12 =	sadd.s32 $0x10, s12;
	s30 =	sadd.s32 $0x800, s30  }
0x18d: {  	s0 =	sadd.s32 $0x1, s0  }
0x18e: {  	s12 =	sand.u32 $0x1, s0  }
0x18f: {  	p1 =	seq.s32 s12, $0x1  }
0x190: {  	s12 =	simm.s32 @!p1 $0x1  }
0x191: {  	_ =	swait.ge @!p1 [sflag:s12], $0x80  }
0x192: {  	[sflag:s12] =	ssyncset.done @!p1 $0x0  }
0x193: {  	[sflag:s12] =	ssyncadd.s32 @!p1 $0xFFFFFF80  }
0x194: {  	_ =	swait.ge @!p1 [sflag:s12], $0x4000  }
0x195: {  	[sflag:s12] =	ssyncset.done @!p1 $0x0  }
0x196: {  	[sflag:s12] =	ssyncadd.s32 @!p1 $0xFFFFC000;
	s12 =	simm.s32 @!p1 $0x4  }
0x197: {  	p2 =	sge.u32 @!p1 s0, s25;
	_ =	swait.ge @!p1 [sflag:s12], $0x4000  }
0x198: {  	p2 =	por p2, p1;
	[sflag:s12] =	ssyncset.done @!p1 $0x0  }
0x199: {  	s17 =	simm.s32 @!p2 $0x13C80;
	[sflag:s12] =	ssyncadd.s32 @!p1 $0xFFFFC000;
	s12 =	simm.s32 @!p2 $0x0  }
0x19a: {  	[tilespmem:s17], [sflag:$0x2] =	stream.linear.gather @!p2 [hbm4b:s29+s12], $0x80, $0x38;
	[tilespmem:$0x1BD00] =	vst v63  }
0x19b: {  	s18 =	simm.s32 @!p1 $0x13D00;
	s17 =	simm.s32 @!p2 $0x17D00  }
0x19c: {  	[tilespmem:s17], [sflag:$0x2] =	stream.linear.gather @!p2 [hbm4b:s30+s12], $0x4000, $0x38;
	[tilespmem:$0x1BD00] =	vst v63  }
0x19d: {  	s12 =	simm.s32 @!p1 $0x80;
	s17 =	simm.s32 @!p1 $0x13C00;
	p2 =	sne.s32 @!p1 s31, $0x0  }
0x19e: {  	[spmem:s1] =	stream.indirect.scatter.add.f32 @!p1 [tilespmem:s18], [sflag:$0x3], $0x80, s17, s12, $0xb8;
	[tilespmem:$0x1BD00] =	vst v63  }
0x19f: {  	p1 =	por p1, !p2  }
.Ltmp11:
0x1a0: {  	_ = 	snop;
	(pc) =	sbr.rel @!p1 .LBB2_18-.Ltmp11, $2  }
0x1a1: {  	_ =	sdelay $0x2  }
0x1a2: {  	s12 =	rddreg [dreg:$0xc]  }
0x1a3: {  	_ =	swait.ge [sflag:s14], $0x80  }
0x1a4: {  	[sflag:s14] =	ssyncset.done $0x0  }
0x1a5: {  	[sflag:s14] =	ssyncadd.s32 $0xFFFFFF80  }
0x1a6: {  	_ =	swait.ge [sflag:s14], $0x4000  }
0x1a7: {  	[sflag:s14] =	ssyncset.done $0x0  }
0x1a8: {  	[sflag:s14] =	ssyncadd.s32 $0xFFFFC000  }
0x1a9: {  	_ =	swait.ge [sflag:s3], $0x4000  }
0x1aa: {  	p1 =	sge.u32 s0, s25;
	[sflag:s3] =	ssyncset.done $0x0  }
0x1ab: {  	s0 =	simm.s32 @!p1 $0x0;
	s12 =	simm.s32 @!p1 $0x13C00;
	[sflag:s3] =	ssyncadd.s32 $0xFFFFC000  }
0x1ac: {  	[tilespmem:s12], [sflag:$0x1] =	stream.linear.gather @!p1 [hbm4b:s29+s0], $0x80, $0x38;
	[tilespmem:$0x1BD00] =	vst v63  }
.Ltmp12:
0x1ad: {  	_ = 	snop;
	(pc) =	sbr.rel .LBB2_18-.Ltmp12, $4  }
0x1ae: {  	s12 =	simm.s32 @!p1 $0x13D00  }
0x1af: {  	[tilespmem:s12], [sflag:$0x1] =	stream.linear.gather @!p1 [hbm4b:s30+s0], $0x4000, $0x38;
	[tilespmem:$0x1BD00] =	vst v63  }
0x1b0: {  	s12 =	rddreg [dreg:$0xc]  }
0x1b1: {  	[spmem:s1] =	stream.indirect.scatter.add.f32 [tilespmem:s11], [sflag:$0x4], $0x80, s10, s13, $0xb8;
	[tilespmem:$0x1BD00] =	vst v63  }
.LBB2_19:
0x1b2: {  	_ =	sfence.sel $0x180000  }
0x1b3: {  	[bflag:$0x0] =	sbarrier.arrive $0xFFFF  }
0x1b4: {  	_ =	strace $0x9000004A  }
0x1b5: {  	s0 =	stileid.u32;
	[bflag:$0x2] =	sbarrier.arrive $0xFFFF  }
0x1b6: {  	p0 =	sne.s32 s0, $0x0;
	s0 =	rddreg [dreg:$0x3]  }
0x1b7: {  	s0 =	sadd.s32 @!p0 $0x100000, s0  }
0x1b8: {  	[sflag:s0] =	ssyncadd.tile.s32 @!p0 $0x1;
	_ =	shalt  }
.Lfunc_end2:
_tile_overlayer_lowered:
.L_overlay_start_2:
0x1b9: {  	(tag) =	ssettag $0x2  }
0x1ba: {  	s0 =	rddreg [dreg:$0x0];
	s2 =	stileid.u32  }
0x1bb: {  	s1 =	rddreg [dreg:$0x1];
	p0 =	sne.s32 s2, $0x0  }
0x1bc: {  	s3 =	rddreg [dreg:$0x2];
	[bflag:$0x3] =	sbarrier.arrive $0xFFFF;
	s2 =	simm.s32 @!p0 $0x1C05  }
0x1bd: {  	[timem:s3], [sflag:s2] =	dma.local @!p0 [hbm:s0], s1  }
0x1be: {  	s0 =	simm.s32 @!p0 $0x5  }
0x1bf: {  	_ =	swait.ge @!p0 [sflag:s0], s1  }
0x1c0: {  	s1 =	ssub.s32 @!p0 $0x0, s1;
	[sflag:s0] =	ssyncset.done @!p0 $0x0  }
0x1c1: {  	[sflag:s0] =	ssyncadd.s32 @!p0 s1  }
0x1c2: {  	[bflag:$0x3] =	sbarrier.arrive $0xFFFF  }
0x1c3: {  	_ =	shalt  }

</sc_bundles>
